<compile_context>
chip_gen: v7x
topology: tpu7x:2x2x1
jax: 0.10.2.dev20260603
libtpu: 0.0.44.dev20260713+nightly
codegen_flags: <defaults>
</compile_context>

<pallas_src>
import functools

import jax
import jax.numpy as jnp
from jax import lax
from jax.experimental import pallas as pl
from jax.experimental.pallas import tpu as pltpu
from jax.experimental.pallas import tpu_sc as plsc

CH = 125
NP = 2
HALF = 128


DEGW = 128


def _sc_degree(dst_a, dst_b, zeros_w, ones_w, n_pad):
    ncd = dst_a.shape[1]
    rpt = n_pad // 16
    mesh = plsc.VectorSubcoreMesh(core_axis_name="c", subcore_axis_name="s", num_cores=2, num_subcores=16)

    @functools.partial(
        pl.kernel, mesh=mesh,
        out_type=[jax.ShapeDtypeStruct((n_pad, DEGW), jnp.float32),
                  jax.ShapeDtypeStruct((n_pad, DEGW), jnp.float32)],
        scratch_types=[
            pltpu.VMEM((ncd, CH), jnp.int32),
            pltpu.VMEM((CH, DEGW), jnp.float32),
            pltpu.VMEM_SHARED((n_pad, DEGW), jnp.float32),
        ],
    )
    def deg_kernel(dsta_hbm, dstb_hbm, zero_hbm, one_hbm, d0_hbm, d1_hbm,
                   idx_v, ones_v, acc):
        c = lax.axis_index("c")
        s = lax.axis_index("s")
        base = s * rpt
        pltpu.sync_copy(one_hbm, ones_v)
        pltpu.sync_copy(zero_hbm.at[pl.ds(base, rpt)], acc.at[pl.ds(base, rpt)])
        plsc.subcore_barrier()

        def run(dst_hbm, out_hbm):
            pltpu.sync_copy(dst_hbm.at[s], idx_v)

            def body(j, carry):
                pltpu.sync_copy(ones_v, acc.at[idx_v.at[j]], add=True)
                return carry

            lax.fori_loop(0, ncd, body, 0)
            plsc.subcore_barrier()
            pltpu.sync_copy(acc.at[pl.ds(base, rpt)],
                            out_hbm.at[pl.ds(base, rpt)])

        @pl.when(c == 0)
        def _():
            run(dsta_hbm, d0_hbm)

        @pl.when(c == 1)
        def _():
            run(dstb_hbm, d1_hbm)

    return deg_kernel(dst_a, dst_b, zeros_w, ones_w)


def _sc_scatter(ua, ub, srcp, dstp, n_pad):
    nc2 = srcp[0].shape[1]
    rpt = n_pad // 16
    mesh = plsc.VectorSubcoreMesh(core_axis_name="c", subcore_axis_name="s", num_cores=2, num_subcores=16)

    @functools.partial(
        pl.kernel, mesh=mesh,
        out_type=[jax.ShapeDtypeStruct((n_pad, HALF), jnp.float32),
                  jax.ShapeDtypeStruct((n_pad, HALF), jnp.float32)],
        scratch_types=[
            pltpu.VMEM((nc2, CH), jnp.int32),
            pltpu.VMEM((nc2, CH), jnp.int32),
            pltpu.VMEM((CH, HALF), jnp.float32),
            pltpu.VMEM((CH, HALF), jnp.float32),
            pltpu.VMEM_SHARED((n_pad, HALF), jnp.float32),
            pltpu.SemaphoreType.DMA,
            pltpu.SemaphoreType.DMA,
        ],
    )
    def scat_kernel(ua_hbm, ub_hbm, s0_hbm, s1_hbm, d0_hbm, d1_hbm,
                    sa_hbm, sb_hbm,
                    isrc, idst, rows0, rows1, acc, sem0, sem1):
        c = lax.axis_index("c")
        s = lax.axis_index("s")
        base = s * rpt
        sp_hbm = (s0_hbm, s1_hbm)
        dp_hbm = (d0_hbm, d1_hbm)

        def run(u_hbm, out_hbm):
            pltpu.sync_copy(u_hbm.at[pl.ds(base, rpt)],
                            acc.at[pl.ds(base, rpt)])
            plsc.subcore_barrier()

            for p in range(NP):
                pltpu.sync_copy(sp_hbm[p].at[s], isrc)
                pltpu.sync_copy(dp_hbm[p].at[s], idst)

                pltpu.async_copy(u_hbm.at[isrc.at[0]], rows0, sem0)

                def body(j, carry):
                    e0 = 2 * j
                    h1 = pltpu.async_copy(u_hbm.at[isrc.at[e0 + 1]], rows1,
                                          sem1)
                    pltpu.make_async_copy(u_hbm.at[isrc.at[e0]], rows0,
                                          sem0).wait()
                    pltpu.sync_copy(rows0, acc.at[idst.at[e0]], add=True)

                    @pl.when(j < nc2 // 2 - 1)
                    def _():
                        pltpu.async_copy(u_hbm.at[isrc.at[e0 + 2]], rows0,
                                         sem0)

                    h1.wait()
                    pltpu.sync_copy(rows1, acc.at[idst.at[e0 + 1]], add=True)
                    return carry

                lax.fori_loop(0, nc2 // 2, body, 0)

            plsc.subcore_barrier()
            pltpu.sync_copy(acc.at[pl.ds(base, rpt)],
                            out_hbm.at[pl.ds(base, rpt)])

        @pl.when(c == 0)
        def _():
            run(ua_hbm, sa_hbm)

        @pl.when(c == 1)
        def _():
            run(ub_hbm, sb_hbm)

    return scat_kernel(ua, ub, srcp[0], srcp[1], dstp[0], dstp[1])


def _tc_scale_x(x_p, d0, d1, n, n_pad, nin, blk):

    def body(x_ref, d0_ref, d1_ref, ua_ref, ub_ref, dv_ref):
        deg = d0_ref[:, :1] + d1_ref[:, :1] + 1.0
        dv = lax.rsqrt(jnp.maximum(deg, 1e-12))
        u = x_ref[...] * dv
        ua_ref[...] = u[:, :HALF]
        ub_ref[...] = u[:, HALF:]
        dv_ref[...] = dv

    grid = (n // blk,)
    return pl.pallas_call(
        body,
        grid=grid,
        in_specs=[
            pl.BlockSpec((blk, nin), lambda i: (i, 0)),
            pl.BlockSpec((blk, DEGW), lambda i: (i, 0)),
            pl.BlockSpec((blk, DEGW), lambda i: (i, 0)),
        ],
        out_specs=[
            pl.BlockSpec((blk, HALF), lambda i: (i, 0)),
            pl.BlockSpec((blk, HALF), lambda i: (i, 0)),
            pl.BlockSpec((blk, 1), lambda i: (i, 0)),
        ],
        out_shape=[
            jax.ShapeDtypeStruct((n_pad, HALF), jnp.float32),
            jax.ShapeDtypeStruct((n_pad, HALF), jnp.float32),
            jax.ShapeDtypeStruct((n_pad, 1), jnp.float32),
        ],
    )(x_p, d0, d1)


def _tc_mlp(sa, sb, dinv, W1, b1r, W2, n, n_pad, nin, hid, nout, blk):

    def body(sa_ref, sb_ref, dv_ref, w1_ref, b1_ref, w2_ref, ua_ref, ub_ref):
        dv = dv_ref[...]
        ya = sa_ref[...] * dv
        yb = sb_ref[...] * dv
        h = jnp.dot(ya, w1_ref[:HALF, :], preferred_element_type=jnp.float32)
        h = h + jnp.dot(yb, w1_ref[HALF:, :],
                        preferred_element_type=jnp.float32)
        h = jnp.maximum(h + b1_ref[...], 0.0)
        g = jnp.dot(h, w2_ref[...], preferred_element_type=jnp.float32)
        u2 = g * dv
        ua_ref[...] = u2[:, :HALF]
        ub_ref[...] = u2[:, HALF:]

    grid = (n // blk,)
    return pl.pallas_call(
        body,
        grid=grid,
        in_specs=[
            pl.BlockSpec((blk, HALF), lambda i: (i, 0)),
            pl.BlockSpec((blk, HALF), lambda i: (i, 0)),
            pl.BlockSpec((blk, 1), lambda i: (i, 0)),
            pl.BlockSpec((nin, hid), lambda i: (0, 0)),
            pl.BlockSpec((1, hid), lambda i: (0, 0)),
            pl.BlockSpec((hid, nout), lambda i: (0, 0)),
        ],
        out_specs=[
            pl.BlockSpec((blk, HALF), lambda i: (i, 0)),
            pl.BlockSpec((blk, HALF), lambda i: (i, 0)),
        ],
        out_shape=[
            jax.ShapeDtypeStruct((n_pad, HALF), jnp.float32),
            jax.ShapeDtypeStruct((n_pad, HALF), jnp.float32),
        ],
    )(sa, sb, dinv, W1, b1r, W2)


def _tc_finish(sa, sb, dinv, b2r, n, nout, blk):

    def body(sa_ref, sb_ref, dv_ref, b2_ref, z_ref):
        dv = dv_ref[...]
        z = jnp.concatenate([sa_ref[...] * dv, sb_ref[...] * dv], axis=1)
        z_ref[...] = z + b2_ref[...]

    grid = (n // blk,)
    return pl.pallas_call(
        body,
        grid=grid,
        in_specs=[
            pl.BlockSpec((blk, HALF), lambda i: (i, 0)),
            pl.BlockSpec((blk, HALF), lambda i: (i, 0)),
            pl.BlockSpec((blk, 1), lambda i: (i, 0)),
            pl.BlockSpec((1, nout), lambda i: (0, 0)),
        ],
        out_specs=pl.BlockSpec((blk, nout), lambda i: (i, 0)),
        out_shape=jax.ShapeDtypeStruct((n, nout), jnp.float32),
    )(sa, sb, dinv, b2r)


def kernel(x, edge_index, W1, b1, W2, b2):
    n, nin = x.shape
    hid = W1.shape[1]
    nout = W2.shape[1]
    e = edge_index.shape[1]

    n_pad = ((n + 1023) // 1024) * 1024
    blk = 1
    for cand in (2048, 2000, 1024, 1000, 512, 500, 256, 200, 128, 100, 8):
        if n % cand == 0 and cand % 8 == 0:
            blk = cand
            break
    assert blk > 1, "n has no row-block divisor that is a multiple of 8"

    src = edge_index[0]
    dst = edge_index[1]
    ew = 64 * CH
    e_pad = ((e + ew - 1) // ew) * ew
    if e_pad != e:
        src = jnp.concatenate(
            [src, jnp.zeros((e_pad - e,), jnp.int32)])
        dst = jnp.concatenate(
            [dst, jnp.full((e_pad - e,), n_pad - 1, jnp.int32)])
    src16 = src.reshape(16, -1, CH)
    dst16 = dst.reshape(16, -1, CH)
    nc = src16.shape[1]
    nc2 = nc // NP
    srcp = [src16[:, p * nc2:(p + 1) * nc2] for p in range(NP)]
    dstp = [dst16[:, p * nc2:(p + 1) * nc2] for p in range(NP)]
    ncd = nc // 2
    dst_a = dst16[:, :ncd]
    dst_b = dst16[:, ncd:]

    zeros_w = jnp.zeros((n_pad, DEGW), jnp.float32)
    ones_w = jnp.ones((CH, DEGW), jnp.float32)

    d0, d1 = _sc_degree(dst_a, dst_b, zeros_w, ones_w, n_pad)

    ua, ub, dinv = _tc_scale_x(x, d0, d1, n, n_pad, nin, blk)
    s1a, s1b = _sc_scatter(ua, ub, srcp, dstp, n_pad)
    u2a, u2b = _tc_mlp(s1a, s1b, dinv, W1, b1.reshape(1, hid), W2,
                       n, n_pad, nin, hid, nout, blk)
    s2a, s2b = _sc_scatter(u2a, u2b, srcp, dstp, n_pad)
    return _tc_finish(s2a, s2b, dinv, b2.reshape(1, nout), n, nout, blk)

# --- scband reference (transcript-rebuilt; emitter-appended) ---
"""Pipeline reference for scband-gae-67714454389428 (READ-ONLY COPY).

The authoritative reference and input builder live on the scoring server;
editing this copy changes nothing except your own understanding.
"""

import jax, jax.numpy as jnp
import numpy as np

N = 10000
E = 160000
IN = 256
HID = 512
OUT = 256


def setup_inputs(seed: int = 0) -> dict:
    key = jax.random.key(seed)
    k1, k2, k3, k4 = jax.random.split(key, 4)
    x = jax.random.normal(k1, (N, IN), dtype=jnp.float32)
    edge_index = jax.random.randint(k2, (2, E), 0, N, dtype=jnp.int32)
    s1 = (6.0 / (IN + HID)) ** 0.5
    s2 = (6.0 / (HID + OUT)) ** 0.5
    W1 = jax.random.uniform(k3, (IN, HID), dtype=jnp.float32, minval=-s1, maxval=s1)
    b1 = jnp.zeros((HID,), dtype=jnp.float32)
    W2 = jax.random.uniform(k4, (HID, OUT), dtype=jnp.float32, minval=-s2, maxval=s2)
    b2 = jnp.zeros((OUT,), dtype=jnp.float32)
    return {"x": x, "edge_index": edge_index, "W1": W1, "b1": b1, "W2": W2, "b2": b2}


def _gcn_conv(x, edge_index, W, b):
    # GCNConv: out = D^{-1/2} (A + I) D^{-1/2} X W + b
    n = x.shape[0]
    src = edge_index[0]
    dst = edge_index[1]
    loop = jnp.arange(n, dtype=src.dtype)
    src = jnp.concatenate([src, loop])
    dst = jnp.concatenate([dst, loop])
    deg = jnp.zeros((n,), dtype=x.dtype).at[dst].add(1.0)
    dinv = jax.lax.rsqrt(jnp.maximum(deg, 1e-12))
    norm = dinv[src] * dinv[dst]
    h = x @ W
    msg = jnp.take(h, src, axis=0) * norm[:, None]
    out = jnp.zeros((n, W.shape[1]), dtype=x.dtype).at[dst].add(msg)
    return out + b


def reference(x, edge_index, W1, b1, W2, b2):
    h = jax.nn.relu(_gcn_conv(x, edge_index, W1, b1))
    z = _gcn_conv(h, edge_index, W2, b2)
    return z

if __name__ == "__main__":
    import jax
    _d = setup_inputs()
    print(jax.jit(kernel)(*tuple(_d.values())))

</pallas_src>

<mosaic_0001>
#map = affine_map<(d0, d1) -> (0, 0)>
#map1 = affine_map<(d0, d1) -> (0, 0, 0)>
module attributes {stable_mosaic.version = 14 : i64} {
  func.func @scat_kernel(%arg0: i32, %arg1: i32, %arg2: memref<10240x128xf32, #tpu.memory_space<hbm>>, %arg3: memref<10240x128xf32, #tpu.memory_space<hbm>>, %arg4: memref<16x40x125xi32, #tpu.memory_space<hbm>>, %arg5: memref<16x40x125xi32, #tpu.memory_space<hbm>>, %arg6: memref<16x40x125xi32, #tpu.memory_space<hbm>>, %arg7: memref<16x40x125xi32, #tpu.memory_space<hbm>>, %arg8: memref<10240x128xf32, #tpu.memory_space<hbm>>, %arg9: memref<10240x128xf32, #tpu.memory_space<hbm>>, %arg10: memref<40x125xi32, #tpu.memory_space<vmem>>, %arg11: memref<40x125xi32, #tpu.memory_space<vmem>>, %arg12: memref<125x128xf32, #tpu.memory_space<vmem>>, %arg13: memref<125x128xf32, #tpu.memory_space<vmem>>, %arg14: memref<10240x128xf32, #tpu.memory_space<vmem_shared>>, %arg15: memref<!tpu.dma_semaphore, #tpu.memory_space<semaphore_mem>>, %arg16: memref<!tpu.dma_semaphore, #tpu.memory_space<semaphore_mem>>) attributes {dimension_semantics = [#tpu.dimension_semantics<core_parallel>, #tpu.dimension_semantics<subcore_parallel>], iteration_bounds = array<i64: 2, 16>, scalar_prefetch = 0 : i64, scratch_operands = 7 : i64, tpu.core_type = #tpu.core_type<sc_vector_subcore>, window_params = [{transform_indices = #map}, {transform_indices = #map}, {transform_indices = #map1}, {transform_indices = #map1}, {transform_indices = #map1}, {transform_indices = #map1}, {transform_indices = #map}, {transform_indices = #map}]} {
    %mul3A = arith.constant 640 : i32
    %mul3A_0 = arith.muli %arg1, %mul3A : i32
    %eq3A = arith.constant 0 : i32
    %eq3A_1 = arith.cmpi eq, %arg0, %eq3A : i32
    %convert_element_type3A = arith.extui %eq3A_1 : i1 to i32
    %cond3A = arith.constant 0 : i32
    %cond3A_2 = arith.cmpi ne, %convert_element_type3A, %cond3A : i32
    scf.if %cond3A_2 {
      "tpu.region"() ({
        %run_scoped3A = tpu.sem_alloc : memref<!tpu.dma_semaphore, #tpu.memory_space<semaphore_mem>>
        %dma_start3A_33 = arith.constant 0 : i32
        %dma_start3A_34 = tpu.memref_slice %arg14[%mul3A_0, %dma_start3A_33] : memref<10240x128xf32, #tpu.memory_space<vmem_shared>> -> memref<640x128xf32, #tpu.memory_space<vmem_shared>>
        %dma_start3A_35 = arith.constant 0 : i32
        %dma_start3A_36 = tpu.memref_slice %arg2[%mul3A_0, %dma_start3A_35] : memref<10240x128xf32, #tpu.memory_space<hbm>> -> memref<640x128xf32, #tpu.memory_space<hbm>>
        tpu.enqueue_dma source(%dma_start3A_36 : memref<640x128xf32, #tpu.memory_space<hbm>>) target(%dma_start3A_34 : memref<640x128xf32, #tpu.memory_space<vmem_shared>>) target_semaphore(%run_scoped3A : memref<!tpu.dma_semaphore, #tpu.memory_space<semaphore_mem>>)
        %dma_wait3A = arith.constant 0 : i32
        %dma_wait3A_37 = tpu.memref_slice %arg14[%mul3A_0, %dma_wait3A] : memref<10240x128xf32, #tpu.memory_space<vmem_shared>> -> memref<640x128xf32, #tpu.memory_space<vmem_shared>>
        %dma_wait3A_38 = arith.constant 0 : i32
        %dma_wait3A_39 = tpu.memref_slice %arg2[%mul3A_0, %dma_wait3A_38] : memref<10240x128xf32, #tpu.memory_space<hbm>> -> memref<640x128xf32, #tpu.memory_space<hbm>>
        tpu.wait_dma2 semaphore(%run_scoped3A : memref<!tpu.dma_semaphore, #tpu.memory_space<semaphore_mem>>) src(%dma_wait3A_39 : memref<640x128xf32, #tpu.memory_space<hbm>>) dst(%dma_wait3A_37 : memref<640x128xf32, #tpu.memory_space<vmem_shared>>)
        tpu.yield
      }) : () -> ()
      %barrier3A = arith.constant 0 : index
      tpu.barrier barrier_id(%barrier3A)
      "tpu.region"() ({
        %run_scoped3A = tpu.sem_alloc : memref<!tpu.dma_semaphore, #tpu.memory_space<semaphore_mem>>
        %dma_start3A_33 = arith.constant 0 : i32
        %dma_start3A_34 = arith.constant 0 : i32
        %dma_start3A_35 = tpu.memref_slice %arg4[%arg1, %dma_start3A_33, %dma_start3A_34] : memref<16x40x125xi32, #tpu.memory_space<hbm>> -> memref<1x40x125xi32, #tpu.memory_space<hbm>>
        %dma_start3A_36 = tpu.memref_squeeze %dma_start3A_35 : memref<1x40x125xi32, #tpu.memory_space<hbm>> -> memref<40x125xi32, #tpu.memory_space<hbm>>
        %dma_start3A_37 = arith.constant 0 : i32
        %dma_start3A_38 = arith.constant 0 : i32
        %dma_start3A_39 = tpu.memref_slice %arg4[%arg1, %dma_start3A_37, %dma_start3A_38] : memref<16x40x125xi32, #tpu.memory_space<hbm>> -> memref<1x40x125xi32, #tpu.memory_space<hbm>>
        %dma_start3A_40 = tpu.memref_squeeze %dma_start3A_39 : memref<1x40x125xi32, #tpu.memory_space<hbm>> -> memref<40x125xi32, #tpu.memory_space<hbm>>
        tpu.enqueue_dma source(%dma_start3A_40 : memref<40x125xi32, #tpu.memory_space<hbm>>) target(%arg10 : memref<40x125xi32, #tpu.memory_space<vmem>>) target_semaphore(%run_scoped3A : memref<!tpu.dma_semaphore, #tpu.memory_space<semaphore_mem>>)
        %dma_wait3A = arith.constant 0 : i32
        %dma_wait3A_41 = arith.constant 0 : i32
        %dma_wait3A_42 = tpu.memref_slice %arg4[%arg1, %dma_wait3A, %dma_wait3A_41] : memref<16x40x125xi32, #tpu.memory_space<hbm>> -> memref<1x40x125xi32, #tpu.memory_space<hbm>>
        %dma_wait3A_43 = tpu.memref_squeeze %dma_wait3A_42 : memref<1x40x125xi32, #tpu.memory_space<hbm>> -> memref<40x125xi32, #tpu.memory_space<hbm>>
        %dma_wait3A_44 = arith.constant 0 : i32
        %dma_wait3A_45 = arith.constant 0 : i32
        %dma_wait3A_46 = tpu.memref_slice %arg4[%arg1, %dma_wait3A_44, %dma_wait3A_45] : memref<16x40x125xi32, #tpu.memory_space<hbm>> -> memref<1x40x125xi32, #tpu.memory_space<hbm>>
        %dma_wait3A_47 = tpu.memref_squeeze %dma_wait3A_46 : memref<1x40x125xi32, #tpu.memory_space<hbm>> -> memref<40x125xi32, #tpu.memory_space<hbm>>
        tpu.wait_dma2 semaphore(%run_scoped3A : memref<!tpu.dma_semaphore, #tpu.memory_space<semaphore_mem>>) src(%dma_wait3A_47 : memref<40x125xi32, #tpu.memory_space<hbm>>) dst(%arg10 : memref<40x125xi32, #tpu.memory_space<vmem>>)
        tpu.yield
      }) : () -> ()
      "tpu.region"() ({
        %run_scoped3A = tpu.sem_alloc : memref<!tpu.dma_semaphore, #tpu.memory_space<semaphore_mem>>
        %dma_start3A_33 = arith.constant 0 : i32
        %dma_start3A_34 = arith.constant 0 : i32
        %dma_start3A_35 = tpu.memref_slice %arg6[%arg1, %dma_start3A_33, %dma_start3A_34] : memref<16x40x125xi32, #tpu.memory_space<hbm>> -> memref<1x40x125xi32, #tpu.memory_space<hbm>>
        %dma_start3A_36 = tpu.memref_squeeze %dma_start3A_35 : memref<1x40x125xi32, #tpu.memory_space<hbm>> -> memref<40x125xi32, #tpu.memory_space<hbm>>
        %dma_start3A_37 = arith.constant 0 : i32
        %dma_start3A_38 = arith.constant 0 : i32
        %dma_start3A_39 = tpu.memref_slice %arg6[%arg1, %dma_start3A_37, %dma_start3A_38] : memref<16x40x125xi32, #tpu.memory_space<hbm>> -> memref<1x40x125xi32, #tpu.memory_space<hbm>>
        %dma_start3A_40 = tpu.memref_squeeze %dma_start3A_39 : memref<1x40x125xi32, #tpu.memory_space<hbm>> -> memref<40x125xi32, #tpu.memory_space<hbm>>
        tpu.enqueue_dma source(%dma_start3A_40 : memref<40x125xi32, #tpu.memory_space<hbm>>) target(%arg11 : memref<40x125xi32, #tpu.memory_space<vmem>>) target_semaphore(%run_scoped3A : memref<!tpu.dma_semaphore, #tpu.memory_space<semaphore_mem>>)
        %dma_wait3A = arith.constant 0 : i32
        %dma_wait3A_41 = arith.constant 0 : i32
        %dma_wait3A_42 = tpu.memref_slice %arg6[%arg1, %dma_wait3A, %dma_wait3A_41] : memref<16x40x125xi32, #tpu.memory_space<hbm>> -> memref<1x40x125xi32, #tpu.memory_space<hbm>>
        %dma_wait3A_43 = tpu.memref_squeeze %dma_wait3A_42 : memref<1x40x125xi32, #tpu.memory_space<hbm>> -> memref<40x125xi32, #tpu.memory_space<hbm>>
        %dma_wait3A_44 = arith.constant 0 : i32
        %dma_wait3A_45 = arith.constant 0 : i32
        %dma_wait3A_46 = tpu.memref_slice %arg6[%arg1, %dma_wait3A_44, %dma_wait3A_45] : memref<16x40x125xi32, #tpu.memory_space<hbm>> -> memref<1x40x125xi32, #tpu.memory_space<hbm>>
        %dma_wait3A_47 = tpu.memref_squeeze %dma_wait3A_46 : memref<1x40x125xi32, #tpu.memory_space<hbm>> -> memref<40x125xi32, #tpu.memory_space<hbm>>
        tpu.wait_dma2 semaphore(%run_scoped3A : memref<!tpu.dma_semaphore, #tpu.memory_space<semaphore_mem>>) src(%dma_wait3A_47 : memref<40x125xi32, #tpu.memory_space<hbm>>) dst(%arg11 : memref<40x125xi32, #tpu.memory_space<vmem>>)
        tpu.yield
      }) : () -> ()
      %dma_start3A = arith.constant 0 : i32
      %dma_start3A_8 = arith.constant 0 : i32
      %dma_start3A_9 = tpu.memref_slice %arg10[%dma_start3A, %dma_start3A_8] : memref<40x125xi32, #tpu.memory_space<vmem>> -> memref<1x125xi32, #tpu.memory_space<vmem>>
      %dma_start3A_10 = tpu.memref_squeeze %dma_start3A_9 : memref<1x125xi32, #tpu.memory_space<vmem>> -> memref<125xi32, #tpu.memory_space<vmem>>
      %dma_start3A_11 = arith.constant 0 : i32
      %dma_start3A_12 = arith.constant 0 : i32
      %dma_start3A_13 = tpu.memref_slice %arg2[%dma_start3A_11, %dma_start3A_12] : memref<10240x128xf32, #tpu.memory_space<hbm>> -> memref<10240x128xf32, #tpu.memory_space<hbm>>
      tpu.enqueue_indirect_dma source(%dma_start3A_13 : memref<10240x128xf32, #tpu.memory_space<hbm>>) target(%arg12 : memref<125x128xf32, #tpu.memory_space<vmem>>) offsets(%dma_start3A_10 : memref<125xi32, #tpu.memory_space<vmem>>) semaphore(%arg15 : memref<!tpu.dma_semaphore, #tpu.memory_space<semaphore_mem>>)
      %scan3A = arith.constant 0 : i32
      %scan3A_14 = arith.constant 0 : i32
      %scan3A_15 = arith.constant 20 : i32
      %scan3A_16 = arith.addi %scan3A_14, %scan3A_15 : i32
      %scan3A_17 = arith.constant 1 : i32
      scf.for %scan3A_33 = %scan3A_14 to %scan3A_16 step %scan3A_17  : i32 {
        %mul3A_34 = arith.constant 2 : i32
        %mul3A_35 = arith.muli %mul3A_34, %scan3A_33 : i32
        %add3A = arith.constant 1 : i32
        %add3A_36 = arith.addi %mul3A_35, %add3A : i32
        %dma_start3A_37 = arith.constant 0 : i32
        %dma_start3A_38 = tpu.memref_slice %arg10[%add3A_36, %dma_start3A_37] : memref<40x125xi32, #tpu.memory_space<vmem>> -> memref<1x125xi32, #tpu.memory_space<vmem>>
        %dma_start3A_39 = tpu.memref_squeeze %dma_start3A_38 : memref<1x125xi32, #tpu.memory_space<vmem>> -> memref<125xi32, #tpu.memory_space<vmem>>
        %dma_start3A_40 = arith.constant 0 : i32
        %dma_start3A_41 = arith.constant 0 : i32
        %dma_start3A_42 = tpu.memref_slice %arg2[%dma_start3A_40, %dma_start3A_41] : memref<10240x128xf32, #tpu.memory_space<hbm>> -> memref<10240x128xf32, #tpu.memory_space<hbm>>
        tpu.enqueue_indirect_dma source(%dma_start3A_42 : memref<10240x128xf32, #tpu.memory_space<hbm>>) target(%arg13 : memref<125x128xf32, #tpu.memory_space<vmem>>) offsets(%dma_start3A_39 : memref<125xi32, #tpu.memory_space<vmem>>) semaphore(%arg16 : memref<!tpu.dma_semaphore, #tpu.memory_space<semaphore_mem>>)
        %dma_wait3A = arith.constant 0 : i32
        %dma_wait3A_43 = tpu.memref_slice %arg10[%mul3A_35, %dma_wait3A] : memref<40x125xi32, #tpu.memory_space<vmem>> -> memref<1x125xi32, #tpu.memory_space<vmem>>
        %dma_wait3A_44 = tpu.memref_squeeze %dma_wait3A_43 : memref<1x125xi32, #tpu.memory_space<vmem>> -> memref<125xi32, #tpu.memory_space<vmem>>
        %dma_wait3A_45 = arith.constant 0 : i32
        %dma_wait3A_46 = arith.constant 0 : i32
        %dma_wait3A_47 = tpu.memref_slice %arg2[%dma_wait3A_45, %dma_wait3A_46] : memref<10240x128xf32, #tpu.memory_space<hbm>> -> memref<10240x128xf32, #tpu.memory_space<hbm>>
        tpu.wait_indirect_dma semaphore(%arg15 : memref<!tpu.dma_semaphore, #tpu.memory_space<semaphore_mem>>) src(%dma_wait3A_47 : memref<10240x128xf32, #tpu.memory_space<hbm>>) dst(%arg12 : memref<125x128xf32, #tpu.memory_space<vmem>>)
        "tpu.region"() ({
          %run_scoped3A = tpu.sem_alloc : memref<!tpu.dma_semaphore, #tpu.memory_space<semaphore_mem>>
          %dma_start3A_60 = arith.constant 0 : i32
          %dma_start3A_61 = tpu.memref_slice %arg11[%mul3A_35, %dma_start3A_60] : memref<40x125xi32, #tpu.memory_space<vmem>> -> memref<1x125xi32, #tpu.memory_space<vmem>>
          %dma_start3A_62 = tpu.memref_squeeze %dma_start3A_61 : memref<1x125xi32, #tpu.memory_space<vmem>> -> memref<125xi32, #tpu.memory_space<vmem>>
          %dma_start3A_63 = arith.constant 0 : i32
          %dma_start3A_64 = arith.constant 0 : i32
          %dma_start3A_65 = tpu.memref_slice %arg14[%dma_start3A_63, %dma_start3A_64] : memref<10240x128xf32, #tpu.memory_space<vmem_shared>> -> memref<10240x128xf32, #tpu.memory_space<vmem_shared>>
          tpu.enqueue_indirect_dma source(%arg12 : memref<125x128xf32, #tpu.memory_space<vmem>>) target(%dma_start3A_65 : memref<10240x128xf32, #tpu.memory_space<vmem_shared>>) offsets(%dma_start3A_62 : memref<125xi32, #tpu.memory_space<vmem>>) semaphore(%run_scoped3A : memref<!tpu.dma_semaphore, #tpu.memory_space<semaphore_mem>>) {add = true}
          %dma_wait3A_66 = arith.constant 0 : i32
          %dma_wait3A_67 = tpu.memref_slice %arg11[%mul3A_35, %dma_wait3A_66] : memref<40x125xi32, #tpu.memory_space<vmem>> -> memref<1x125xi32, #tpu.memory_space<vmem>>
          %dma_wait3A_68 = tpu.memref_squeeze %dma_wait3A_67 : memref<1x125xi32, #tpu.memory_space<vmem>> -> memref<125xi32, #tpu.memory_space<vmem>>
          %dma_wait3A_69 = arith.constant 0 : i32
          %dma_wait3A_70 = arith.constant 0 : i32
          %dma_wait3A_71 = tpu.memref_slice %arg14[%dma_wait3A_69, %dma_wait3A_70] : memref<10240x128xf32, #tpu.memory_space<vmem_shared>> -> memref<10240x128xf32, #tpu.memory_space<vmem_shared>>
          tpu.wait_indirect_dma semaphore(%run_scoped3A : memref<!tpu.dma_semaphore, #tpu.memory_space<semaphore_mem>>) src(%arg12 : memref<125x128xf32, #tpu.memory_space<vmem>>) dst(%dma_wait3A_71 : memref<10240x128xf32, #tpu.memory_space<vmem_shared>>)
          tpu.yield
        }) : () -> ()
        %lt3A = arith.constant 19 : i32
        %lt3A_48 = arith.cmpi slt, %scan3A_33, %lt3A : i32
        %convert_element_type3A_49 = arith.extui %lt3A_48 : i1 to i32
        %cond3A_50 = arith.constant 0 : i32
        %cond3A_51 = arith.cmpi ne, %convert_element_type3A_49, %cond3A_50 : i32
        scf.if %cond3A_51 {
          %add3A_60 = arith.constant 2 : i32
          %add3A_61 = arith.addi %mul3A_35, %add3A_60 : i32
          %dma_start3A_62 = arith.constant 0 : i32
          %dma_start3A_63 = tpu.memref_slice %arg10[%add3A_61, %dma_start3A_62] : memref<40x125xi32, #tpu.memory_space<vmem>> -> memref<1x125xi32, #tpu.memory_space<vmem>>
          %dma_start3A_64 = tpu.memref_squeeze %dma_start3A_63 : memref<1x125xi32, #tpu.memory_space<vmem>> -> memref<125xi32, #tpu.memory_space<vmem>>
          %dma_start3A_65 = arith.constant 0 : i32
          %dma_start3A_66 = arith.constant 0 : i32
          %dma_start3A_67 = tpu.memref_slice %arg2[%dma_start3A_65, %dma_start3A_66] : memref<10240x128xf32, #tpu.memory_space<hbm>> -> memref<10240x128xf32, #tpu.memory_space<hbm>>
          tpu.enqueue_indirect_dma source(%dma_start3A_67 : memref<10240x128xf32, #tpu.memory_space<hbm>>) target(%arg12 : memref<125x128xf32, #tpu.memory_space<vmem>>) offsets(%dma_start3A_64 : memref<125xi32, #tpu.memory_space<vmem>>) semaphore(%arg15 : memref<!tpu.dma_semaphore, #tpu.memory_space<semaphore_mem>>)
        } else {
        }
        %dma_wait3A_52 = arith.constant 0 : i32
        %dma_wait3A_53 = tpu.memref_slice %arg10[%add3A_36, %dma_wait3A_52] : memref<40x125xi32, #tpu.memory_space<vmem>> -> memref<1x125xi32, #tpu.memory_space<vmem>>
        %dma_wait3A_54 = tpu.memref_squeeze %dma_wait3A_53 : memref<1x125xi32, #tpu.memory_space<vmem>> -> memref<125xi32, #tpu.memory_space<vmem>>
        %dma_wait3A_55 = arith.constant 0 : i32
        %dma_wait3A_56 = arith.constant 0 : i32
        %dma_wait3A_57 = tpu.memref_slice %arg2[%dma_wait3A_55, %dma_wait3A_56] : memref<10240x128xf32, #tpu.memory_space<hbm>> -> memref<10240x128xf32, #tpu.memory_space<hbm>>
        tpu.wait_indirect_dma semaphore(%arg16 : memref<!tpu.dma_semaphore, #tpu.memory_space<semaphore_mem>>) src(%dma_wait3A_57 : memref<10240x128xf32, #tpu.memory_space<hbm>>) dst(%arg13 : memref<125x128xf32, #tpu.memory_space<vmem>>)
        %add3A_58 = arith.constant 1 : i32
        %add3A_59 = arith.addi %mul3A_35, %add3A_58 : i32
        "tpu.region"() ({
          %run_scoped3A = tpu.sem_alloc : memref<!tpu.dma_semaphore, #tpu.memory_space<semaphore_mem>>
          %dma_start3A_60 = arith.constant 0 : i32
          %dma_start3A_61 = tpu.memref_slice %arg11[%add3A_59, %dma_start3A_60] : memref<40x125xi32, #tpu.memory_space<vmem>> -> memref<1x125xi32, #tpu.memory_space<vmem>>
          %dma_start3A_62 = tpu.memref_squeeze %dma_start3A_61 : memref<1x125xi32, #tpu.memory_space<vmem>> -> memref<125xi32, #tpu.memory_space<vmem>>
          %dma_start3A_63 = arith.constant 0 : i32
          %dma_start3A_64 = arith.constant 0 : i32
          %dma_start3A_65 = tpu.memref_slice %arg14[%dma_start3A_63, %dma_start3A_64] : memref<10240x128xf32, #tpu.memory_space<vmem_shared>> -> memref<10240x128xf32, #tpu.memory_space<vmem_shared>>
          tpu.enqueue_indirect_dma source(%arg13 : memref<125x128xf32, #tpu.memory_space<vmem>>) target(%dma_start3A_65 : memref<10240x128xf32, #tpu.memory_space<vmem_shared>>) offsets(%dma_start3A_62 : memref<125xi32, #tpu.memory_space<vmem>>) semaphore(%run_scoped3A : memref<!tpu.dma_semaphore, #tpu.memory_space<semaphore_mem>>) {add = true}
          %dma_wait3A_66 = arith.constant 0 : i32
          %dma_wait3A_67 = tpu.memref_slice %arg11[%add3A_59, %dma_wait3A_66] : memref<40x125xi32, #tpu.memory_space<vmem>> -> memref<1x125xi32, #tpu.memory_space<vmem>>
          %dma_wait3A_68 = tpu.memref_squeeze %dma_wait3A_67 : memref<1x125xi32, #tpu.memory_space<vmem>> -> memref<125xi32, #tpu.memory_space<vmem>>
          %dma_wait3A_69 = arith.constant 0 : i32
          %dma_wait3A_70 = arith.constant 0 : i32
          %dma_wait3A_71 = tpu.memref_slice %arg14[%dma_wait3A_69, %dma_wait3A_70] : memref<10240x128xf32, #tpu.memory_space<vmem_shared>> -> memref<10240x128xf32, #tpu.memory_space<vmem_shared>>
          tpu.wait_indirect_dma semaphore(%run_scoped3A : memref<!tpu.dma_semaphore, #tpu.memory_space<semaphore_mem>>) src(%arg13 : memref<125x128xf32, #tpu.memory_space<vmem>>) dst(%dma_wait3A_71 : memref<10240x128xf32, #tpu.memory_space<vmem_shared>>)
          tpu.yield
        }) : () -> ()
      }
      %scan3A_18 = arith.constant 20 : i32
      "tpu.region"() ({
        %run_scoped3A = tpu.sem_alloc : memref<!tpu.dma_semaphore, #tpu.memory_space<semaphore_mem>>
        %dma_start3A_33 = arith.constant 0 : i32
        %dma_start3A_34 = arith.constant 0 : i32
        %dma_start3A_35 = tpu.memref_slice %arg5[%arg1, %dma_start3A_33, %dma_start3A_34] : memref<16x40x125xi32, #tpu.memory_space<hbm>> -> memref<1x40x125xi32, #tpu.memory_space<hbm>>
        %dma_start3A_36 = tpu.memref_squeeze %dma_start3A_35 : memref<1x40x125xi32, #tpu.memory_space<hbm>> -> memref<40x125xi32, #tpu.memory_space<hbm>>
        %dma_start3A_37 = arith.constant 0 : i32
        %dma_start3A_38 = arith.constant 0 : i32
        %dma_start3A_39 = tpu.memref_slice %arg5[%arg1, %dma_start3A_37, %dma_start3A_38] : memref<16x40x125xi32, #tpu.memory_space<hbm>> -> memref<1x40x125xi32, #tpu.memory_space<hbm>>
        %dma_start3A_40 = tpu.memref_squeeze %dma_start3A_39 : memref<1x40x125xi32, #tpu.memory_space<hbm>> -> memref<40x125xi32, #tpu.memory_space<hbm>>
        tpu.enqueue_dma source(%dma_start3A_40 : memref<40x125xi32, #tpu.memory_space<hbm>>) target(%arg10 : memref<40x125xi32, #tpu.memory_space<vmem>>) target_semaphore(%run_scoped3A : memref<!tpu.dma_semaphore, #tpu.memory_space<semaphore_mem>>)
        %dma_wait3A = arith.constant 0 : i32
        %dma_wait3A_41 = arith.constant 0 : i32
        %dma_wait3A_42 = tpu.memref_slice %arg5[%arg1, %dma_wait3A, %dma_wait3A_41] : memref<16x40x125xi32, #tpu.memory_space<hbm>> -> memref<1x40x125xi32, #tpu.memory_space<hbm>>
        %dma_wait3A_43 = tpu.memref_squeeze %dma_wait3A_42 : memref<1x40x125xi32, #tpu.memory_space<hbm>> -> memref<40x125xi32, #tpu.memory_space<hbm>>
        %dma_wait3A_44 = arith.constant 0 : i32
        %dma_wait3A_45 = arith.constant 0 : i32
        %dma_wait3A_46 = tpu.memref_slice %arg5[%arg1, %dma_wait3A_44, %dma_wait3A_45] : memref<16x40x125xi32, #tpu.memory_space<hbm>> -> memref<1x40x125xi32, #tpu.memory_space<hbm>>
        %dma_wait3A_47 = tpu.memref_squeeze %dma_wait3A_46 : memref<1x40x125xi32, #tpu.memory_space<hbm>> -> memref<40x125xi32, #tpu.memory_space<hbm>>
        tpu.wait_dma2 semaphore(%run_scoped3A : memref<!tpu.dma_semaphore, #tpu.memory_space<semaphore_mem>>) src(%dma_wait3A_47 : memref<40x125xi32, #tpu.memory_space<hbm>>) dst(%arg10 : memref<40x125xi32, #tpu.memory_space<vmem>>)
        tpu.yield
      }) : () -> ()
      "tpu.region"() ({
        %run_scoped3A = tpu.sem_alloc : memref<!tpu.dma_semaphore, #tpu.memory_space<semaphore_mem>>
        %dma_start3A_33 = arith.constant 0 : i32
        %dma_start3A_34 = arith.constant 0 : i32
        %dma_start3A_35 = tpu.memref_slice %arg7[%arg1, %dma_start3A_33, %dma_start3A_34] : memref<16x40x125xi32, #tpu.memory_space<hbm>> -> memref<1x40x125xi32, #tpu.memory_space<hbm>>
        %dma_start3A_36 = tpu.memref_squeeze %dma_start3A_35 : memref<1x40x125xi32, #tpu.memory_space<hbm>> -> memref<40x125xi32, #tpu.memory_space<hbm>>
        %dma_start3A_37 = arith.constant 0 : i32
        %dma_start3A_38 = arith.constant 0 : i32
        %dma_start3A_39 = tpu.memref_slice %arg7[%arg1, %dma_start3A_37, %dma_start3A_38] : memref<16x40x125xi32, #tpu.memory_space<hbm>> -> memref<1x40x125xi32, #tpu.memory_space<hbm>>
        %dma_start3A_40 = tpu.memref_squeeze %dma_start3A_39 : memref<1x40x125xi32, #tpu.memory_space<hbm>> -> memref<40x125xi32, #tpu.memory_space<hbm>>
        tpu.enqueue_dma source(%dma_start3A_40 : memref<40x125xi32, #tpu.memory_space<hbm>>) target(%arg11 : memref<40x125xi32, #tpu.memory_space<vmem>>) target_semaphore(%run_scoped3A : memref<!tpu.dma_semaphore, #tpu.memory_space<semaphore_mem>>)
        %dma_wait3A = arith.constant 0 : i32
        %dma_wait3A_41 = arith.constant 0 : i32
        %dma_wait3A_42 = tpu.memref_slice %arg7[%arg1, %dma_wait3A, %dma_wait3A_41] : memref<16x40x125xi32, #tpu.memory_space<hbm>> -> memref<1x40x125xi32, #tpu.memory_space<hbm>>
        %dma_wait3A_43 = tpu.memref_squeeze %dma_wait3A_42 : memref<1x40x125xi32, #tpu.memory_space<hbm>> -> memref<40x125xi32, #tpu.memory_space<hbm>>
        %dma_wait3A_44 = arith.constant 0 : i32
        %dma_wait3A_45 = arith.constant 0 : i32
        %dma_wait3A_46 = tpu.memref_slice %arg7[%arg1, %dma_wait3A_44, %dma_wait3A_45] : memref<16x40x125xi32, #tpu.memory_space<hbm>> -> memref<1x40x125xi32, #tpu.memory_space<hbm>>
        %dma_wait3A_47 = tpu.memref_squeeze %dma_wait3A_46 : memref<1x40x125xi32, #tpu.memory_space<hbm>> -> memref<40x125xi32, #tpu.memory_space<hbm>>
        tpu.wait_dma2 semaphore(%run_scoped3A : memref<!tpu.dma_semaphore, #tpu.memory_space<semaphore_mem>>) src(%dma_wait3A_47 : memref<40x125xi32, #tpu.memory_space<hbm>>) dst(%arg11 : memref<40x125xi32, #tpu.memory_space<vmem>>)
        tpu.yield
      }) : () -> ()
      %dma_start3A_19 = arith.constant 0 : i32
      %dma_start3A_20 = arith.constant 0 : i32
      %dma_start3A_21 = tpu.memref_slice %arg10[%dma_start3A_19, %dma_start3A_20] : memref<40x125xi32, #tpu.memory_space<vmem>> -> memref<1x125xi32, #tpu.memory_space<vmem>>
      %dma_start3A_22 = tpu.memref_squeeze %dma_start3A_21 : memref<1x125xi32, #tpu.memory_space<vmem>> -> memref<125xi32, #tpu.memory_space<vmem>>
      %dma_start3A_23 = arith.constant 0 : i32
      %dma_start3A_24 = arith.constant 0 : i32
      %dma_start3A_25 = tpu.memref_slice %arg2[%dma_start3A_23, %dma_start3A_24] : memref<10240x128xf32, #tpu.memory_space<hbm>> -> memref<10240x128xf32, #tpu.memory_space<hbm>>
      tpu.enqueue_indirect_dma source(%dma_start3A_25 : memref<10240x128xf32, #tpu.memory_space<hbm>>) target(%arg12 : memref<125x128xf32, #tpu.memory_space<vmem>>) offsets(%dma_start3A_22 : memref<125xi32, #tpu.memory_space<vmem>>) semaphore(%arg15 : memref<!tpu.dma_semaphore, #tpu.memory_space<semaphore_mem>>)
      %scan3A_26 = arith.constant 0 : i32
      %scan3A_27 = arith.constant 0 : i32
      %scan3A_28 = arith.constant 20 : i32
      %scan3A_29 = arith.addi %scan3A_27, %scan3A_28 : i32
      %scan3A_30 = arith.constant 1 : i32
      scf.for %scan3A_33 = %scan3A_27 to %scan3A_29 step %scan3A_30  : i32 {
        %mul3A_34 = arith.constant 2 : i32
        %mul3A_35 = arith.muli %mul3A_34, %scan3A_33 : i32
        %add3A = arith.constant 1 : i32
        %add3A_36 = arith.addi %mul3A_35, %add3A : i32
        %dma_start3A_37 = arith.constant 0 : i32
        %dma_start3A_38 = tpu.memref_slice %arg10[%add3A_36, %dma_start3A_37] : memref<40x125xi32, #tpu.memory_space<vmem>> -> memref<1x125xi32, #tpu.memory_space<vmem>>
        %dma_start3A_39 = tpu.memref_squeeze %dma_start3A_38 : memref<1x125xi32, #tpu.memory_space<vmem>> -> memref<125xi32, #tpu.memory_space<vmem>>
        %dma_start3A_40 = arith.constant 0 : i32
        %dma_start3A_41 = arith.constant 0 : i32
        %dma_start3A_42 = tpu.memref_slice %arg2[%dma_start3A_40, %dma_start3A_41] : memref<10240x128xf32, #tpu.memory_space<hbm>> -> memref<10240x128xf32, #tpu.memory_space<hbm>>
        tpu.enqueue_indirect_dma source(%dma_start3A_42 : memref<10240x128xf32, #tpu.memory_space<hbm>>) target(%arg13 : memref<125x128xf32, #tpu.memory_space<vmem>>) offsets(%dma_start3A_39 : memref<125xi32, #tpu.memory_space<vmem>>) semaphore(%arg16 : memref<!tpu.dma_semaphore, #tpu.memory_space<semaphore_mem>>)
        %dma_wait3A = arith.constant 0 : i32
        %dma_wait3A_43 = tpu.memref_slice %arg10[%mul3A_35, %dma_wait3A] : memref<40x125xi32, #tpu.memory_space<vmem>> -> memref<1x125xi32, #tpu.memory_space<vmem>>
        %dma_wait3A_44 = tpu.memref_squeeze %dma_wait3A_43 : memref<1x125xi32, #tpu.memory_space<vmem>> -> memref<125xi32, #tpu.memory_space<vmem>>
        %dma_wait3A_45 = arith.constant 0 : i32
        %dma_wait3A_46 = arith.constant 0 : i32
        %dma_wait3A_47 = tpu.memref_slice %arg2[%dma_wait3A_45, %dma_wait3A_46] : memref<10240x128xf32, #tpu.memory_space<hbm>> -> memref<10240x128xf32, #tpu.memory_space<hbm>>
        tpu.wait_indirect_dma semaphore(%arg15 : memref<!tpu.dma_semaphore, #tpu.memory_space<semaphore_mem>>) src(%dma_wait3A_47 : memref<10240x128xf32, #tpu.memory_space<hbm>>) dst(%arg12 : memref<125x128xf32, #tpu.memory_space<vmem>>)
        "tpu.region"() ({
          %run_scoped3A = tpu.sem_alloc : memref<!tpu.dma_semaphore, #tpu.memory_space<semaphore_mem>>
          %dma_start3A_60 = arith.constant 0 : i32
          %dma_start3A_61 = tpu.memref_slice %arg11[%mul3A_35, %dma_start3A_60] : memref<40x125xi32, #tpu.memory_space<vmem>> -> memref<1x125xi32, #tpu.memory_space<vmem>>
          %dma_start3A_62 = tpu.memref_squeeze %dma_start3A_61 : memref<1x125xi32, #tpu.memory_space<vmem>> -> memref<125xi32, #tpu.memory_space<vmem>>
          %dma_start3A_63 = arith.constant 0 : i32
          %dma_start3A_64 = arith.constant 0 : i32
          %dma_start3A_65 = tpu.memref_slice %arg14[%dma_start3A_63, %dma_start3A_64] : memref<10240x128xf32, #tpu.memory_space<vmem_shared>> -> memref<10240x128xf32, #tpu.memory_space<vmem_shared>>
          tpu.enqueue_indirect_dma source(%arg12 : memref<125x128xf32, #tpu.memory_space<vmem>>) target(%dma_start3A_65 : memref<10240x128xf32, #tpu.memory_space<vmem_shared>>) offsets(%dma_start3A_62 : memref<125xi32, #tpu.memory_space<vmem>>) semaphore(%run_scoped3A : memref<!tpu.dma_semaphore, #tpu.memory_space<semaphore_mem>>) {add = true}
          %dma_wait3A_66 = arith.constant 0 : i32
          %dma_wait3A_67 = tpu.memref_slice %arg11[%mul3A_35, %dma_wait3A_66] : memref<40x125xi32, #tpu.memory_space<vmem>> -> memref<1x125xi32, #tpu.memory_space<vmem>>
          %dma_wait3A_68 = tpu.memref_squeeze %dma_wait3A_67 : memref<1x125xi32, #tpu.memory_space<vmem>> -> memref<125xi32, #tpu.memory_space<vmem>>
          %dma_wait3A_69 = arith.constant 0 : i32
          %dma_wait3A_70 = arith.constant 0 : i32
          %dma_wait3A_71 = tpu.memref_slice %arg14[%dma_wait3A_69, %dma_wait3A_70] : memref<10240x128xf32, #tpu.memory_space<vmem_shared>> -> memref<10240x128xf32, #tpu.memory_space<vmem_shared>>
          tpu.wait_indirect_dma semaphore(%run_scoped3A : memref<!tpu.dma_semaphore, #tpu.memory_space<semaphore_mem>>) src(%arg12 : memref<125x128xf32, #tpu.memory_space<vmem>>) dst(%dma_wait3A_71 : memref<10240x128xf32, #tpu.memory_space<vmem_shared>>)
          tpu.yield
        }) : () -> ()
        %lt3A = arith.constant 19 : i32
        %lt3A_48 = arith.cmpi slt, %scan3A_33, %lt3A : i32
        %convert_element_type3A_49 = arith.extui %lt3A_48 : i1 to i32
        %cond3A_50 = arith.constant 0 : i32
        %cond3A_51 = arith.cmpi ne, %convert_element_type3A_49, %cond3A_50 : i32
        scf.if %cond3A_51 {
          %add3A_60 = arith.constant 2 : i32
          %add3A_61 = arith.addi %mul3A_35, %add3A_60 : i32
          %dma_start3A_62 = arith.constant 0 : i32
          %dma_start3A_63 = tpu.memref_slice %arg10[%add3A_61, %dma_start3A_62] : memref<40x125xi32, #tpu.memory_space<vmem>> -> memref<1x125xi32, #tpu.memory_space<vmem>>
          %dma_start3A_64 = tpu.memref_squeeze %dma_start3A_63 : memref<1x125xi32, #tpu.memory_space<vmem>> -> memref<125xi32, #tpu.memory_space<vmem>>
          %dma_start3A_65 = arith.constant 0 : i32
          %dma_start3A_66 = arith.constant 0 : i32
          %dma_start3A_67 = tpu.memref_slice %arg2[%dma_start3A_65, %dma_start3A_66] : memref<10240x128xf32, #tpu.memory_space<hbm>> -> memref<10240x128xf32, #tpu.memory_space<hbm>>
          tpu.enqueue_indirect_dma source(%dma_start3A_67 : memref<10240x128xf32, #tpu.memory_space<hbm>>) target(%arg12 : memref<125x128xf32, #tpu.memory_space<vmem>>) offsets(%dma_start3A_64 : memref<125xi32, #tpu.memory_space<vmem>>) semaphore(%arg15 : memref<!tpu.dma_semaphore, #tpu.memory_space<semaphore_mem>>)
        } else {
        }
        %dma_wait3A_52 = arith.constant 0 : i32
        %dma_wait3A_53 = tpu.memref_slice %arg10[%add3A_36, %dma_wait3A_52] : memref<40x125xi32, #tpu.memory_space<vmem>> -> memref<1x125xi32, #tpu.memory_space<vmem>>
        %dma_wait3A_54 = tpu.memref_squeeze %dma_wait3A_53 : memref<1x125xi32, #tpu.memory_space<vmem>> -> memref<125xi32, #tpu.memory_space<vmem>>
        %dma_wait3A_55 = arith.constant 0 : i32
        %dma_wait3A_56 = arith.constant 0 : i32
        %dma_wait3A_57 = tpu.memref_slice %arg2[%dma_wait3A_55, %dma_wait3A_56] : memref<10240x128xf32, #tpu.memory_space<hbm>> -> memref<10240x128xf32, #tpu.memory_space<hbm>>
        tpu.wait_indirect_dma semaphore(%arg16 : memref<!tpu.dma_semaphore, #tpu.memory_space<semaphore_mem>>) src(%dma_wait3A_57 : memref<10240x128xf32, #tpu.memory_space<hbm>>) dst(%arg13 : memref<125x128xf32, #tpu.memory_space<vmem>>)
        %add3A_58 = arith.constant 1 : i32
        %add3A_59 = arith.addi %mul3A_35, %add3A_58 : i32
        "tpu.region"() ({
          %run_scoped3A = tpu.sem_alloc : memref<!tpu.dma_semaphore, #tpu.memory_space<semaphore_mem>>
          %dma_start3A_60 = arith.constant 0 : i32
          %dma_start3A_61 = tpu.memref_slice %arg11[%add3A_59, %dma_start3A_60] : memref<40x125xi32, #tpu.memory_space<vmem>> -> memref<1x125xi32, #tpu.memory_space<vmem>>
          %dma_start3A_62 = tpu.memref_squeeze %dma_start3A_61 : memref<1x125xi32, #tpu.memory_space<vmem>> -> memref<125xi32, #tpu.memory_space<vmem>>
          %dma_start3A_63 = arith.constant 0 : i32
          %dma_start3A_64 = arith.constant 0 : i32
          %dma_start3A_65 = tpu.memref_slice %arg14[%dma_start3A_63, %dma_start3A_64] : memref<10240x128xf32, #tpu.memory_space<vmem_shared>> -> memref<10240x128xf32, #tpu.memory_space<vmem_shared>>
          tpu.enqueue_indirect_dma source(%arg13 : memref<125x128xf32, #tpu.memory_space<vmem>>) target(%dma_start3A_65 : memref<10240x128xf32, #tpu.memory_space<vmem_shared>>) offsets(%dma_start3A_62 : memref<125xi32, #tpu.memory_space<vmem>>) semaphore(%run_scoped3A : memref<!tpu.dma_semaphore, #tpu.memory_space<semaphore_mem>>) {add = true}
          %dma_wait3A_66 = arith.constant 0 : i32
          %dma_wait3A_67 = tpu.memref_slice %arg11[%add3A_59, %dma_wait3A_66] : memref<40x125xi32, #tpu.memory_space<vmem>> -> memref<1x125xi32, #tpu.memory_space<vmem>>
          %dma_wait3A_68 = tpu.memref_squeeze %dma_wait3A_67 : memref<1x125xi32, #tpu.memory_space<vmem>> -> memref<125xi32, #tpu.memory_space<vmem>>
          %dma_wait3A_69 = arith.constant 0 : i32
          %dma_wait3A_70 = arith.constant 0 : i32
          %dma_wait3A_71 = tpu.memref_slice %arg14[%dma_wait3A_69, %dma_wait3A_70] : memref<10240x128xf32, #tpu.memory_space<vmem_shared>> -> memref<10240x128xf32, #tpu.memory_space<vmem_shared>>
          tpu.wait_indirect_dma semaphore(%run_scoped3A : memref<!tpu.dma_semaphore, #tpu.memory_space<semaphore_mem>>) src(%arg13 : memref<125x128xf32, #tpu.memory_space<vmem>>) dst(%dma_wait3A_71 : memref<10240x128xf32, #tpu.memory_space<vmem_shared>>)
          tpu.yield
        }) : () -> ()
      }
      %scan3A_31 = arith.constant 20 : i32
      %barrier3A_32 = arith.constant 0 : index
      tpu.barrier barrier_id(%barrier3A_32)
      "tpu.region"() ({
        %run_scoped3A = tpu.sem_alloc : memref<!tpu.dma_semaphore, #tpu.memory_space<semaphore_mem>>
        %dma_start3A_33 = arith.constant 0 : i32
        %dma_start3A_34 = tpu.memref_slice %arg8[%mul3A_0, %dma_start3A_33] : memref<10240x128xf32, #tpu.memory_space<hbm>> -> memref<640x128xf32, #tpu.memory_space<hbm>>
        %dma_start3A_35 = arith.constant 0 : i32
        %dma_start3A_36 = tpu.memref_slice %arg14[%mul3A_0, %dma_start3A_35] : memref<10240x128xf32, #tpu.memory_space<vmem_shared>> -> memref<640x128xf32, #tpu.memory_space<vmem_shared>>
        tpu.enqueue_dma source(%dma_start3A_36 : memref<640x128xf32, #tpu.memory_space<vmem_shared>>) target(%dma_start3A_34 : memref<640x128xf32, #tpu.memory_space<hbm>>) target_semaphore(%run_scoped3A : memref<!tpu.dma_semaphore, #tpu.memory_space<semaphore_mem>>)
        %dma_wait3A = arith.constant 0 : i32
        %dma_wait3A_37 = tpu.memref_slice %arg8[%mul3A_0, %dma_wait3A] : memref<10240x128xf32, #tpu.memory_space<hbm>> -> memref<640x128xf32, #tpu.memory_space<hbm>>
        %dma_wait3A_38 = arith.constant 0 : i32
        %dma_wait3A_39 = tpu.memref_slice %arg14[%mul3A_0, %dma_wait3A_38] : memref<10240x128xf32, #tpu.memory_space<vmem_shared>> -> memref<640x128xf32, #tpu.memory_space<vmem_shared>>
        tpu.wait_dma2 semaphore(%run_scoped3A : memref<!tpu.dma_semaphore, #tpu.memory_space<semaphore_mem>>) src(%dma_wait3A_39 : memref<640x128xf32, #tpu.memory_space<vmem_shared>>) dst(%dma_wait3A_37 : memref<640x128xf32, #tpu.memory_space<hbm>>)
        tpu.yield
      }) : () -> ()
    } else {
    }
    %eq3A_3 = arith.constant 1 : i32
    %eq3A_4 = arith.cmpi eq, %arg0, %eq3A_3 : i32
    %convert_element_type3A_5 = arith.extui %eq3A_4 : i1 to i32
    %cond3A_6 = arith.constant 0 : i32
    %cond3A_7 = arith.cmpi ne, %convert_element_type3A_5, %cond3A_6 : i32
    scf.if %cond3A_7 {
      "tpu.region"() ({
        %run_scoped3A = tpu.sem_alloc : memref<!tpu.dma_semaphore, #tpu.memory_space<semaphore_mem>>
        %dma_start3A_33 = arith.constant 0 : i32
        %dma_start3A_34 = tpu.memref_slice %arg14[%mul3A_0, %dma_start3A_33] : memref<10240x128xf32, #tpu.memory_space<vmem_shared>> -> memref<640x128xf32, #tpu.memory_space<vmem_shared>>
        %dma_start3A_35 = arith.constant 0 : i32
        %dma_start3A_36 = tpu.memref_slice %arg3[%mul3A_0, %dma_start3A_35] : memref<10240x128xf32, #tpu.memory_space<hbm>> -> memref<640x128xf32, #tpu.memory_space<hbm>>
        tpu.enqueue_dma source(%dma_start3A_36 : memref<640x128xf32, #tpu.memory_space<hbm>>) target(%dma_start3A_34 : memref<640x128xf32, #tpu.memory_space<vmem_shared>>) target_semaphore(%run_scoped3A : memref<!tpu.dma_semaphore, #tpu.memory_space<semaphore_mem>>)
        %dma_wait3A = arith.constant 0 : i32
        %dma_wait3A_37 = tpu.memref_slice %arg14[%mul3A_0, %dma_wait3A] : memref<10240x128xf32, #tpu.memory_space<vmem_shared>> -> memref<640x128xf32, #tpu.memory_space<vmem_shared>>
        %dma_wait3A_38 = arith.constant 0 : i32
        %dma_wait3A_39 = tpu.memref_slice %arg3[%mul3A_0, %dma_wait3A_38] : memref<10240x128xf32, #tpu.memory_space<hbm>> -> memref<640x128xf32, #tpu.memory_space<hbm>>
        tpu.wait_dma2 semaphore(%run_scoped3A : memref<!tpu.dma_semaphore, #tpu.memory_space<semaphore_mem>>) src(%dma_wait3A_39 : memref<640x128xf32, #tpu.memory_space<hbm>>) dst(%dma_wait3A_37 : memref<640x128xf32, #tpu.memory_space<vmem_shared>>)
        tpu.yield
      }) : () -> ()
      %barrier3A = arith.constant 0 : index
      tpu.barrier barrier_id(%barrier3A)
      "tpu.region"() ({
        %run_scoped3A = tpu.sem_alloc : memref<!tpu.dma_semaphore, #tpu.memory_space<semaphore_mem>>
        %dma_start3A_33 = arith.constant 0 : i32
        %dma_start3A_34 = arith.constant 0 : i32
        %dma_start3A_35 = tpu.memref_slice %arg4[%arg1, %dma_start3A_33, %dma_start3A_34] : memref<16x40x125xi32, #tpu.memory_space<hbm>> -> memref<1x40x125xi32, #tpu.memory_space<hbm>>
        %dma_start3A_36 = tpu.memref_squeeze %dma_start3A_35 : memref<1x40x125xi32, #tpu.memory_space<hbm>> -> memref<40x125xi32, #tpu.memory_space<hbm>>
        %dma_start3A_37 = arith.constant 0 : i32
        %dma_start3A_38 = arith.constant 0 : i32
        %dma_start3A_39 = tpu.memref_slice %arg4[%arg1, %dma_start3A_37, %dma_start3A_38] : memref<16x40x125xi32, #tpu.memory_space<hbm>> -> memref<1x40x125xi32, #tpu.memory_space<hbm>>
        %dma_start3A_40 = tpu.memref_squeeze %dma_start3A_39 : memref<1x40x125xi32, #tpu.memory_space<hbm>> -> memref<40x125xi32, #tpu.memory_space<hbm>>
        tpu.enqueue_dma source(%dma_start3A_40 : memref<40x125xi32, #tpu.memory_space<hbm>>) target(%arg10 : memref<40x125xi32, #tpu.memory_space<vmem>>) target_semaphore(%run_scoped3A : memref<!tpu.dma_semaphore, #tpu.memory_space<semaphore_mem>>)
        %dma_wait3A = arith.constant 0 : i32
        %dma_wait3A_41 = arith.constant 0 : i32
        %dma_wait3A_42 = tpu.memref_slice %arg4[%arg1, %dma_wait3A, %dma_wait3A_41] : memref<16x40x125xi32, #tpu.memory_space<hbm>> -> memref<1x40x125xi32, #tpu.memory_space<hbm>>
        %dma_wait3A_43 = tpu.memref_squeeze %dma_wait3A_42 : memref<1x40x125xi32, #tpu.memory_space<hbm>> -> memref<40x125xi32, #tpu.memory_space<hbm>>
        %dma_wait3A_44 = arith.constant 0 : i32
        %dma_wait3A_45 = arith.constant 0 : i32
        %dma_wait3A_46 = tpu.memref_slice %arg4[%arg1, %dma_wait3A_44, %dma_wait3A_45] : memref<16x40x125xi32, #tpu.memory_space<hbm>> -> memref<1x40x125xi32, #tpu.memory_space<hbm>>
        %dma_wait3A_47 = tpu.memref_squeeze %dma_wait3A_46 : memref<1x40x125xi32, #tpu.memory_space<hbm>> -> memref<40x125xi32, #tpu.memory_space<hbm>>
        tpu.wait_dma2 semaphore(%run_scoped3A : memref<!tpu.dma_semaphore, #tpu.memory_space<semaphore_mem>>) src(%dma_wait3A_47 : memref<40x125xi32, #tpu.memory_space<hbm>>) dst(%arg10 : memref<40x125xi32, #tpu.memory_space<vmem>>)
        tpu.yield
      }) : () -> ()
      "tpu.region"() ({
        %run_scoped3A = tpu.sem_alloc : memref<!tpu.dma_semaphore, #tpu.memory_space<semaphore_mem>>
        %dma_start3A_33 = arith.constant 0 : i32
        %dma_start3A_34 = arith.constant 0 : i32
        %dma_start3A_35 = tpu.memref_slice %arg6[%arg1, %dma_start3A_33, %dma_start3A_34] : memref<16x40x125xi32, #tpu.memory_space<hbm>> -> memref<1x40x125xi32, #tpu.memory_space<hbm>>
        %dma_start3A_36 = tpu.memref_squeeze %dma_start3A_35 : memref<1x40x125xi32, #tpu.memory_space<hbm>> -> memref<40x125xi32, #tpu.memory_space<hbm>>
        %dma_start3A_37 = arith.constant 0 : i32
        %dma_start3A_38 = arith.constant 0 : i32
        %dma_start3A_39 = tpu.memref_slice %arg6[%arg1, %dma_start3A_37, %dma_start3A_38] : memref<16x40x125xi32, #tpu.memory_space<hbm>> -> memref<1x40x125xi32, #tpu.memory_space<hbm>>
        %dma_start3A_40 = tpu.memref_squeeze %dma_start3A_39 : memref<1x40x125xi32, #tpu.memory_space<hbm>> -> memref<40x125xi32, #tpu.memory_space<hbm>>
        tpu.enqueue_dma source(%dma_start3A_40 : memref<40x125xi32, #tpu.memory_space<hbm>>) target(%arg11 : memref<40x125xi32, #tpu.memory_space<vmem>>) target_semaphore(%run_scoped3A : memref<!tpu.dma_semaphore, #tpu.memory_space<semaphore_mem>>)
        %dma_wait3A = arith.constant 0 : i32
        %dma_wait3A_41 = arith.constant 0 : i32
        %dma_wait3A_42 = tpu.memref_slice %arg6[%arg1, %dma_wait3A, %dma_wait3A_41] : memref<16x40x125xi32, #tpu.memory_space<hbm>> -> memref<1x40x125xi32, #tpu.memory_space<hbm>>
        %dma_wait3A_43 = tpu.memref_squeeze %dma_wait3A_42 : memref<1x40x125xi32, #tpu.memory_space<hbm>> -> memref<40x125xi32, #tpu.memory_space<hbm>>
        %dma_wait3A_44 = arith.constant 0 : i32
        %dma_wait3A_45 = arith.constant 0 : i32
        %dma_wait3A_46 = tpu.memref_slice %arg6[%arg1, %dma_wait3A_44, %dma_wait3A_45] : memref<16x40x125xi32, #tpu.memory_space<hbm>> -> memref<1x40x125xi32, #tpu.memory_space<hbm>>
        %dma_wait3A_47 = tpu.memref_squeeze %dma_wait3A_46 : memref<1x40x125xi32, #tpu.memory_space<hbm>> -> memref<40x125xi32, #tpu.memory_space<hbm>>
        tpu.wait_dma2 semaphore(%run_scoped3A : memref<!tpu.dma_semaphore, #tpu.memory_space<semaphore_mem>>) src(%dma_wait3A_47 : memref<40x125xi32, #tpu.memory_space<hbm>>) dst(%arg11 : memref<40x125xi32, #tpu.memory_space<vmem>>)
        tpu.yield
      }) : () -> ()
      %dma_start3A = arith.constant 0 : i32
      %dma_start3A_8 = arith.constant 0 : i32
      %dma_start3A_9 = tpu.memref_slice %arg10[%dma_start3A, %dma_start3A_8] : memref<40x125xi32, #tpu.memory_space<vmem>> -> memref<1x125xi32, #tpu.memory_space<vmem>>
      %dma_start3A_10 = tpu.memref_squeeze %dma_start3A_9 : memref<1x125xi32, #tpu.memory_space<vmem>> -> memref<125xi32, #tpu.memory_space<vmem>>
      %dma_start3A_11 = arith.constant 0 : i32
      %dma_start3A_12 = arith.constant 0 : i32
      %dma_start3A_13 = tpu.memref_slice %arg3[%dma_start3A_11, %dma_start3A_12] : memref<10240x128xf32, #tpu.memory_space<hbm>> -> memref<10240x128xf32, #tpu.memory_space<hbm>>
      tpu.enqueue_indirect_dma source(%dma_start3A_13 : memref<10240x128xf32, #tpu.memory_space<hbm>>) target(%arg12 : memref<125x128xf32, #tpu.memory_space<vmem>>) offsets(%dma_start3A_10 : memref<125xi32, #tpu.memory_space<vmem>>) semaphore(%arg15 : memref<!tpu.dma_semaphore, #tpu.memory_space<semaphore_mem>>)
      %scan3A = arith.constant 0 : i32
      %scan3A_14 = arith.constant 0 : i32
      %scan3A_15 = arith.constant 20 : i32
      %scan3A_16 = arith.addi %scan3A_14, %scan3A_15 : i32
      %scan3A_17 = arith.constant 1 : i32
      scf.for %scan3A_33 = %scan3A_14 to %scan3A_16 step %scan3A_17  : i32 {
        %mul3A_34 = arith.constant 2 : i32
        %mul3A_35 = arith.muli %mul3A_34, %scan3A_33 : i32
        %add3A = arith.constant 1 : i32
        %add3A_36 = arith.addi %mul3A_35, %add3A : i32
        %dma_start3A_37 = arith.constant 0 : i32
        %dma_start3A_38 = tpu.memref_slice %arg10[%add3A_36, %dma_start3A_37] : memref<40x125xi32, #tpu.memory_space<vmem>> -> memref<1x125xi32, #tpu.memory_space<vmem>>
        %dma_start3A_39 = tpu.memref_squeeze %dma_start3A_38 : memref<1x125xi32, #tpu.memory_space<vmem>> -> memref<125xi32, #tpu.memory_space<vmem>>
        %dma_start3A_40 = arith.constant 0 : i32
        %dma_start3A_41 = arith.constant 0 : i32
        %dma_start3A_42 = tpu.memref_slice %arg3[%dma_start3A_40, %dma_start3A_41] : memref<10240x128xf32, #tpu.memory_space<hbm>> -> memref<10240x128xf32, #tpu.memory_space<hbm>>
        tpu.enqueue_indirect_dma source(%dma_start3A_42 : memref<10240x128xf32, #tpu.memory_space<hbm>>) target(%arg13 : memref<125x128xf32, #tpu.memory_space<vmem>>) offsets(%dma_start3A_39 : memref<125xi32, #tpu.memory_space<vmem>>) semaphore(%arg16 : memref<!tpu.dma_semaphore, #tpu.memory_space<semaphore_mem>>)
        %dma_wait3A = arith.constant 0 : i32
        %dma_wait3A_43 = tpu.memref_slice %arg10[%mul3A_35, %dma_wait3A] : memref<40x125xi32, #tpu.memory_space<vmem>> -> memref<1x125xi32, #tpu.memory_space<vmem>>
        %dma_wait3A_44 = tpu.memref_squeeze %dma_wait3A_43 : memref<1x125xi32, #tpu.memory_space<vmem>> -> memref<125xi32, #tpu.memory_space<vmem>>
        %dma_wait3A_45 = arith.constant 0 : i32
        %dma_wait3A_46 = arith.constant 0 : i32
        %dma_wait3A_47 = tpu.memref_slice %arg3[%dma_wait3A_45, %dma_wait3A_46] : memref<10240x128xf32, #tpu.memory_space<hbm>> -> memref<10240x128xf32, #tpu.memory_space<hbm>>
        tpu.wait_indirect_dma semaphore(%arg15 : memref<!tpu.dma_semaphore, #tpu.memory_space<semaphore_mem>>) src(%dma_wait3A_47 : memref<10240x128xf32, #tpu.memory_space<hbm>>) dst(%arg12 : memref<125x128xf32, #tpu.memory_space<vmem>>)
        "tpu.region"() ({
          %run_scoped3A = tpu.sem_alloc : memref<!tpu.dma_semaphore, #tpu.memory_space<semaphore_mem>>
          %dma_start3A_60 = arith.constant 0 : i32
          %dma_start3A_61 = tpu.memref_slice %arg11[%mul3A_35, %dma_start3A_60] : memref<40x125xi32, #tpu.memory_space<vmem>> -> memref<1x125xi32, #tpu.memory_space<vmem>>
          %dma_start3A_62 = tpu.memref_squeeze %dma_start3A_61 : memref<1x125xi32, #tpu.memory_space<vmem>> -> memref<125xi32, #tpu.memory_space<vmem>>
          %dma_start3A_63 = arith.constant 0 : i32
          %dma_start3A_64 = arith.constant 0 : i32
          %dma_start3A_65 = tpu.memref_slice %arg14[%dma_start3A_63, %dma_start3A_64] : memref<10240x128xf32, #tpu.memory_space<vmem_shared>> -> memref<10240x128xf32, #tpu.memory_space<vmem_shared>>
          tpu.enqueue_indirect_dma source(%arg12 : memref<125x128xf32, #tpu.memory_space<vmem>>) target(%dma_start3A_65 : memref<10240x128xf32, #tpu.memory_space<vmem_shared>>) offsets(%dma_start3A_62 : memref<125xi32, #tpu.memory_space<vmem>>) semaphore(%run_scoped3A : memref<!tpu.dma_semaphore, #tpu.memory_space<semaphore_mem>>) {add = true}
          %dma_wait3A_66 = arith.constant 0 : i32
          %dma_wait3A_67 = tpu.memref_slice %arg11[%mul3A_35, %dma_wait3A_66] : memref<40x125xi32, #tpu.memory_space<vmem>> -> memref<1x125xi32, #tpu.memory_space<vmem>>
          %dma_wait3A_68 = tpu.memref_squeeze %dma_wait3A_67 : memref<1x125xi32, #tpu.memory_space<vmem>> -> memref<125xi32, #tpu.memory_space<vmem>>
          %dma_wait3A_69 = arith.constant 0 : i32
          %dma_wait3A_70 = arith.constant 0 : i32
          %dma_wait3A_71 = tpu.memref_slice %arg14[%dma_wait3A_69, %dma_wait3A_70] : memref<10240x128xf32, #tpu.memory_space<vmem_shared>> -> memref<10240x128xf32, #tpu.memory_space<vmem_shared>>
          tpu.wait_indirect_dma semaphore(%run_scoped3A : memref<!tpu.dma_semaphore, #tpu.memory_space<semaphore_mem>>) src(%arg12 : memref<125x128xf32, #tpu.memory_space<vmem>>) dst(%dma_wait3A_71 : memref<10240x128xf32, #tpu.memory_space<vmem_shared>>)
          tpu.yield
        }) : () -> ()
        %lt3A = arith.constant 19 : i32
        %lt3A_48 = arith.cmpi slt, %scan3A_33, %lt3A : i32
        %convert_element_type3A_49 = arith.extui %lt3A_48 : i1 to i32
        %cond3A_50 = arith.constant 0 : i32
        %cond3A_51 = arith.cmpi ne, %convert_element_type3A_49, %cond3A_50 : i32
        scf.if %cond3A_51 {
          %add3A_60 = arith.constant 2 : i32
          %add3A_61 = arith.addi %mul3A_35, %add3A_60 : i32
          %dma_start3A_62 = arith.constant 0 : i32
          %dma_start3A_63 = tpu.memref_slice %arg10[%add3A_61, %dma_start3A_62] : memref<40x125xi32, #tpu.memory_space<vmem>> -> memref<1x125xi32, #tpu.memory_space<vmem>>
          %dma_start3A_64 = tpu.memref_squeeze %dma_start3A_63 : memref<1x125xi32, #tpu.memory_space<vmem>> -> memref<125xi32, #tpu.memory_space<vmem>>
          %dma_start3A_65 = arith.constant 0 : i32
          %dma_start3A_66 = arith.constant 0 : i32
          %dma_start3A_67 = tpu.memref_slice %arg3[%dma_start3A_65, %dma_start3A_66] : memref<10240x128xf32, #tpu.memory_space<hbm>> -> memref<10240x128xf32, #tpu.memory_space<hbm>>
          tpu.enqueue_indirect_dma source(%dma_start3A_67 : memref<10240x128xf32, #tpu.memory_space<hbm>>) target(%arg12 : memref<125x128xf32, #tpu.memory_space<vmem>>) offsets(%dma_start3A_64 : memref<125xi32, #tpu.memory_space<vmem>>) semaphore(%arg15 : memref<!tpu.dma_semaphore, #tpu.memory_space<semaphore_mem>>)
        } else {
        }
        %dma_wait3A_52 = arith.constant 0 : i32
        %dma_wait3A_53 = tpu.memref_slice %arg10[%add3A_36, %dma_wait3A_52] : memref<40x125xi32, #tpu.memory_space<vmem>> -> memref<1x125xi32, #tpu.memory_space<vmem>>
        %dma_wait3A_54 = tpu.memref_squeeze %dma_wait3A_53 : memref<1x125xi32, #tpu.memory_space<vmem>> -> memref<125xi32, #tpu.memory_space<vmem>>
        %dma_wait3A_55 = arith.constant 0 : i32
        %dma_wait3A_56 = arith.constant 0 : i32
        %dma_wait3A_57 = tpu.memref_slice %arg3[%dma_wait3A_55, %dma_wait3A_56] : memref<10240x128xf32, #tpu.memory_space<hbm>> -> memref<10240x128xf32, #tpu.memory_space<hbm>>
        tpu.wait_indirect_dma semaphore(%arg16 : memref<!tpu.dma_semaphore, #tpu.memory_space<semaphore_mem>>) src(%dma_wait3A_57 : memref<10240x128xf32, #tpu.memory_space<hbm>>) dst(%arg13 : memref<125x128xf32, #tpu.memory_space<vmem>>)
        %add3A_58 = arith.constant 1 : i32
        %add3A_59 = arith.addi %mul3A_35, %add3A_58 : i32
        "tpu.region"() ({
          %run_scoped3A = tpu.sem_alloc : memref<!tpu.dma_semaphore, #tpu.memory_space<semaphore_mem>>
          %dma_start3A_60 = arith.constant 0 : i32
          %dma_start3A_61 = tpu.memref_slice %arg11[%add3A_59, %dma_start3A_60] : memref<40x125xi32, #tpu.memory_space<vmem>> -> memref<1x125xi32, #tpu.memory_space<vmem>>
          %dma_start3A_62 = tpu.memref_squeeze %dma_start3A_61 : memref<1x125xi32, #tpu.memory_space<vmem>> -> memref<125xi32, #tpu.memory_space<vmem>>
          %dma_start3A_63 = arith.constant 0 : i32
          %dma_start3A_64 = arith.constant 0 : i32
          %dma_start3A_65 = tpu.memref_slice %arg14[%dma_start3A_63, %dma_start3A_64] : memref<10240x128xf32, #tpu.memory_space<vmem_shared>> -> memref<10240x128xf32, #tpu.memory_space<vmem_shared>>
          tpu.enqueue_indirect_dma source(%arg13 : memref<125x128xf32, #tpu.memory_space<vmem>>) target(%dma_start3A_65 : memref<10240x128xf32, #tpu.memory_space<vmem_shared>>) offsets(%dma_start3A_62 : memref<125xi32, #tpu.memory_space<vmem>>) semaphore(%run_scoped3A : memref<!tpu.dma_semaphore, #tpu.memory_space<semaphore_mem>>) {add = true}
          %dma_wait3A_66 = arith.constant 0 : i32
          %dma_wait3A_67 = tpu.memref_slice %arg11[%add3A_59, %dma_wait3A_66] : memref<40x125xi32, #tpu.memory_space<vmem>> -> memref<1x125xi32, #tpu.memory_space<vmem>>
          %dma_wait3A_68 = tpu.memref_squeeze %dma_wait3A_67 : memref<1x125xi32, #tpu.memory_space<vmem>> -> memref<125xi32, #tpu.memory_space<vmem>>
          %dma_wait3A_69 = arith.constant 0 : i32
          %dma_wait3A_70 = arith.constant 0 : i32
          %dma_wait3A_71 = tpu.memref_slice %arg14[%dma_wait3A_69, %dma_wait3A_70] : memref<10240x128xf32, #tpu.memory_space<vmem_shared>> -> memref<10240x128xf32, #tpu.memory_space<vmem_shared>>
          tpu.wait_indirect_dma semaphore(%run_scoped3A : memref<!tpu.dma_semaphore, #tpu.memory_space<semaphore_mem>>) src(%arg13 : memref<125x128xf32, #tpu.memory_space<vmem>>) dst(%dma_wait3A_71 : memref<10240x128xf32, #tpu.memory_space<vmem_shared>>)
          tpu.yield
        }) : () -> ()
      }
      %scan3A_18 = arith.constant 20 : i32
      "tpu.region"() ({
        %run_scoped3A = tpu.sem_alloc : memref<!tpu.dma_semaphore, #tpu.memory_space<semaphore_mem>>
        %dma_start3A_33 = arith.constant 0 : i32
        %dma_start3A_34 = arith.constant 0 : i32
        %dma_start3A_35 = tpu.memref_slice %arg5[%arg1, %dma_start3A_33, %dma_start3A_34] : memref<16x40x125xi32, #tpu.memory_space<hbm>> -> memref<1x40x125xi32, #tpu.memory_space<hbm>>
        %dma_start3A_36 = tpu.memref_squeeze %dma_start3A_35 : memref<1x40x125xi32, #tpu.memory_space<hbm>> -> memref<40x125xi32, #tpu.memory_space<hbm>>
        %dma_start3A_37 = arith.constant 0 : i32
        %dma_start3A_38 = arith.constant 0 : i32
        %dma_start3A_39 = tpu.memref_slice %arg5[%arg1, %dma_start3A_37, %dma_start3A_38] : memref<16x40x125xi32, #tpu.memory_space<hbm>> -> memref<1x40x125xi32, #tpu.memory_space<hbm>>
        %dma_start3A_40 = tpu.memref_squeeze %dma_start3A_39 : memref<1x40x125xi32, #tpu.memory_space<hbm>> -> memref<40x125xi32, #tpu.memory_space<hbm>>
        tpu.enqueue_dma source(%dma_start3A_40 : memref<40x125xi32, #tpu.memory_space<hbm>>) target(%arg10 : memref<40x125xi32, #tpu.memory_space<vmem>>) target_semaphore(%run_scoped3A : memref<!tpu.dma_semaphore, #tpu.memory_space<semaphore_mem>>)
        %dma_wait3A = arith.constant 0 : i32
        %dma_wait3A_41 = arith.constant 0 : i32
        %dma_wait3A_42 = tpu.memref_slice %arg5[%arg1, %dma_wait3A, %dma_wait3A_41] : memref<16x40x125xi32, #tpu.memory_space<hbm>> -> memref<1x40x125xi32, #tpu.memory_space<hbm>>
        %dma_wait3A_43 = tpu.memref_squeeze %dma_wait3A_42 : memref<1x40x125xi32, #tpu.memory_space<hbm>> -> memref<40x125xi32, #tpu.memory_space<hbm>>
        %dma_wait3A_44 = arith.constant 0 : i32
        %dma_wait3A_45 = arith.constant 0 : i32
        %dma_wait3A_46 = tpu.memref_slice %arg5[%arg1, %dma_wait3A_44, %dma_wait3A_45] : memref<16x40x125xi32, #tpu.memory_space<hbm>> -> memref<1x40x125xi32, #tpu.memory_space<hbm>>
        %dma_wait3A_47 = tpu.memref_squeeze %dma_wait3A_46 : memref<1x40x125xi32, #tpu.memory_space<hbm>> -> memref<40x125xi32, #tpu.memory_space<hbm>>
        tpu.wait_dma2 semaphore(%run_scoped3A : memref<!tpu.dma_semaphore, #tpu.memory_space<semaphore_mem>>) src(%dma_wait3A_47 : memref<40x125xi32, #tpu.memory_space<hbm>>) dst(%arg10 : memref<40x125xi32, #tpu.memory_space<vmem>>)
        tpu.yield
      }) : () -> ()
      "tpu.region"() ({
        %run_scoped3A = tpu.sem_alloc : memref<!tpu.dma_semaphore, #tpu.memory_space<semaphore_mem>>
        %dma_start3A_33 = arith.constant 0 : i32
        %dma_start3A_34 = arith.constant 0 : i32
        %dma_start3A_35 = tpu.memref_slice %arg7[%arg1, %dma_start3A_33, %dma_start3A_34] : memref<16x40x125xi32, #tpu.memory_space<hbm>> -> memref<1x40x125xi32, #tpu.memory_space<hbm>>
        %dma_start3A_36 = tpu.memref_squeeze %dma_start3A_35 : memref<1x40x125xi32, #tpu.memory_space<hbm>> -> memref<40x125xi32, #tpu.memory_space<hbm>>
        %dma_start3A_37 = arith.constant 0 : i32
        %dma_start3A_38 = arith.constant 0 : i32
        %dma_start3A_39 = tpu.memref_slice %arg7[%arg1, %dma_start3A_37, %dma_start3A_38] : memref<16x40x125xi32, #tpu.memory_space<hbm>> -> memref<1x40x125xi32, #tpu.memory_space<hbm>>
        %dma_start3A_40 = tpu.memref_squeeze %dma_start3A_39 : memref<1x40x125xi32, #tpu.memory_space<hbm>> -> memref<40x125xi32, #tpu.memory_space<hbm>>
        tpu.enqueue_dma source(%dma_start3A_40 : memref<40x125xi32, #tpu.memory_space<hbm>>) target(%arg11 : memref<40x125xi32, #tpu.memory_space<vmem>>) target_semaphore(%run_scoped3A : memref<!tpu.dma_semaphore, #tpu.memory_space<semaphore_mem>>)
        %dma_wait3A = arith.constant 0 : i32
        %dma_wait3A_41 = arith.constant 0 : i32
        %dma_wait3A_42 = tpu.memref_slice %arg7[%arg1, %dma_wait3A, %dma_wait3A_41] : memref<16x40x125xi32, #tpu.memory_space<hbm>> -> memref<1x40x125xi32, #tpu.memory_space<hbm>>
        %dma_wait3A_43 = tpu.memref_squeeze %dma_wait3A_42 : memref<1x40x125xi32, #tpu.memory_space<hbm>> -> memref<40x125xi32, #tpu.memory_space<hbm>>
        %dma_wait3A_44 = arith.constant 0 : i32
        %dma_wait3A_45 = arith.constant 0 : i32
        %dma_wait3A_46 = tpu.memref_slice %arg7[%arg1, %dma_wait3A_44, %dma_wait3A_45] : memref<16x40x125xi32, #tpu.memory_space<hbm>> -> memref<1x40x125xi32, #tpu.memory_space<hbm>>
        %dma_wait3A_47 = tpu.memref_squeeze %dma_wait3A_46 : memref<1x40x125xi32, #tpu.memory_space<hbm>> -> memref<40x125xi32, #tpu.memory_space<hbm>>
        tpu.wait_dma2 semaphore(%run_scoped3A : memref<!tpu.dma_semaphore, #tpu.memory_space<semaphore_mem>>) src(%dma_wait3A_47 : memref<40x125xi32, #tpu.memory_space<hbm>>) dst(%arg11 : memref<40x125xi32, #tpu.memory_space<vmem>>)
        tpu.yield
      }) : () -> ()
      %dma_start3A_19 = arith.constant 0 : i32
      %dma_start3A_20 = arith.constant 0 : i32
      %dma_start3A_21 = tpu.memref_slice %arg10[%dma_start3A_19, %dma_start3A_20] : memref<40x125xi32, #tpu.memory_space<vmem>> -> memref<1x125xi32, #tpu.memory_space<vmem>>
      %dma_start3A_22 = tpu.memref_squeeze %dma_start3A_21 : memref<1x125xi32, #tpu.memory_space<vmem>> -> memref<125xi32, #tpu.memory_space<vmem>>
      %dma_start3A_23 = arith.constant 0 : i32
      %dma_start3A_24 = arith.constant 0 : i32
      %dma_start3A_25 = tpu.memref_slice %arg3[%dma_start3A_23, %dma_start3A_24] : memref<10240x128xf32, #tpu.memory_space<hbm>> -> memref<10240x128xf32, #tpu.memory_space<hbm>>
      tpu.enqueue_indirect_dma source(%dma_start3A_25 : memref<10240x128xf32, #tpu.memory_space<hbm>>) target(%arg12 : memref<125x128xf32, #tpu.memory_space<vmem>>) offsets(%dma_start3A_22 : memref<125xi32, #tpu.memory_space<vmem>>) semaphore(%arg15 : memref<!tpu.dma_semaphore, #tpu.memory_space<semaphore_mem>>)
      %scan3A_26 = arith.constant 0 : i32
      %scan3A_27 = arith.constant 0 : i32
      %scan3A_28 = arith.constant 20 : i32
      %scan3A_29 = arith.addi %scan3A_27, %scan3A_28 : i32
      %scan3A_30 = arith.constant 1 : i32
      scf.for %scan3A_33 = %scan3A_27 to %scan3A_29 step %scan3A_30  : i32 {
        %mul3A_34 = arith.constant 2 : i32
        %mul3A_35 = arith.muli %mul3A_34, %scan3A_33 : i32
        %add3A = arith.constant 1 : i32
        %add3A_36 = arith.addi %mul3A_35, %add3A : i32
        %dma_start3A_37 = arith.constant 0 : i32
        %dma_start3A_38 = tpu.memref_slice %arg10[%add3A_36, %dma_start3A_37] : memref<40x125xi32, #tpu.memory_space<vmem>> -> memref<1x125xi32, #tpu.memory_space<vmem>>
        %dma_start3A_39 = tpu.memref_squeeze %dma_start3A_38 : memref<1x125xi32, #tpu.memory_space<vmem>> -> memref<125xi32, #tpu.memory_space<vmem>>
        %dma_start3A_40 = arith.constant 0 : i32
        %dma_start3A_41 = arith.constant 0 : i32
        %dma_start3A_42 = tpu.memref_slice %arg3[%dma_start3A_40, %dma_start3A_41] : memref<10240x128xf32, #tpu.memory_space<hbm>> -> memref<10240x128xf32, #tpu.memory_space<hbm>>
        tpu.enqueue_indirect_dma source(%dma_start3A_42 : memref<10240x128xf32, #tpu.memory_space<hbm>>) target(%arg13 : memref<125x128xf32, #tpu.memory_space<vmem>>) offsets(%dma_start3A_39 : memref<125xi32, #tpu.memory_space<vmem>>) semaphore(%arg16 : memref<!tpu.dma_semaphore, #tpu.memory_space<semaphore_mem>>)
        %dma_wait3A = arith.constant 0 : i32
        %dma_wait3A_43 = tpu.memref_slice %arg10[%mul3A_35, %dma_wait3A] : memref<40x125xi32, #tpu.memory_space<vmem>> -> memref<1x125xi32, #tpu.memory_space<vmem>>
        %dma_wait3A_44 = tpu.memref_squeeze %dma_wait3A_43 : memref<1x125xi32, #tpu.memory_space<vmem>> -> memref<125xi32, #tpu.memory_space<vmem>>
        %dma_wait3A_45 = arith.constant 0 : i32
        %dma_wait3A_46 = arith.constant 0 : i32
        %dma_wait3A_47 = tpu.memref_slice %arg3[%dma_wait3A_45, %dma_wait3A_46] : memref<10240x128xf32, #tpu.memory_space<hbm>> -> memref<10240x128xf32, #tpu.memory_space<hbm>>
        tpu.wait_indirect_dma semaphore(%arg15 : memref<!tpu.dma_semaphore, #tpu.memory_space<semaphore_mem>>) src(%dma_wait3A_47 : memref<10240x128xf32, #tpu.memory_space<hbm>>) dst(%arg12 : memref<125x128xf32, #tpu.memory_space<vmem>>)
        "tpu.region"() ({
          %run_scoped3A = tpu.sem_alloc : memref<!tpu.dma_semaphore, #tpu.memory_space<semaphore_mem>>
          %dma_start3A_60 = arith.constant 0 : i32
          %dma_start3A_61 = tpu.memref_slice %arg11[%mul3A_35, %dma_start3A_60] : memref<40x125xi32, #tpu.memory_space<vmem>> -> memref<1x125xi32, #tpu.memory_space<vmem>>
          %dma_start3A_62 = tpu.memref_squeeze %dma_start3A_61 : memref<1x125xi32, #tpu.memory_space<vmem>> -> memref<125xi32, #tpu.memory_space<vmem>>
          %dma_start3A_63 = arith.constant 0 : i32
          %dma_start3A_64 = arith.constant 0 : i32
          %dma_start3A_65 = tpu.memref_slice %arg14[%dma_start3A_63, %dma_start3A_64] : memref<10240x128xf32, #tpu.memory_space<vmem_shared>> -> memref<10240x128xf32, #tpu.memory_space<vmem_shared>>
          tpu.enqueue_indirect_dma source(%arg12 : memref<125x128xf32, #tpu.memory_space<vmem>>) target(%dma_start3A_65 : memref<10240x128xf32, #tpu.memory_space<vmem_shared>>) offsets(%dma_start3A_62 : memref<125xi32, #tpu.memory_space<vmem>>) semaphore(%run_scoped3A : memref<!tpu.dma_semaphore, #tpu.memory_space<semaphore_mem>>) {add = true}
          %dma_wait3A_66 = arith.constant 0 : i32
          %dma_wait3A_67 = tpu.memref_slice %arg11[%mul3A_35, %dma_wait3A_66] : memref<40x125xi32, #tpu.memory_space<vmem>> -> memref<1x125xi32, #tpu.memory_space<vmem>>
          %dma_wait3A_68 = tpu.memref_squeeze %dma_wait3A_67 : memref<1x125xi32, #tpu.memory_space<vmem>> -> memref<125xi32, #tpu.memory_space<vmem>>
          %dma_wait3A_69 = arith.constant 0 : i32
          %dma_wait3A_70 = arith.constant 0 : i32
          %dma_wait3A_71 = tpu.memref_slice %arg14[%dma_wait3A_69, %dma_wait3A_70] : memref<10240x128xf32, #tpu.memory_space<vmem_shared>> -> memref<10240x128xf32, #tpu.memory_space<vmem_shared>>
          tpu.wait_indirect_dma semaphore(%run_scoped3A : memref<!tpu.dma_semaphore, #tpu.memory_space<semaphore_mem>>) src(%arg12 : memref<125x128xf32, #tpu.memory_space<vmem>>) dst(%dma_wait3A_71 : memref<10240x128xf32, #tpu.memory_space<vmem_shared>>)
          tpu.yield
        }) : () -> ()
        %lt3A = arith.constant 19 : i32
        %lt3A_48 = arith.cmpi slt, %scan3A_33, %lt3A : i32
        %convert_element_type3A_49 = arith.extui %lt3A_48 : i1 to i32
        %cond3A_50 = arith.constant 0 : i32
        %cond3A_51 = arith.cmpi ne, %convert_element_type3A_49, %cond3A_50 : i32
        scf.if %cond3A_51 {
          %add3A_60 = arith.constant 2 : i32
          %add3A_61 = arith.addi %mul3A_35, %add3A_60 : i32
          %dma_start3A_62 = arith.constant 0 : i32
          %dma_start3A_63 = tpu.memref_slice %arg10[%add3A_61, %dma_start3A_62] : memref<40x125xi32, #tpu.memory_space<vmem>> -> memref<1x125xi32, #tpu.memory_space<vmem>>
          %dma_start3A_64 = tpu.memref_squeeze %dma_start3A_63 : memref<1x125xi32, #tpu.memory_space<vmem>> -> memref<125xi32, #tpu.memory_space<vmem>>
          %dma_start3A_65 = arith.constant 0 : i32
          %dma_start3A_66 = arith.constant 0 : i32
          %dma_start3A_67 = tpu.memref_slice %arg3[%dma_start3A_65, %dma_start3A_66] : memref<10240x128xf32, #tpu.memory_space<hbm>> -> memref<10240x128xf32, #tpu.memory_space<hbm>>
          tpu.enqueue_indirect_dma source(%dma_start3A_67 : memref<10240x128xf32, #tpu.memory_space<hbm>>) target(%arg12 : memref<125x128xf32, #tpu.memory_space<vmem>>) offsets(%dma_start3A_64 : memref<125xi32, #tpu.memory_space<vmem>>) semaphore(%arg15 : memref<!tpu.dma_semaphore, #tpu.memory_space<semaphore_mem>>)
        } else {
        }
        %dma_wait3A_52 = arith.constant 0 : i32
        %dma_wait3A_53 = tpu.memref_slice %arg10[%add3A_36, %dma_wait3A_52] : memref<40x125xi32, #tpu.memory_space<vmem>> -> memref<1x125xi32, #tpu.memory_space<vmem>>
        %dma_wait3A_54 = tpu.memref_squeeze %dma_wait3A_53 : memref<1x125xi32, #tpu.memory_space<vmem>> -> memref<125xi32, #tpu.memory_space<vmem>>
        %dma_wait3A_55 = arith.constant 0 : i32
        %dma_wait3A_56 = arith.constant 0 : i32
        %dma_wait3A_57 = tpu.memref_slice %arg3[%dma_wait3A_55, %dma_wait3A_56] : memref<10240x128xf32, #tpu.memory_space<hbm>> -> memref<10240x128xf32, #tpu.memory_space<hbm>>
        tpu.wait_indirect_dma semaphore(%arg16 : memref<!tpu.dma_semaphore, #tpu.memory_space<semaphore_mem>>) src(%dma_wait3A_57 : memref<10240x128xf32, #tpu.memory_space<hbm>>) dst(%arg13 : memref<125x128xf32, #tpu.memory_space<vmem>>)
        %add3A_58 = arith.constant 1 : i32
        %add3A_59 = arith.addi %mul3A_35, %add3A_58 : i32
        "tpu.region"() ({
          %run_scoped3A = tpu.sem_alloc : memref<!tpu.dma_semaphore, #tpu.memory_space<semaphore_mem>>
          %dma_start3A_60 = arith.constant 0 : i32
          %dma_start3A_61 = tpu.memref_slice %arg11[%add3A_59, %dma_start3A_60] : memref<40x125xi32, #tpu.memory_space<vmem>> -> memref<1x125xi32, #tpu.memory_space<vmem>>
          %dma_start3A_62 = tpu.memref_squeeze %dma_start3A_61 : memref<1x125xi32, #tpu.memory_space<vmem>> -> memref<125xi32, #tpu.memory_space<vmem>>
          %dma_start3A_63 = arith.constant 0 : i32
          %dma_start3A_64 = arith.constant 0 : i32
          %dma_start3A_65 = tpu.memref_slice %arg14[%dma_start3A_63, %dma_start3A_64] : memref<10240x128xf32, #tpu.memory_space<vmem_shared>> -> memref<10240x128xf32, #tpu.memory_space<vmem_shared>>
          tpu.enqueue_indirect_dma source(%arg13 : memref<125x128xf32, #tpu.memory_space<vmem>>) target(%dma_start3A_65 : memref<10240x128xf32, #tpu.memory_space<vmem_shared>>) offsets(%dma_start3A_62 : memref<125xi32, #tpu.memory_space<vmem>>) semaphore(%run_scoped3A : memref<!tpu.dma_semaphore, #tpu.memory_space<semaphore_mem>>) {add = true}
          %dma_wait3A_66 = arith.constant 0 : i32
          %dma_wait3A_67 = tpu.memref_slice %arg11[%add3A_59, %dma_wait3A_66] : memref<40x125xi32, #tpu.memory_space<vmem>> -> memref<1x125xi32, #tpu.memory_space<vmem>>
          %dma_wait3A_68 = tpu.memref_squeeze %dma_wait3A_67 : memref<1x125xi32, #tpu.memory_space<vmem>> -> memref<125xi32, #tpu.memory_space<vmem>>
          %dma_wait3A_69 = arith.constant 0 : i32
          %dma_wait3A_70 = arith.constant 0 : i32
          %dma_wait3A_71 = tpu.memref_slice %arg14[%dma_wait3A_69, %dma_wait3A_70] : memref<10240x128xf32, #tpu.memory_space<vmem_shared>> -> memref<10240x128xf32, #tpu.memory_space<vmem_shared>>
          tpu.wait_indirect_dma semaphore(%run_scoped3A : memref<!tpu.dma_semaphore, #tpu.memory_space<semaphore_mem>>) src(%arg13 : memref<125x128xf32, #tpu.memory_space<vmem>>) dst(%dma_wait3A_71 : memref<10240x128xf32, #tpu.memory_space<vmem_shared>>)
          tpu.yield
        }) : () -> ()
      }
      %scan3A_31 = arith.constant 20 : i32
      %barrier3A_32 = arith.constant 0 : index
      tpu.barrier barrier_id(%barrier3A_32)
      "tpu.region"() ({
        %run_scoped3A = tpu.sem_alloc : memref<!tpu.dma_semaphore, #tpu.memory_space<semaphore_mem>>
        %dma_start3A_33 = arith.constant 0 : i32
        %dma_start3A_34 = tpu.memref_slice %arg9[%mul3A_0, %dma_start3A_33] : memref<10240x128xf32, #tpu.memory_space<hbm>> -> memref<640x128xf32, #tpu.memory_space<hbm>>
        %dma_start3A_35 = arith.constant 0 : i32
        %dma_start3A_36 = tpu.memref_slice %arg14[%mul3A_0, %dma_start3A_35] : memref<10240x128xf32, #tpu.memory_space<vmem_shared>> -> memref<640x128xf32, #tpu.memory_space<vmem_shared>>
        tpu.enqueue_dma source(%dma_start3A_36 : memref<640x128xf32, #tpu.memory_space<vmem_shared>>) target(%dma_start3A_34 : memref<640x128xf32, #tpu.memory_space<hbm>>) target_semaphore(%run_scoped3A : memref<!tpu.dma_semaphore, #tpu.memory_space<semaphore_mem>>)
        %dma_wait3A = arith.constant 0 : i32
        %dma_wait3A_37 = tpu.memref_slice %arg9[%mul3A_0, %dma_wait3A] : memref<10240x128xf32, #tpu.memory_space<hbm>> -> memref<640x128xf32, #tpu.memory_space<hbm>>
        %dma_wait3A_38 = arith.constant 0 : i32
        %dma_wait3A_39 = tpu.memref_slice %arg14[%mul3A_0, %dma_wait3A_38] : memref<10240x128xf32, #tpu.memory_space<vmem_shared>> -> memref<640x128xf32, #tpu.memory_space<vmem_shared>>
        tpu.wait_dma2 semaphore(%run_scoped3A : memref<!tpu.dma_semaphore, #tpu.memory_space<semaphore_mem>>) src(%dma_wait3A_39 : memref<640x128xf32, #tpu.memory_space<vmem_shared>>) dst(%dma_wait3A_37 : memref<640x128xf32, #tpu.memory_space<hbm>>)
        tpu.yield
      }) : () -> ()
    } else {
    }
    return
  }
}

#map = affine_map<(d0, d1) -> (0, 0, 0)>
#map1 = affine_map<(d0, d1) -> (0, 0)>
module attributes {stable_mosaic.version = 14 : i64} {
  func.func @deg_kernel(%arg0: i32, %arg1: i32, %arg2: memref<16x40x125xi32, #tpu.memory_space<hbm>>, %arg3: memref<16x40x125xi32, #tpu.memory_space<hbm>>, %arg4: memref<10240x128xf32, #tpu.memory_space<hbm>>, %arg5: memref<125x128xf32, #tpu.memory_space<hbm>>, %arg6: memref<10240x128xf32, #tpu.memory_space<hbm>>, %arg7: memref<10240x128xf32, #tpu.memory_space<hbm>>, %arg8: memref<40x125xi32, #tpu.memory_space<vmem>>, %arg9: memref<125x128xf32, #tpu.memory_space<vmem>>, %arg10: memref<10240x128xf32, #tpu.memory_space<vmem_shared>>) attributes {dimension_semantics = [#tpu.dimension_semantics<core_parallel>, #tpu.dimension_semantics<subcore_parallel>], iteration_bounds = array<i64: 2, 16>, scalar_prefetch = 0 : i64, scratch_operands = 3 : i64, tpu.core_type = #tpu.core_type<sc_vector_subcore>, window_params = [{transform_indices = #map}, {transform_indices = #map}, {transform_indices = #map1}, {transform_indices = #map1}, {transform_indices = #map1}, {transform_indices = #map1}]} {
    %mul3A = arith.constant 640 : i32
    %mul3A_0 = arith.muli %arg1, %mul3A : i32
    "tpu.region"() ({
      %run_scoped3A = tpu.sem_alloc : memref<!tpu.dma_semaphore, #tpu.memory_space<semaphore_mem>>
      tpu.enqueue_dma source(%arg5 : memref<125x128xf32, #tpu.memory_space<hbm>>) target(%arg9 : memref<125x128xf32, #tpu.memory_space<vmem>>) target_semaphore(%run_scoped3A : memref<!tpu.dma_semaphore, #tpu.memory_space<semaphore_mem>>)
      tpu.wait_dma2 semaphore(%run_scoped3A : memref<!tpu.dma_semaphore, #tpu.memory_space<semaphore_mem>>) src(%arg5 : memref<125x128xf32, #tpu.memory_space<hbm>>) dst(%arg9 : memref<125x128xf32, #tpu.memory_space<vmem>>)
      tpu.yield
    }) : () -> ()
    "tpu.region"() ({
      %run_scoped3A = tpu.sem_alloc : memref<!tpu.dma_semaphore, #tpu.memory_space<semaphore_mem>>
      %dma_start3A = arith.constant 0 : i32
      %dma_start3A_8 = tpu.memref_slice %arg10[%mul3A_0, %dma_start3A] : memref<10240x128xf32, #tpu.memory_space<vmem_shared>> -> memref<640x128xf32, #tpu.memory_space<vmem_shared>>
      %dma_start3A_9 = arith.constant 0 : i32
      %dma_start3A_10 = tpu.memref_slice %arg4[%mul3A_0, %dma_start3A_9] : memref<10240x128xf32, #tpu.memory_space<hbm>> -> memref<640x128xf32, #tpu.memory_space<hbm>>
      tpu.enqueue_dma source(%dma_start3A_10 : memref<640x128xf32, #tpu.memory_space<hbm>>) target(%dma_start3A_8 : memref<640x128xf32, #tpu.memory_space<vmem_shared>>) target_semaphore(%run_scoped3A : memref<!tpu.dma_semaphore, #tpu.memory_space<semaphore_mem>>)
      %dma_wait3A = arith.constant 0 : i32
      %dma_wait3A_11 = tpu.memref_slice %arg10[%mul3A_0, %dma_wait3A] : memref<10240x128xf32, #tpu.memory_space<vmem_shared>> -> memref<640x128xf32, #tpu.memory_space<vmem_shared>>
      %dma_wait3A_12 = arith.constant 0 : i32
      %dma_wait3A_13 = tpu.memref_slice %arg4[%mul3A_0, %dma_wait3A_12] : memref<10240x128xf32, #tpu.memory_space<hbm>> -> memref<640x128xf32, #tpu.memory_space<hbm>>
      tpu.wait_dma2 semaphore(%run_scoped3A : memref<!tpu.dma_semaphore, #tpu.memory_space<semaphore_mem>>) src(%dma_wait3A_13 : memref<640x128xf32, #tpu.memory_space<hbm>>) dst(%dma_wait3A_11 : memref<640x128xf32, #tpu.memory_space<vmem_shared>>)
      tpu.yield
    }) : () -> ()
    %barrier3A = arith.constant 0 : index
    tpu.barrier barrier_id(%barrier3A)
    %eq3A = arith.constant 0 : i32
    %eq3A_1 = arith.cmpi eq, %arg0, %eq3A : i32
    %convert_element_type3A = arith.extui %eq3A_1 : i1 to i32
    %cond3A = arith.constant 0 : i32
    %cond3A_2 = arith.cmpi ne, %convert_element_type3A, %cond3A : i32
    scf.if %cond3A_2 {
      "tpu.region"() ({
        %run_scoped3A = tpu.sem_alloc : memref<!tpu.dma_semaphore, #tpu.memory_space<semaphore_mem>>
        %dma_start3A = arith.constant 0 : i32
        %dma_start3A_14 = arith.constant 0 : i32
        %dma_start3A_15 = tpu.memref_slice %arg2[%arg1, %dma_start3A, %dma_start3A_14] : memref<16x40x125xi32, #tpu.memory_space<hbm>> -> memref<1x40x125xi32, #tpu.memory_space<hbm>>
        %dma_start3A_16 = tpu.memref_squeeze %dma_start3A_15 : memref<1x40x125xi32, #tpu.memory_space<hbm>> -> memref<40x125xi32, #tpu.memory_space<hbm>>
        %dma_start3A_17 = arith.constant 0 : i32
        %dma_start3A_18 = arith.constant 0 : i32
        %dma_start3A_19 = tpu.memref_slice %arg2[%arg1, %dma_start3A_17, %dma_start3A_18] : memref<16x40x125xi32, #tpu.memory_space<hbm>> -> memref<1x40x125xi32, #tpu.memory_space<hbm>>
        %dma_start3A_20 = tpu.memref_squeeze %dma_start3A_19 : memref<1x40x125xi32, #tpu.memory_space<hbm>> -> memref<40x125xi32, #tpu.memory_space<hbm>>
        tpu.enqueue_dma source(%dma_start3A_20 : memref<40x125xi32, #tpu.memory_space<hbm>>) target(%arg8 : memref<40x125xi32, #tpu.memory_space<vmem>>) target_semaphore(%run_scoped3A : memref<!tpu.dma_semaphore, #tpu.memory_space<semaphore_mem>>)
        %dma_wait3A = arith.constant 0 : i32
        %dma_wait3A_21 = arith.constant 0 : i32
        %dma_wait3A_22 = tpu.memref_slice %arg2[%arg1, %dma_wait3A, %dma_wait3A_21] : memref<16x40x125xi32, #tpu.memory_space<hbm>> -> memref<1x40x125xi32, #tpu.memory_space<hbm>>
        %dma_wait3A_23 = tpu.memref_squeeze %dma_wait3A_22 : memref<1x40x125xi32, #tpu.memory_space<hbm>> -> memref<40x125xi32, #tpu.memory_space<hbm>>
        %dma_wait3A_24 = arith.constant 0 : i32
        %dma_wait3A_25 = arith.constant 0 : i32
        %dma_wait3A_26 = tpu.memref_slice %arg2[%arg1, %dma_wait3A_24, %dma_wait3A_25] : memref<16x40x125xi32, #tpu.memory_space<hbm>> -> memref<1x40x125xi32, #tpu.memory_space<hbm>>
        %dma_wait3A_27 = tpu.memref_squeeze %dma_wait3A_26 : memref<1x40x125xi32, #tpu.memory_space<hbm>> -> memref<40x125xi32, #tpu.memory_space<hbm>>
        tpu.wait_dma2 semaphore(%run_scoped3A : memref<!tpu.dma_semaphore, #tpu.memory_space<semaphore_mem>>) src(%dma_wait3A_27 : memref<40x125xi32, #tpu.memory_space<hbm>>) dst(%arg8 : memref<40x125xi32, #tpu.memory_space<vmem>>)
        tpu.yield
      }) : () -> ()
      %scan3A = arith.constant 0 : i32
      %scan3A_8 = arith.constant 0 : i32
      %scan3A_9 = arith.constant 40 : i32
      %scan3A_10 = arith.addi %scan3A_8, %scan3A_9 : i32
      %scan3A_11 = arith.constant 1 : i32
      scf.for %scan3A_14 = %scan3A_8 to %scan3A_10 step %scan3A_11  : i32 {
        "tpu.region"() ({
          %run_scoped3A = tpu.sem_alloc : memref<!tpu.dma_semaphore, #tpu.memory_space<semaphore_mem>>
          %dma_start3A = arith.constant 0 : i32
          %dma_start3A_15 = tpu.memref_slice %arg8[%scan3A_14, %dma_start3A] : memref<40x125xi32, #tpu.memory_space<vmem>> -> memref<1x125xi32, #tpu.memory_space<vmem>>
          %dma_start3A_16 = tpu.memref_squeeze %dma_start3A_15 : memref<1x125xi32, #tpu.memory_space<vmem>> -> memref<125xi32, #tpu.memory_space<vmem>>
          %dma_start3A_17 = arith.constant 0 : i32
          %dma_start3A_18 = arith.constant 0 : i32
          %dma_start3A_19 = tpu.memref_slice %arg10[%dma_start3A_17, %dma_start3A_18] : memref<10240x128xf32, #tpu.memory_space<vmem_shared>> -> memref<10240x128xf32, #tpu.memory_space<vmem_shared>>
          tpu.enqueue_indirect_dma source(%arg9 : memref<125x128xf32, #tpu.memory_space<vmem>>) target(%dma_start3A_19 : memref<10240x128xf32, #tpu.memory_space<vmem_shared>>) offsets(%dma_start3A_16 : memref<125xi32, #tpu.memory_space<vmem>>) semaphore(%run_scoped3A : memref<!tpu.dma_semaphore, #tpu.memory_space<semaphore_mem>>) {add = true}
          %dma_wait3A = arith.constant 0 : i32
          %dma_wait3A_20 = tpu.memref_slice %arg8[%scan3A_14, %dma_wait3A] : memref<40x125xi32, #tpu.memory_space<vmem>> -> memref<1x125xi32, #tpu.memory_space<vmem>>
          %dma_wait3A_21 = tpu.memref_squeeze %dma_wait3A_20 : memref<1x125xi32, #tpu.memory_space<vmem>> -> memref<125xi32, #tpu.memory_space<vmem>>
          %dma_wait3A_22 = arith.constant 0 : i32
          %dma_wait3A_23 = arith.constant 0 : i32
          %dma_wait3A_24 = tpu.memref_slice %arg10[%dma_wait3A_22, %dma_wait3A_23] : memref<10240x128xf32, #tpu.memory_space<vmem_shared>> -> memref<10240x128xf32, #tpu.memory_space<vmem_shared>>
          tpu.wait_indirect_dma semaphore(%run_scoped3A : memref<!tpu.dma_semaphore, #tpu.memory_space<semaphore_mem>>) src(%arg9 : memref<125x128xf32, #tpu.memory_space<vmem>>) dst(%dma_wait3A_24 : memref<10240x128xf32, #tpu.memory_space<vmem_shared>>)
          tpu.yield
        }) : () -> ()
      }
      %scan3A_12 = arith.constant 40 : i32
      %barrier3A_13 = arith.constant 0 : index
      tpu.barrier barrier_id(%barrier3A_13)
      "tpu.region"() ({
        %run_scoped3A = tpu.sem_alloc : memref<!tpu.dma_semaphore, #tpu.memory_space<semaphore_mem>>
        %dma_start3A = arith.constant 0 : i32
        %dma_start3A_14 = tpu.memref_slice %arg6[%mul3A_0, %dma_start3A] : memref<10240x128xf32, #tpu.memory_space<hbm>> -> memref<640x128xf32, #tpu.memory_space<hbm>>
        %dma_start3A_15 = arith.constant 0 : i32
        %dma_start3A_16 = tpu.memref_slice %arg10[%mul3A_0, %dma_start3A_15] : memref<10240x128xf32, #tpu.memory_space<vmem_shared>> -> memref<640x128xf32, #tpu.memory_space<vmem_shared>>
        tpu.enqueue_dma source(%dma_start3A_16 : memref<640x128xf32, #tpu.memory_space<vmem_shared>>) target(%dma_start3A_14 : memref<640x128xf32, #tpu.memory_space<hbm>>) target_semaphore(%run_scoped3A : memref<!tpu.dma_semaphore, #tpu.memory_space<semaphore_mem>>)
        %dma_wait3A = arith.constant 0 : i32
        %dma_wait3A_17 = tpu.memref_slice %arg6[%mul3A_0, %dma_wait3A] : memref<10240x128xf32, #tpu.memory_space<hbm>> -> memref<640x128xf32, #tpu.memory_space<hbm>>
        %dma_wait3A_18 = arith.constant 0 : i32
        %dma_wait3A_19 = tpu.memref_slice %arg10[%mul3A_0, %dma_wait3A_18] : memref<10240x128xf32, #tpu.memory_space<vmem_shared>> -> memref<640x128xf32, #tpu.memory_space<vmem_shared>>
        tpu.wait_dma2 semaphore(%run_scoped3A : memref<!tpu.dma_semaphore, #tpu.memory_space<semaphore_mem>>) src(%dma_wait3A_19 : memref<640x128xf32, #tpu.memory_space<vmem_shared>>) dst(%dma_wait3A_17 : memref<640x128xf32, #tpu.memory_space<hbm>>)
        tpu.yield
      }) : () -> ()
    } else {
    }
    %eq3A_3 = arith.constant 1 : i32
    %eq3A_4 = arith.cmpi eq, %arg0, %eq3A_3 : i32
    %convert_element_type3A_5 = arith.extui %eq3A_4 : i1 to i32
    %cond3A_6 = arith.constant 0 : i32
    %cond3A_7 = arith.cmpi ne, %convert_element_type3A_5, %cond3A_6 : i32
    scf.if %cond3A_7 {
      "tpu.region"() ({
        %run_scoped3A = tpu.sem_alloc : memref<!tpu.dma_semaphore, #tpu.memory_space<semaphore_mem>>
        %dma_start3A = arith.constant 0 : i32
        %dma_start3A_14 = arith.constant 0 : i32
        %dma_start3A_15 = tpu.memref_slice %arg3[%arg1, %dma_start3A, %dma_start3A_14] : memref<16x40x125xi32, #tpu.memory_space<hbm>> -> memref<1x40x125xi32, #tpu.memory_space<hbm>>
        %dma_start3A_16 = tpu.memref_squeeze %dma_start3A_15 : memref<1x40x125xi32, #tpu.memory_space<hbm>> -> memref<40x125xi32, #tpu.memory_space<hbm>>
        %dma_start3A_17 = arith.constant 0 : i32
        %dma_start3A_18 = arith.constant 0 : i32
        %dma_start3A_19 = tpu.memref_slice %arg3[%arg1, %dma_start3A_17, %dma_start3A_18] : memref<16x40x125xi32, #tpu.memory_space<hbm>> -> memref<1x40x125xi32, #tpu.memory_space<hbm>>
        %dma_start3A_20 = tpu.memref_squeeze %dma_start3A_19 : memref<1x40x125xi32, #tpu.memory_space<hbm>> -> memref<40x125xi32, #tpu.memory_space<hbm>>
        tpu.enqueue_dma source(%dma_start3A_20 : memref<40x125xi32, #tpu.memory_space<hbm>>) target(%arg8 : memref<40x125xi32, #tpu.memory_space<vmem>>) target_semaphore(%run_scoped3A : memref<!tpu.dma_semaphore, #tpu.memory_space<semaphore_mem>>)
        %dma_wait3A = arith.constant 0 : i32
        %dma_wait3A_21 = arith.constant 0 : i32
        %dma_wait3A_22 = tpu.memref_slice %arg3[%arg1, %dma_wait3A, %dma_wait3A_21] : memref<16x40x125xi32, #tpu.memory_space<hbm>> -> memref<1x40x125xi32, #tpu.memory_space<hbm>>
        %dma_wait3A_23 = tpu.memref_squeeze %dma_wait3A_22 : memref<1x40x125xi32, #tpu.memory_space<hbm>> -> memref<40x125xi32, #tpu.memory_space<hbm>>
        %dma_wait3A_24 = arith.constant 0 : i32
        %dma_wait3A_25 = arith.constant 0 : i32
        %dma_wait3A_26 = tpu.memref_slice %arg3[%arg1, %dma_wait3A_24, %dma_wait3A_25] : memref<16x40x125xi32, #tpu.memory_space<hbm>> -> memref<1x40x125xi32, #tpu.memory_space<hbm>>
        %dma_wait3A_27 = tpu.memref_squeeze %dma_wait3A_26 : memref<1x40x125xi32, #tpu.memory_space<hbm>> -> memref<40x125xi32, #tpu.memory_space<hbm>>
        tpu.wait_dma2 semaphore(%run_scoped3A : memref<!tpu.dma_semaphore, #tpu.memory_space<semaphore_mem>>) src(%dma_wait3A_27 : memref<40x125xi32, #tpu.memory_space<hbm>>) dst(%arg8 : memref<40x125xi32, #tpu.memory_space<vmem>>)
        tpu.yield
      }) : () -> ()
      %scan3A = arith.constant 0 : i32
      %scan3A_8 = arith.constant 0 : i32
      %scan3A_9 = arith.constant 40 : i32
      %scan3A_10 = arith.addi %scan3A_8, %scan3A_9 : i32
      %scan3A_11 = arith.constant 1 : i32
      scf.for %scan3A_14 = %scan3A_8 to %scan3A_10 step %scan3A_11  : i32 {
        "tpu.region"() ({
          %run_scoped3A = tpu.sem_alloc : memref<!tpu.dma_semaphore, #tpu.memory_space<semaphore_mem>>
          %dma_start3A = arith.constant 0 : i32
          %dma_start3A_15 = tpu.memref_slice %arg8[%scan3A_14, %dma_start3A] : memref<40x125xi32, #tpu.memory_space<vmem>> -> memref<1x125xi32, #tpu.memory_space<vmem>>
          %dma_start3A_16 = tpu.memref_squeeze %dma_start3A_15 : memref<1x125xi32, #tpu.memory_space<vmem>> -> memref<125xi32, #tpu.memory_space<vmem>>
          %dma_start3A_17 = arith.constant 0 : i32
          %dma_start3A_18 = arith.constant 0 : i32
          %dma_start3A_19 = tpu.memref_slice %arg10[%dma_start3A_17, %dma_start3A_18] : memref<10240x128xf32, #tpu.memory_space<vmem_shared>> -> memref<10240x128xf32, #tpu.memory_space<vmem_shared>>
          tpu.enqueue_indirect_dma source(%arg9 : memref<125x128xf32, #tpu.memory_space<vmem>>) target(%dma_start3A_19 : memref<10240x128xf32, #tpu.memory_space<vmem_shared>>) offsets(%dma_start3A_16 : memref<125xi32, #tpu.memory_space<vmem>>) semaphore(%run_scoped3A : memref<!tpu.dma_semaphore, #tpu.memory_space<semaphore_mem>>) {add = true}
          %dma_wait3A = arith.constant 0 : i32
          %dma_wait3A_20 = tpu.memref_slice %arg8[%scan3A_14, %dma_wait3A] : memref<40x125xi32, #tpu.memory_space<vmem>> -> memref<1x125xi32, #tpu.memory_space<vmem>>
          %dma_wait3A_21 = tpu.memref_squeeze %dma_wait3A_20 : memref<1x125xi32, #tpu.memory_space<vmem>> -> memref<125xi32, #tpu.memory_space<vmem>>
          %dma_wait3A_22 = arith.constant 0 : i32
          %dma_wait3A_23 = arith.constant 0 : i32
          %dma_wait3A_24 = tpu.memref_slice %arg10[%dma_wait3A_22, %dma_wait3A_23] : memref<10240x128xf32, #tpu.memory_space<vmem_shared>> -> memref<10240x128xf32, #tpu.memory_space<vmem_shared>>
          tpu.wait_indirect_dma semaphore(%run_scoped3A : memref<!tpu.dma_semaphore, #tpu.memory_space<semaphore_mem>>) src(%arg9 : memref<125x128xf32, #tpu.memory_space<vmem>>) dst(%dma_wait3A_24 : memref<10240x128xf32, #tpu.memory_space<vmem_shared>>)
          tpu.yield
        }) : () -> ()
      }
      %scan3A_12 = arith.constant 40 : i32
      %barrier3A_13 = arith.constant 0 : index
      tpu.barrier barrier_id(%barrier3A_13)
      "tpu.region"() ({
        %run_scoped3A = tpu.sem_alloc : memref<!tpu.dma_semaphore, #tpu.memory_space<semaphore_mem>>
        %dma_start3A = arith.constant 0 : i32
        %dma_start3A_14 = tpu.memref_slice %arg7[%mul3A_0, %dma_start3A] : memref<10240x128xf32, #tpu.memory_space<hbm>> -> memref<640x128xf32, #tpu.memory_space<hbm>>
        %dma_start3A_15 = arith.constant 0 : i32
        %dma_start3A_16 = tpu.memref_slice %arg10[%mul3A_0, %dma_start3A_15] : memref<10240x128xf32, #tpu.memory_space<vmem_shared>> -> memref<640x128xf32, #tpu.memory_space<vmem_shared>>
        tpu.enqueue_dma source(%dma_start3A_16 : memref<640x128xf32, #tpu.memory_space<vmem_shared>>) target(%dma_start3A_14 : memref<640x128xf32, #tpu.memory_space<hbm>>) target_semaphore(%run_scoped3A : memref<!tpu.dma_semaphore, #tpu.memory_space<semaphore_mem>>)
        %dma_wait3A = arith.constant 0 : i32
        %dma_wait3A_17 = tpu.memref_slice %arg7[%mul3A_0, %dma_wait3A] : memref<10240x128xf32, #tpu.memory_space<hbm>> -> memref<640x128xf32, #tpu.memory_space<hbm>>
        %dma_wait3A_18 = arith.constant 0 : i32
        %dma_wait3A_19 = tpu.memref_slice %arg10[%mul3A_0, %dma_wait3A_18] : memref<10240x128xf32, #tpu.memory_space<vmem_shared>> -> memref<640x128xf32, #tpu.memory_space<vmem_shared>>
        tpu.wait_dma2 semaphore(%run_scoped3A : memref<!tpu.dma_semaphore, #tpu.memory_space<semaphore_mem>>) src(%dma_wait3A_19 : memref<640x128xf32, #tpu.memory_space<vmem_shared>>) dst(%dma_wait3A_17 : memref<640x128xf32, #tpu.memory_space<hbm>>)
        tpu.yield
      }) : () -> ()
    } else {
    }
    return
  }
}

#map = affine_map<(d0, d1) -> (0, 0)>
#map1 = affine_map<(d0, d1) -> (0, 0, 0)>
module attributes {stable_mosaic.version = 14 : i64} {
  func.func @scat_kernel(%arg0: i32, %arg1: i32, %arg2: memref<10240x128xf32, #tpu.memory_space<hbm>>, %arg3: memref<10240x128xf32, #tpu.memory_space<hbm>>, %arg4: memref<16x40x125xi32, #tpu.memory_space<hbm>>, %arg5: memref<16x40x125xi32, #tpu.memory_space<hbm>>, %arg6: memref<16x40x125xi32, #tpu.memory_space<hbm>>, %arg7: memref<16x40x125xi32, #tpu.memory_space<hbm>>, %arg8: memref<10240x128xf32, #tpu.memory_space<hbm>>, %arg9: memref<10240x128xf32, #tpu.memory_space<hbm>>, %arg10: memref<40x125xi32, #tpu.memory_space<vmem>>, %arg11: memref<40x125xi32, #tpu.memory_space<vmem>>, %arg12: memref<125x128xf32, #tpu.memory_space<vmem>>, %arg13: memref<125x128xf32, #tpu.memory_space<vmem>>, %arg14: memref<10240x128xf32, #tpu.memory_space<vmem_shared>>, %arg15: memref<!tpu.dma_semaphore, #tpu.memory_space<semaphore_mem>>, %arg16: memref<!tpu.dma_semaphore, #tpu.memory_space<semaphore_mem>>) attributes {dimension_semantics = [#tpu.dimension_semantics<core_parallel>, #tpu.dimension_semantics<subcore_parallel>], iteration_bounds = array<i64: 2, 16>, scalar_prefetch = 0 : i64, scratch_operands = 7 : i64, tpu.core_type = #tpu.core_type<sc_vector_subcore>, window_params = [{transform_indices = #map}, {transform_indices = #map}, {transform_indices = #map1}, {transform_indices = #map1}, {transform_indices = #map1}, {transform_indices = #map1}, {transform_indices = #map}, {transform_indices = #map}]} {
    %mul3A = arith.constant 640 : i32
    %mul3A_0 = arith.muli %arg1, %mul3A : i32
    %eq3A = arith.constant 0 : i32
    %eq3A_1 = arith.cmpi eq, %arg0, %eq3A : i32
    %convert_element_type3A = arith.extui %eq3A_1 : i1 to i32
    %cond3A = arith.constant 0 : i32
    %cond3A_2 = arith.cmpi ne, %convert_element_type3A, %cond3A : i32
    scf.if %cond3A_2 {
      "tpu.region"() ({
        %run_scoped3A = tpu.sem_alloc : memref<!tpu.dma_semaphore, #tpu.memory_space<semaphore_mem>>
        %dma_start3A_33 = arith.constant 0 : i32
        %dma_start3A_34 = tpu.memref_slice %arg14[%mul3A_0, %dma_start3A_33] : memref<10240x128xf32, #tpu.memory_space<vmem_shared>> -> memref<640x128xf32, #tpu.memory_space<vmem_shared>>
        %dma_start3A_35 = arith.constant 0 : i32
        %dma_start3A_36 = tpu.memref_slice %arg2[%mul3A_0, %dma_start3A_35] : memref<10240x128xf32, #tpu.memory_space<hbm>> -> memref<640x128xf32, #tpu.memory_space<hbm>>
        tpu.enqueue_dma source(%dma_start3A_36 : memref<640x128xf32, #tpu.memory_space<hbm>>) target(%dma_start3A_34 : memref<640x128xf32, #tpu.memory_space<vmem_shared>>) target_semaphore(%run_scoped3A : memref<!tpu.dma_semaphore, #tpu.memory_space<semaphore_mem>>)
        %dma_wait3A = arith.constant 0 : i32
        %dma_wait3A_37 = tpu.memref_slice %arg14[%mul3A_0, %dma_wait3A] : memref<10240x128xf32, #tpu.memory_space<vmem_shared>> -> memref<640x128xf32, #tpu.memory_space<vmem_shared>>
        %dma_wait3A_38 = arith.constant 0 : i32
        %dma_wait3A_39 = tpu.memref_slice %arg2[%mul3A_0, %dma_wait3A_38] : memref<10240x128xf32, #tpu.memory_space<hbm>> -> memref<640x128xf32, #tpu.memory_space<hbm>>
        tpu.wait_dma2 semaphore(%run_scoped3A : memref<!tpu.dma_semaphore, #tpu.memory_space<semaphore_mem>>) src(%dma_wait3A_39 : memref<640x128xf32, #tpu.memory_space<hbm>>) dst(%dma_wait3A_37 : memref<640x128xf32, #tpu.memory_space<vmem_shared>>)
        tpu.yield
      }) : () -> ()
      %barrier3A = arith.constant 0 : index
      tpu.barrier barrier_id(%barrier3A)
      "tpu.region"() ({
        %run_scoped3A = tpu.sem_alloc : memref<!tpu.dma_semaphore, #tpu.memory_space<semaphore_mem>>
        %dma_start3A_33 = arith.constant 0 : i32
        %dma_start3A_34 = arith.constant 0 : i32
        %dma_start3A_35 = tpu.memref_slice %arg4[%arg1, %dma_start3A_33, %dma_start3A_34] : memref<16x40x125xi32, #tpu.memory_space<hbm>> -> memref<1x40x125xi32, #tpu.memory_space<hbm>>
        %dma_start3A_36 = tpu.memref_squeeze %dma_start3A_35 : memref<1x40x125xi32, #tpu.memory_space<hbm>> -> memref<40x125xi32, #tpu.memory_space<hbm>>
        %dma_start3A_37 = arith.constant 0 : i32
        %dma_start3A_38 = arith.constant 0 : i32
        %dma_start3A_39 = tpu.memref_slice %arg4[%arg1, %dma_start3A_37, %dma_start3A_38] : memref<16x40x125xi32, #tpu.memory_space<hbm>> -> memref<1x40x125xi32, #tpu.memory_space<hbm>>
        %dma_start3A_40 = tpu.memref_squeeze %dma_start3A_39 : memref<1x40x125xi32, #tpu.memory_space<hbm>> -> memref<40x125xi32, #tpu.memory_space<hbm>>
        tpu.enqueue_dma source(%dma_start3A_40 : memref<40x125xi32, #tpu.memory_space<hbm>>) target(%arg10 : memref<40x125xi32, #tpu.memory_space<vmem>>) target_semaphore(%run_scoped3A : memref<!tpu.dma_semaphore, #tpu.memory_space<semaphore_mem>>)
        %dma_wait3A = arith.constant 0 : i32
        %dma_wait3A_41 = arith.constant 0 : i32
        %dma_wait3A_42 = tpu.memref_slice %arg4[%arg1, %dma_wait3A, %dma_wait3A_41] : memref<16x40x125xi32, #tpu.memory_space<hbm>> -> memref<1x40x125xi32, #tpu.memory_space<hbm>>
        %dma_wait3A_43 = tpu.memref_squeeze %dma_wait3A_42 : memref<1x40x125xi32, #tpu.memory_space<hbm>> -> memref<40x125xi32, #tpu.memory_space<hbm>>
        %dma_wait3A_44 = arith.constant 0 : i32
        %dma_wait3A_45 = arith.constant 0 : i32
        %dma_wait3A_46 = tpu.memref_slice %arg4[%arg1, %dma_wait3A_44, %dma_wait3A_45] : memref<16x40x125xi32, #tpu.memory_space<hbm>> -> memref<1x40x125xi32, #tpu.memory_space<hbm>>
        %dma_wait3A_47 = tpu.memref_squeeze %dma_wait3A_46 : memref<1x40x125xi32, #tpu.memory_space<hbm>> -> memref<40x125xi32, #tpu.memory_space<hbm>>
        tpu.wait_dma2 semaphore(%run_scoped3A : memref<!tpu.dma_semaphore, #tpu.memory_space<semaphore_mem>>) src(%dma_wait3A_47 : memref<40x125xi32, #tpu.memory_space<hbm>>) dst(%arg10 : memref<40x125xi32, #tpu.memory_space<vmem>>)
        tpu.yield
      }) : () -> ()
      "tpu.region"() ({
        %run_scoped3A = tpu.sem_alloc : memref<!tpu.dma_semaphore, #tpu.memory_space<semaphore_mem>>
        %dma_start3A_33 = arith.constant 0 : i32
        %dma_start3A_34 = arith.constant 0 : i32
        %dma_start3A_35 = tpu.memref_slice %arg6[%arg1, %dma_start3A_33, %dma_start3A_34] : memref<16x40x125xi32, #tpu.memory_space<hbm>> -> memref<1x40x125xi32, #tpu.memory_space<hbm>>
        %dma_start3A_36 = tpu.memref_squeeze %dma_start3A_35 : memref<1x40x125xi32, #tpu.memory_space<hbm>> -> memref<40x125xi32, #tpu.memory_space<hbm>>
        %dma_start3A_37 = arith.constant 0 : i32
        %dma_start3A_38 = arith.constant 0 : i32
        %dma_start3A_39 = tpu.memref_slice %arg6[%arg1, %dma_start3A_37, %dma_start3A_38] : memref<16x40x125xi32, #tpu.memory_space<hbm>> -> memref<1x40x125xi32, #tpu.memory_space<hbm>>
        %dma_start3A_40 = tpu.memref_squeeze %dma_start3A_39 : memref<1x40x125xi32, #tpu.memory_space<hbm>> -> memref<40x125xi32, #tpu.memory_space<hbm>>
        tpu.enqueue_dma source(%dma_start3A_40 : memref<40x125xi32, #tpu.memory_space<hbm>>) target(%arg11 : memref<40x125xi32, #tpu.memory_space<vmem>>) target_semaphore(%run_scoped3A : memref<!tpu.dma_semaphore, #tpu.memory_space<semaphore_mem>>)
        %dma_wait3A = arith.constant 0 : i32
        %dma_wait3A_41 = arith.constant 0 : i32
        %dma_wait3A_42 = tpu.memref_slice %arg6[%arg1, %dma_wait3A, %dma_wait3A_41] : memref<16x40x125xi32, #tpu.memory_space<hbm>> -> memref<1x40x125xi32, #tpu.memory_space<hbm>>
        %dma_wait3A_43 = tpu.memref_squeeze %dma_wait3A_42 : memref<1x40x125xi32, #tpu.memory_space<hbm>> -> memref<40x125xi32, #tpu.memory_space<hbm>>
        %dma_wait3A_44 = arith.constant 0 : i32
        %dma_wait3A_45 = arith.constant 0 : i32
        %dma_wait3A_46 = tpu.memref_slice %arg6[%arg1, %dma_wait3A_44, %dma_wait3A_45] : memref<16x40x125xi32, #tpu.memory_space<hbm>> -> memref<1x40x125xi32, #tpu.memory_space<hbm>>
        %dma_wait3A_47 = tpu.memref_squeeze %dma_wait3A_46 : memref<1x40x125xi32, #tpu.memory_space<hbm>> -> memref<40x125xi32, #tpu.memory_space<hbm>>
        tpu.wait_dma2 semaphore(%run_scoped3A : memref<!tpu.dma_semaphore, #tpu.memory_space<semaphore_mem>>) src(%dma_wait3A_47 : memref<40x125xi32, #tpu.memory_space<hbm>>) dst(%arg11 : memref<40x125xi32, #tpu.memory_space<vmem>>)
        tpu.yield
      }) : () -> ()
      %dma_start3A = arith.constant 0 : i32
      %dma_start3A_8 = arith.constant 0 : i32
      %dma_start3A_9 = tpu.memref_slice %arg10[%dma_start3A, %dma_start3A_8] : memref<40x125xi32, #tpu.memory_space<vmem>> -> memref<1x125xi32, #tpu.memory_space<vmem>>
      %dma_start3A_10 = tpu.memref_squeeze %dma_start3A_9 : memref<1x125xi32, #tpu.memory_space<vmem>> -> memref<125xi32, #tpu.memory_space<vmem>>
      %dma_start3A_11 = arith.constant 0 : i32
      %dma_start3A_12 = arith.constant 0 : i32
      %dma_start3A_13 = tpu.memref_slice %arg2[%dma_start3A_11, %dma_start3A_12] : memref<10240x128xf32, #tpu.memory_space<hbm>> -> memref<10240x128xf32, #tpu.memory_space<hbm>>
      tpu.enqueue_indirect_dma source(%dma_start3A_13 : memref<10240x128xf32, #tpu.memory_space<hbm>>) target(%arg12 : memref<125x128xf32, #tpu.memory_space<vmem>>) offsets(%dma_start3A_10 : memref<125xi32, #tpu.memory_space<vmem>>) semaphore(%arg15 : memref<!tpu.dma_semaphore, #tpu.memory_space<semaphore_mem>>)
      %scan3A = arith.constant 0 : i32
      %scan3A_14 = arith.constant 0 : i32
      %scan3A_15 = arith.constant 20 : i32
      %scan3A_16 = arith.addi %scan3A_14, %scan3A_15 : i32
      %scan3A_17 = arith.constant 1 : i32
      scf.for %scan3A_33 = %scan3A_14 to %scan3A_16 step %scan3A_17  : i32 {
        %mul3A_34 = arith.constant 2 : i32
        %mul3A_35 = arith.muli %mul3A_34, %scan3A_33 : i32
        %add3A = arith.constant 1 : i32
        %add3A_36 = arith.addi %mul3A_35, %add3A : i32
        %dma_start3A_37 = arith.constant 0 : i32
        %dma_start3A_38 = tpu.memref_slice %arg10[%add3A_36, %dma_start3A_37] : memref<40x125xi32, #tpu.memory_space<vmem>> -> memref<1x125xi32, #tpu.memory_space<vmem>>
        %dma_start3A_39 = tpu.memref_squeeze %dma_start3A_38 : memref<1x125xi32, #tpu.memory_space<vmem>> -> memref<125xi32, #tpu.memory_space<vmem>>
        %dma_start3A_40 = arith.constant 0 : i32
        %dma_start3A_41 = arith.constant 0 : i32
        %dma_start3A_42 = tpu.memref_slice %arg2[%dma_start3A_40, %dma_start3A_41] : memref<10240x128xf32, #tpu.memory_space<hbm>> -> memref<10240x128xf32, #tpu.memory_space<hbm>>
        tpu.enqueue_indirect_dma source(%dma_start3A_42 : memref<10240x128xf32, #tpu.memory_space<hbm>>) target(%arg13 : memref<125x128xf32, #tpu.memory_space<vmem>>) offsets(%dma_start3A_39 : memref<125xi32, #tpu.memory_space<vmem>>) semaphore(%arg16 : memref<!tpu.dma_semaphore, #tpu.memory_space<semaphore_mem>>)
        %dma_wait3A = arith.constant 0 : i32
        %dma_wait3A_43 = tpu.memref_slice %arg10[%mul3A_35, %dma_wait3A] : memref<40x125xi32, #tpu.memory_space<vmem>> -> memref<1x125xi32, #tpu.memory_space<vmem>>
        %dma_wait3A_44 = tpu.memref_squeeze %dma_wait3A_43 : memref<1x125xi32, #tpu.memory_space<vmem>> -> memref<125xi32, #tpu.memory_space<vmem>>
        %dma_wait3A_45 = arith.constant 0 : i32
        %dma_wait3A_46 = arith.constant 0 : i32
        %dma_wait3A_47 = tpu.memref_slice %arg2[%dma_wait3A_45, %dma_wait3A_46] : memref<10240x128xf32, #tpu.memory_space<hbm>> -> memref<10240x128xf32, #tpu.memory_space<hbm>>
        tpu.wait_indirect_dma semaphore(%arg15 : memref<!tpu.dma_semaphore, #tpu.memory_space<semaphore_mem>>) src(%dma_wait3A_47 : memref<10240x128xf32, #tpu.memory_space<hbm>>) dst(%arg12 : memref<125x128xf32, #tpu.memory_space<vmem>>)
        "tpu.region"() ({
          %run_scoped3A = tpu.sem_alloc : memref<!tpu.dma_semaphore, #tpu.memory_space<semaphore_mem>>
          %dma_start3A_60 = arith.constant 0 : i32
          %dma_start3A_61 = tpu.memref_slice %arg11[%mul3A_35, %dma_start3A_60] : memref<40x125xi32, #tpu.memory_space<vmem>> -> memref<1x125xi32, #tpu.memory_space<vmem>>
          %dma_start3A_62 = tpu.memref_squeeze %dma_start3A_61 : memref<1x125xi32, #tpu.memory_space<vmem>> -> memref<125xi32, #tpu.memory_space<vmem>>
          %dma_start3A_63 = arith.constant 0 : i32
          %dma_start3A_64 = arith.constant 0 : i32
          %dma_start3A_65 = tpu.memref_slice %arg14[%dma_start3A_63, %dma_start3A_64] : memref<10240x128xf32, #tpu.memory_space<vmem_shared>> -> memref<10240x128xf32, #tpu.memory_space<vmem_shared>>
          tpu.enqueue_indirect_dma source(%arg12 : memref<125x128xf32, #tpu.memory_space<vmem>>) target(%dma_start3A_65 : memref<10240x128xf32, #tpu.memory_space<vmem_shared>>) offsets(%dma_start3A_62 : memref<125xi32, #tpu.memory_space<vmem>>) semaphore(%run_scoped3A : memref<!tpu.dma_semaphore, #tpu.memory_space<semaphore_mem>>) {add = true}
          %dma_wait3A_66 = arith.constant 0 : i32
          %dma_wait3A_67 = tpu.memref_slice %arg11[%mul3A_35, %dma_wait3A_66] : memref<40x125xi32, #tpu.memory_space<vmem>> -> memref<1x125xi32, #tpu.memory_space<vmem>>
          %dma_wait3A_68 = tpu.memref_squeeze %dma_wait3A_67 : memref<1x125xi32, #tpu.memory_space<vmem>> -> memref<125xi32, #tpu.memory_space<vmem>>
          %dma_wait3A_69 = arith.constant 0 : i32
          %dma_wait3A_70 = arith.constant 0 : i32
          %dma_wait3A_71 = tpu.memref_slice %arg14[%dma_wait3A_69, %dma_wait3A_70] : memref<10240x128xf32, #tpu.memory_space<vmem_shared>> -> memref<10240x128xf32, #tpu.memory_space<vmem_shared>>
          tpu.wait_indirect_dma semaphore(%run_scoped3A : memref<!tpu.dma_semaphore, #tpu.memory_space<semaphore_mem>>) src(%arg12 : memref<125x128xf32, #tpu.memory_space<vmem>>) dst(%dma_wait3A_71 : memref<10240x128xf32, #tpu.memory_space<vmem_shared>>)
          tpu.yield
        }) : () -> ()
        %lt3A = arith.constant 19 : i32
        %lt3A_48 = arith.cmpi slt, %scan3A_33, %lt3A : i32
        %convert_element_type3A_49 = arith.extui %lt3A_48 : i1 to i32
        %cond3A_50 = arith.constant 0 : i32
        %cond3A_51 = arith.cmpi ne, %convert_element_type3A_49, %cond3A_50 : i32
        scf.if %cond3A_51 {
          %add3A_60 = arith.constant 2 : i32
          %add3A_61 = arith.addi %mul3A_35, %add3A_60 : i32
          %dma_start3A_62 = arith.constant 0 : i32
          %dma_start3A_63 = tpu.memref_slice %arg10[%add3A_61, %dma_start3A_62] : memref<40x125xi32, #tpu.memory_space<vmem>> -> memref<1x125xi32, #tpu.memory_space<vmem>>
          %dma_start3A_64 = tpu.memref_squeeze %dma_start3A_63 : memref<1x125xi32, #tpu.memory_space<vmem>> -> memref<125xi32, #tpu.memory_space<vmem>>
          %dma_start3A_65 = arith.constant 0 : i32
          %dma_start3A_66 = arith.constant 0 : i32
          %dma_start3A_67 = tpu.memref_slice %arg2[%dma_start3A_65, %dma_start3A_66] : memref<10240x128xf32, #tpu.memory_space<hbm>> -> memref<10240x128xf32, #tpu.memory_space<hbm>>
          tpu.enqueue_indirect_dma source(%dma_start3A_67 : memref<10240x128xf32, #tpu.memory_space<hbm>>) target(%arg12 : memref<125x128xf32, #tpu.memory_space<vmem>>) offsets(%dma_start3A_64 : memref<125xi32, #tpu.memory_space<vmem>>) semaphore(%arg15 : memref<!tpu.dma_semaphore, #tpu.memory_space<semaphore_mem>>)
        } else {
        }
        %dma_wait3A_52 = arith.constant 0 : i32
        %dma_wait3A_53 = tpu.memref_slice %arg10[%add3A_36, %dma_wait3A_52] : memref<40x125xi32, #tpu.memory_space<vmem>> -> memref<1x125xi32, #tpu.memory_space<vmem>>
        %dma_wait3A_54 = tpu.memref_squeeze %dma_wait3A_53 : memref<1x125xi32, #tpu.memory_space<vmem>> -> memref<125xi32, #tpu.memory_space<vmem>>
        %dma_wait3A_55 = arith.constant 0 : i32
        %dma_wait3A_56 = arith.constant 0 : i32
        %dma_wait3A_57 = tpu.memref_slice %arg2[%dma_wait3A_55, %dma_wait3A_56] : memref<10240x128xf32, #tpu.memory_space<hbm>> -> memref<10240x128xf32, #tpu.memory_space<hbm>>
        tpu.wait_indirect_dma semaphore(%arg16 : memref<!tpu.dma_semaphore, #tpu.memory_space<semaphore_mem>>) src(%dma_wait3A_57 : memref<10240x128xf32, #tpu.memory_space<hbm>>) dst(%arg13 : memref<125x128xf32, #tpu.memory_space<vmem>>)
        %add3A_58 = arith.constant 1 : i32
        %add3A_59 = arith.addi %mul3A_35, %add3A_58 : i32
        "tpu.region"() ({
          %run_scoped3A = tpu.sem_alloc : memref<!tpu.dma_semaphore, #tpu.memory_space<semaphore_mem>>
          %dma_start3A_60 = arith.constant 0 : i32
          %dma_start3A_61 = tpu.memref_slice %arg11[%add3A_59, %dma_start3A_60] : memref<40x125xi32, #tpu.memory_space<vmem>> -> memref<1x125xi32, #tpu.memory_space<vmem>>
          %dma_start3A_62 = tpu.memref_squeeze %dma_start3A_61 : memref<1x125xi32, #tpu.memory_space<vmem>> -> memref<125xi32, #tpu.memory_space<vmem>>
          %dma_start3A_63 = arith.constant 0 : i32
          %dma_start3A_64 = arith.constant 0 : i32
          %dma_start3A_65 = tpu.memref_slice %arg14[%dma_start3A_63, %dma_start3A_64] : memref<10240x128xf32, #tpu.memory_space<vmem_shared>> -> memref<10240x128xf32, #tpu.memory_space<vmem_shared>>
          tpu.enqueue_indirect_dma source(%arg13 : memref<125x128xf32, #tpu.memory_space<vmem>>) target(%dma_start3A_65 : memref<10240x128xf32, #tpu.memory_space<vmem_shared>>) offsets(%dma_start3A_62 : memref<125xi32, #tpu.memory_space<vmem>>) semaphore(%run_scoped3A : memref<!tpu.dma_semaphore, #tpu.memory_space<semaphore_mem>>) {add = true}
          %dma_wait3A_66 = arith.constant 0 : i32
          %dma_wait3A_67 = tpu.memref_slice %arg11[%add3A_59, %dma_wait3A_66] : memref<40x125xi32, #tpu.memory_space<vmem>> -> memref<1x125xi32, #tpu.memory_space<vmem>>
          %dma_wait3A_68 = tpu.memref_squeeze %dma_wait3A_67 : memref<1x125xi32, #tpu.memory_space<vmem>> -> memref<125xi32, #tpu.memory_space<vmem>>
          %dma_wait3A_69 = arith.constant 0 : i32
          %dma_wait3A_70 = arith.constant 0 : i32
          %dma_wait3A_71 = tpu.memref_slice %arg14[%dma_wait3A_69, %dma_wait3A_70] : memref<10240x128xf32, #tpu.memory_space<vmem_shared>> -> memref<10240x128xf32, #tpu.memory_space<vmem_shared>>
          tpu.wait_indirect_dma semaphore(%run_scoped3A : memref<!tpu.dma_semaphore, #tpu.memory_space<semaphore_mem>>) src(%arg13 : memref<125x128xf32, #tpu.memory_space<vmem>>) dst(%dma_wait3A_71 : memref<10240x128xf32, #tpu.memory_space<vmem_shared>>)
          tpu.yield
        }) : () -> ()
      }
      %scan3A_18 = arith.constant 20 : i32
      "tpu.region"() ({
        %run_scoped3A = tpu.sem_alloc : memref<!tpu.dma_semaphore, #tpu.memory_space<semaphore_mem>>
        %dma_start3A_33 = arith.constant 0 : i32
        %dma_start3A_34 = arith.constant 0 : i32
        %dma_start3A_35 = tpu.memref_slice %arg5[%arg1, %dma_start3A_33, %dma_start3A_34] : memref<16x40x125xi32, #tpu.memory_space<hbm>> -> memref<1x40x125xi32, #tpu.memory_space<hbm>>
        %dma_start3A_36 = tpu.memref_squeeze %dma_start3A_35 : memref<1x40x125xi32, #tpu.memory_space<hbm>> -> memref<40x125xi32, #tpu.memory_space<hbm>>
        %dma_start3A_37 = arith.constant 0 : i32
        %dma_start3A_38 = arith.constant 0 : i32
        %dma_start3A_39 = tpu.memref_slice %arg5[%arg1, %dma_start3A_37, %dma_start3A_38] : memref<16x40x125xi32, #tpu.memory_space<hbm>> -> memref<1x40x125xi32, #tpu.memory_space<hbm>>
        %dma_start3A_40 = tpu.memref_squeeze %dma_start3A_39 : memref<1x40x125xi32, #tpu.memory_space<hbm>> -> memref<40x125xi32, #tpu.memory_space<hbm>>
        tpu.enqueue_dma source(%dma_start3A_40 : memref<40x125xi32, #tpu.memory_space<hbm>>) target(%arg10 : memref<40x125xi32, #tpu.memory_space<vmem>>) target_semaphore(%run_scoped3A : memref<!tpu.dma_semaphore, #tpu.memory_space<semaphore_mem>>)
        %dma_wait3A = arith.constant 0 : i32
        %dma_wait3A_41 = arith.constant 0 : i32
        %dma_wait3A_42 = tpu.memref_slice %arg5[%arg1, %dma_wait3A, %dma_wait3A_41] : memref<16x40x125xi32, #tpu.memory_space<hbm>> -> memref<1x40x125xi32, #tpu.memory_space<hbm>>
        %dma_wait3A_43 = tpu.memref_squeeze %dma_wait3A_42 : memref<1x40x125xi32, #tpu.memory_space<hbm>> -> memref<40x125xi32, #tpu.memory_space<hbm>>
        %dma_wait3A_44 = arith.constant 0 : i32
        %dma_wait3A_45 = arith.constant 0 : i32
        %dma_wait3A_46 = tpu.memref_slice %arg5[%arg1, %dma_wait3A_44, %dma_wait3A_45] : memref<16x40x125xi32, #tpu.memory_space<hbm>> -> memref<1x40x125xi32, #tpu.memory_space<hbm>>
        %dma_wait3A_47 = tpu.memref_squeeze %dma_wait3A_46 : memref<1x40x125xi32, #tpu.memory_space<hbm>> -> memref<40x125xi32, #tpu.memory_space<hbm>>
        tpu.wait_dma2 semaphore(%run_scoped3A : memref<!tpu.dma_semaphore, #tpu.memory_space<semaphore_mem>>) src(%dma_wait3A_47 : memref<40x125xi32, #tpu.memory_space<hbm>>) dst(%arg10 : memref<40x125xi32, #tpu.memory_space<vmem>>)
        tpu.yield
      }) : () -> ()
      "tpu.region"() ({
        %run_scoped3A = tpu.sem_alloc : memref<!tpu.dma_semaphore, #tpu.memory_space<semaphore_mem>>
        %dma_start3A_33 = arith.constant 0 : i32
        %dma_start3A_34 = arith.constant 0 : i32
        %dma_start3A_35 = tpu.memref_slice %arg7[%arg1, %dma_start3A_33, %dma_start3A_34] : memref<16x40x125xi32, #tpu.memory_space<hbm>> -> memref<1x40x125xi32, #tpu.memory_space<hbm>>
        %dma_start3A_36 = tpu.memref_squeeze %dma_start3A_35 : memref<1x40x125xi32, #tpu.memory_space<hbm>> -> memref<40x125xi32, #tpu.memory_space<hbm>>
        %dma_start3A_37 = arith.constant 0 : i32
        %dma_start3A_38 = arith.constant 0 : i32
        %dma_start3A_39 = tpu.memref_slice %arg7[%arg1, %dma_start3A_37, %dma_start3A_38] : memref<16x40x125xi32, #tpu.memory_space<hbm>> -> memref<1x40x125xi32, #tpu.memory_space<hbm>>
        %dma_start3A_40 = tpu.memref_squeeze %dma_start3A_39 : memref<1x40x125xi32, #tpu.memory_space<hbm>> -> memref<40x125xi32, #tpu.memory_space<hbm>>
        tpu.enqueue_dma source(%dma_start3A_40 : memref<40x125xi32, #tpu.memory_space<hbm>>) target(%arg11 : memref<40x125xi32, #tpu.memory_space<vmem>>) target_semaphore(%run_scoped3A : memref<!tpu.dma_semaphore, #tpu.memory_space<semaphore_mem>>)
        %dma_wait3A = arith.constant 0 : i32
        %dma_wait3A_41 = arith.constant 0 : i32
        %dma_wait3A_42 = tpu.memref_slice %arg7[%arg1, %dma_wait3A, %dma_wait3A_41] : memref<16x40x125xi32, #tpu.memory_space<hbm>> -> memref<1x40x125xi32, #tpu.memory_space<hbm>>
        %dma_wait3A_43 = tpu.memref_squeeze %dma_wait3A_42 : memref<1x40x125xi32, #tpu.memory_space<hbm>> -> memref<40x125xi32, #tpu.memory_space<hbm>>
        %dma_wait3A_44 = arith.constant 0 : i32
        %dma_wait3A_45 = arith.constant 0 : i32
        %dma_wait3A_46 = tpu.memref_slice %arg7[%arg1, %dma_wait3A_44, %dma_wait3A_45] : memref<16x40x125xi32, #tpu.memory_space<hbm>> -> memref<1x40x125xi32, #tpu.memory_space<hbm>>
        %dma_wait3A_47 = tpu.memref_squeeze %dma_wait3A_46 : memref<1x40x125xi32, #tpu.memory_space<hbm>> -> memref<40x125xi32, #tpu.memory_space<hbm>>
        tpu.wait_dma2 semaphore(%run_scoped3A : memref<!tpu.dma_semaphore, #tpu.memory_space<semaphore_mem>>) src(%dma_wait3A_47 : memref<40x125xi32, #tpu.memory_space<hbm>>) dst(%arg11 : memref<40x125xi32, #tpu.memory_space<vmem>>)
        tpu.yield
      }) : () -> ()
      %dma_start3A_19 = arith.constant 0 : i32
      %dma_start3A_20 = arith.constant 0 : i32
      %dma_start3A_21 = tpu.memref_slice %arg10[%dma_start3A_19, %dma_start3A_20] : memref<40x125xi32, #tpu.memory_space<vmem>> -> memref<1x125xi32, #tpu.memory_space<vmem>>
      %dma_start3A_22 = tpu.memref_squeeze %dma_start3A_21 : memref<1x125xi32, #tpu.memory_space<vmem>> -> memref<125xi32, #tpu.memory_space<vmem>>
      %dma_start3A_23 = arith.constant 0 : i32
      %dma_start3A_24 = arith.constant 0 : i32
      %dma_start3A_25 = tpu.memref_slice %arg2[%dma_start3A_23, %dma_start3A_24] : memref<10240x128xf32, #tpu.memory_space<hbm>> -> memref<10240x128xf32, #tpu.memory_space<hbm>>
      tpu.enqueue_indirect_dma source(%dma_start3A_25 : memref<10240x128xf32, #tpu.memory_space<hbm>>) target(%arg12 : memref<125x128xf32, #tpu.memory_space<vmem>>) offsets(%dma_start3A_22 : memref<125xi32, #tpu.memory_space<vmem>>) semaphore(%arg15 : memref<!tpu.dma_semaphore, #tpu.memory_space<semaphore_mem>>)
      %scan3A_26 = arith.constant 0 : i32
      %scan3A_27 = arith.constant 0 : i32
      %scan3A_28 = arith.constant 20 : i32
      %scan3A_29 = arith.addi %scan3A_27, %scan3A_28 : i32
      %scan3A_30 = arith.constant 1 : i32
      scf.for %scan3A_33 = %scan3A_27 to %scan3A_29 step %scan3A_30  : i32 {
        %mul3A_34 = arith.constant 2 : i32
        %mul3A_35 = arith.muli %mul3A_34, %scan3A_33 : i32
        %add3A = arith.constant 1 : i32
        %add3A_36 = arith.addi %mul3A_35, %add3A : i32
        %dma_start3A_37 = arith.constant 0 : i32
        %dma_start3A_38 = tpu.memref_slice %arg10[%add3A_36, %dma_start3A_37] : memref<40x125xi32, #tpu.memory_space<vmem>> -> memref<1x125xi32, #tpu.memory_space<vmem>>
        %dma_start3A_39 = tpu.memref_squeeze %dma_start3A_38 : memref<1x125xi32, #tpu.memory_space<vmem>> -> memref<125xi32, #tpu.memory_space<vmem>>
        %dma_start3A_40 = arith.constant 0 : i32
        %dma_start3A_41 = arith.constant 0 : i32
        %dma_start3A_42 = tpu.memref_slice %arg2[%dma_start3A_40, %dma_start3A_41] : memref<10240x128xf32, #tpu.memory_space<hbm>> -> memref<10240x128xf32, #tpu.memory_space<hbm>>
        tpu.enqueue_indirect_dma source(%dma_start3A_42 : memref<10240x128xf32, #tpu.memory_space<hbm>>) target(%arg13 : memref<125x128xf32, #tpu.memory_space<vmem>>) offsets(%dma_start3A_39 : memref<125xi32, #tpu.memory_space<vmem>>) semaphore(%arg16 : memref<!tpu.dma_semaphore, #tpu.memory_space<semaphore_mem>>)
        %dma_wait3A = arith.constant 0 : i32
        %dma_wait3A_43 = tpu.memref_slice %arg10[%mul3A_35, %dma_wait3A] : memref<40x125xi32, #tpu.memory_space<vmem>> -> memref<1x125xi32, #tpu.memory_space<vmem>>
        %dma_wait3A_44 = tpu.memref_squeeze %dma_wait3A_43 : memref<1x125xi32, #tpu.memory_space<vmem>> -> memref<125xi32, #tpu.memory_space<vmem>>
        %dma_wait3A_45 = arith.constant 0 : i32
        %dma_wait3A_46 = arith.constant 0 : i32
        %dma_wait3A_47 = tpu.memref_slice %arg2[%dma_wait3A_45, %dma_wait3A_46] : memref<10240x128xf32, #tpu.memory_space<hbm>> -> memref<10240x128xf32, #tpu.memory_space<hbm>>
        tpu.wait_indirect_dma semaphore(%arg15 : memref<!tpu.dma_semaphore, #tpu.memory_space<semaphore_mem>>) src(%dma_wait3A_47 : memref<10240x128xf32, #tpu.memory_space<hbm>>) dst(%arg12 : memref<125x128xf32, #tpu.memory_space<vmem>>)
        "tpu.region"() ({
          %run_scoped3A = tpu.sem_alloc : memref<!tpu.dma_semaphore, #tpu.memory_space<semaphore_mem>>
          %dma_start3A_60 = arith.constant 0 : i32
          %dma_start3A_61 = tpu.memref_slice %arg11[%mul3A_35, %dma_start3A_60] : memref<40x125xi32, #tpu.memory_space<vmem>> -> memref<1x125xi32, #tpu.memory_space<vmem>>
          %dma_start3A_62 = tpu.memref_squeeze %dma_start3A_61 : memref<1x125xi32, #tpu.memory_space<vmem>> -> memref<125xi32, #tpu.memory_space<vmem>>
          %dma_start3A_63 = arith.constant 0 : i32
          %dma_start3A_64 = arith.constant 0 : i32
          %dma_start3A_65 = tpu.memref_slice %arg14[%dma_start3A_63, %dma_start3A_64] : memref<10240x128xf32, #tpu.memory_space<vmem_shared>> -> memref<10240x128xf32, #tpu.memory_space<vmem_shared>>
          tpu.enqueue_indirect_dma source(%arg12 : memref<125x128xf32, #tpu.memory_space<vmem>>) target(%dma_start3A_65 : memref<10240x128xf32, #tpu.memory_space<vmem_shared>>) offsets(%dma_start3A_62 : memref<125xi32, #tpu.memory_space<vmem>>) semaphore(%run_scoped3A : memref<!tpu.dma_semaphore, #tpu.memory_space<semaphore_mem>>) {add = true}
          %dma_wait3A_66 = arith.constant 0 : i32
          %dma_wait3A_67 = tpu.memref_slice %arg11[%mul3A_35, %dma_wait3A_66] : memref<40x125xi32, #tpu.memory_space<vmem>> -> memref<1x125xi32, #tpu.memory_space<vmem>>
          %dma_wait3A_68 = tpu.memref_squeeze %dma_wait3A_67 : memref<1x125xi32, #tpu.memory_space<vmem>> -> memref<125xi32, #tpu.memory_space<vmem>>
          %dma_wait3A_69 = arith.constant 0 : i32
          %dma_wait3A_70 = arith.constant 0 : i32
          %dma_wait3A_71 = tpu.memref_slice %arg14[%dma_wait3A_69, %dma_wait3A_70] : memref<10240x128xf32, #tpu.memory_space<vmem_shared>> -> memref<10240x128xf32, #tpu.memory_space<vmem_shared>>
          tpu.wait_indirect_dma semaphore(%run_scoped3A : memref<!tpu.dma_semaphore, #tpu.memory_space<semaphore_mem>>) src(%arg12 : memref<125x128xf32, #tpu.memory_space<vmem>>) dst(%dma_wait3A_71 : memref<10240x128xf32, #tpu.memory_space<vmem_shared>>)
          tpu.yield
        }) : () -> ()
        %lt3A = arith.constant 19 : i32
        %lt3A_48 = arith.cmpi slt, %scan3A_33, %lt3A : i32
        %convert_element_type3A_49 = arith.extui %lt3A_48 : i1 to i32
        %cond3A_50 = arith.constant 0 : i32
        %cond3A_51 = arith.cmpi ne, %convert_element_type3A_49, %cond3A_50 : i32
        scf.if %cond3A_51 {
          %add3A_60 = arith.constant 2 : i32
          %add3A_61 = arith.addi %mul3A_35, %add3A_60 : i32
          %dma_start3A_62 = arith.constant 0 : i32
          %dma_start3A_63 = tpu.memref_slice %arg10[%add3A_61, %dma_start3A_62] : memref<40x125xi32, #tpu.memory_space<vmem>> -> memref<1x125xi32, #tpu.memory_space<vmem>>
          %dma_start3A_64 = tpu.memref_squeeze %dma_start3A_63 : memref<1x125xi32, #tpu.memory_space<vmem>> -> memref<125xi32, #tpu.memory_space<vmem>>
          %dma_start3A_65 = arith.constant 0 : i32
          %dma_start3A_66 = arith.constant 0 : i32
          %dma_start3A_67 = tpu.memref_slice %arg2[%dma_start3A_65, %dma_start3A_66] : memref<10240x128xf32, #tpu.memory_space<hbm>> -> memref<10240x128xf32, #tpu.memory_space<hbm>>
          tpu.enqueue_indirect_dma source(%dma_start3A_67 : memref<10240x128xf32, #tpu.memory_space<hbm>>) target(%arg12 : memref<125x128xf32, #tpu.memory_space<vmem>>) offsets(%dma_start3A_64 : memref<125xi32, #tpu.memory_space<vmem>>) semaphore(%arg15 : memref<!tpu.dma_semaphore, #tpu.memory_space<semaphore_mem>>)
        } else {
        }
        %dma_wait3A_52 = arith.constant 0 : i32
        %dma_wait3A_53 = tpu.memref_slice %arg10[%add3A_36, %dma_wait3A_52] : memref<40x125xi32, #tpu.memory_space<vmem>> -> memref<1x125xi32, #tpu.memory_space<vmem>>
        %dma_wait3A_54 = tpu.memref_squeeze %dma_wait3A_53 : memref<1x125xi32, #tpu.memory_space<vmem>> -> memref<125xi32, #tpu.memory_space<vmem>>
        %dma_wait3A_55 = arith.constant 0 : i32
        %dma_wait3A_56 = arith.constant 0 : i32
        %dma_wait3A_57 = tpu.memref_slice %arg2[%dma_wait3A_55, %dma_wait3A_56] : memref<10240x128xf32, #tpu.memory_space<hbm>> -> memref<10240x128xf32, #tpu.memory_space<hbm>>
        tpu.wait_indirect_dma semaphore(%arg16 : memref<!tpu.dma_semaphore, #tpu.memory_space<semaphore_mem>>) src(%dma_wait3A_57 : memref<10240x128xf32, #tpu.memory_space<hbm>>) dst(%arg13 : memref<125x128xf32, #tpu.memory_space<vmem>>)
        %add3A_58 = arith.constant 1 : i32
        %add3A_59 = arith.addi %mul3A_35, %add3A_58 : i32
        "tpu.region"() ({
          %run_scoped3A = tpu.sem_alloc : memref<!tpu.dma_semaphore, #tpu.memory_space<semaphore_mem>>
          %dma_start3A_60 = arith.constant 0 : i32
          %dma_start3A_61 = tpu.memref_slice %arg11[%add3A_59, %dma_start3A_60] : memref<40x125xi32, #tpu.memory_space<vmem>> -> memref<1x125xi32, #tpu.memory_space<vmem>>
          %dma_start3A_62 = tpu.memref_squeeze %dma_start3A_61 : memref<1x125xi32, #tpu.memory_space<vmem>> -> memref<125xi32, #tpu.memory_space<vmem>>
          %dma_start3A_63 = arith.constant 0 : i32
          %dma_start3A_64 = arith.constant 0 : i32
          %dma_start3A_65 = tpu.memref_slice %arg14[%dma_start3A_63, %dma_start3A_64] : memref<10240x128xf32, #tpu.memory_space<vmem_shared>> -> memref<10240x128xf32, #tpu.memory_space<vmem_shared>>
          tpu.enqueue_indirect_dma source(%arg13 : memref<125x128xf32, #tpu.memory_space<vmem>>) target(%dma_start3A_65 : memref<10240x128xf32, #tpu.memory_space<vmem_shared>>) offsets(%dma_start3A_62 : memref<125xi32, #tpu.memory_space<vmem>>) semaphore(%run_scoped3A : memref<!tpu.dma_semaphore, #tpu.memory_space<semaphore_mem>>) {add = true}
          %dma_wait3A_66 = arith.constant 0 : i32
          %dma_wait3A_67 = tpu.memref_slice %arg11[%add3A_59, %dma_wait3A_66] : memref<40x125xi32, #tpu.memory_space<vmem>> -> memref<1x125xi32, #tpu.memory_space<vmem>>
          %dma_wait3A_68 = tpu.memref_squeeze %dma_wait3A_67 : memref<1x125xi32, #tpu.memory_space<vmem>> -> memref<125xi32, #tpu.memory_space<vmem>>
          %dma_wait3A_69 = arith.constant 0 : i32
          %dma_wait3A_70 = arith.constant 0 : i32
          %dma_wait3A_71 = tpu.memref_slice %arg14[%dma_wait3A_69, %dma_wait3A_70] : memref<10240x128xf32, #tpu.memory_space<vmem_shared>> -> memref<10240x128xf32, #tpu.memory_space<vmem_shared>>
          tpu.wait_indirect_dma semaphore(%run_scoped3A : memref<!tpu.dma_semaphore, #tpu.memory_space<semaphore_mem>>) src(%arg13 : memref<125x128xf32, #tpu.memory_space<vmem>>) dst(%dma_wait3A_71 : memref<10240x128xf32, #tpu.memory_space<vmem_shared>>)
          tpu.yield
        }) : () -> ()
      }
      %scan3A_31 = arith.constant 20 : i32
      %barrier3A_32 = arith.constant 0 : index
      tpu.barrier barrier_id(%barrier3A_32)
      "tpu.region"() ({
        %run_scoped3A = tpu.sem_alloc : memref<!tpu.dma_semaphore, #tpu.memory_space<semaphore_mem>>
        %dma_start3A_33 = arith.constant 0 : i32
        %dma_start3A_34 = tpu.memref_slice %arg8[%mul3A_0, %dma_start3A_33] : memref<10240x128xf32, #tpu.memory_space<hbm>> -> memref<640x128xf32, #tpu.memory_space<hbm>>
        %dma_start3A_35 = arith.constant 0 : i32
        %dma_start3A_36 = tpu.memref_slice %arg14[%mul3A_0, %dma_start3A_35] : memref<10240x128xf32, #tpu.memory_space<vmem_shared>> -> memref<640x128xf32, #tpu.memory_space<vmem_shared>>
        tpu.enqueue_dma source(%dma_start3A_36 : memref<640x128xf32, #tpu.memory_space<vmem_shared>>) target(%dma_start3A_34 : memref<640x128xf32, #tpu.memory_space<hbm>>) target_semaphore(%run_scoped3A : memref<!tpu.dma_semaphore, #tpu.memory_space<semaphore_mem>>)
        %dma_wait3A = arith.constant 0 : i32
        %dma_wait3A_37 = tpu.memref_slice %arg8[%mul3A_0, %dma_wait3A] : memref<10240x128xf32, #tpu.memory_space<hbm>> -> memref<640x128xf32, #tpu.memory_space<hbm>>
        %dma_wait3A_38 = arith.constant 0 : i32
        %dma_wait3A_39 = tpu.memref_slice %arg14[%mul3A_0, %dma_wait3A_38] : memref<10240x128xf32, #tpu.memory_space<vmem_shared>> -> memref<640x128xf32, #tpu.memory_space<vmem_shared>>
        tpu.wait_dma2 semaphore(%run_scoped3A : memref<!tpu.dma_semaphore, #tpu.memory_space<semaphore_mem>>) src(%dma_wait3A_39 : memref<640x128xf32, #tpu.memory_space<vmem_shared>>) dst(%dma_wait3A_37 : memref<640x128xf32, #tpu.memory_space<hbm>>)
        tpu.yield
      }) : () -> ()
    } else {
    }
    %eq3A_3 = arith.constant 1 : i32
    %eq3A_4 = arith.cmpi eq, %arg0, %eq3A_3 : i32
    %convert_element_type3A_5 = arith.extui %eq3A_4 : i1 to i32
    %cond3A_6 = arith.constant 0 : i32
    %cond3A_7 = arith.cmpi ne, %convert_element_type3A_5, %cond3A_6 : i32
    scf.if %cond3A_7 {
      "tpu.region"() ({
        %run_scoped3A = tpu.sem_alloc : memref<!tpu.dma_semaphore, #tpu.memory_space<semaphore_mem>>
        %dma_start3A_33 = arith.constant 0 : i32
        %dma_start3A_34 = tpu.memref_slice %arg14[%mul3A_0, %dma_start3A_33] : memref<10240x128xf32, #tpu.memory_space<vmem_shared>> -> memref<640x128xf32, #tpu.memory_space<vmem_shared>>
        %dma_start3A_35 = arith.constant 0 : i32
        %dma_start3A_36 = tpu.memref_slice %arg3[%mul3A_0, %dma_start3A_35] : memref<10240x128xf32, #tpu.memory_space<hbm>> -> memref<640x128xf32, #tpu.memory_space<hbm>>
        tpu.enqueue_dma source(%dma_start3A_36 : memref<640x128xf32, #tpu.memory_space<hbm>>) target(%dma_start3A_34 : memref<640x128xf32, #tpu.memory_space<vmem_shared>>) target_semaphore(%run_scoped3A : memref<!tpu.dma_semaphore, #tpu.memory_space<semaphore_mem>>)
        %dma_wait3A = arith.constant 0 : i32
        %dma_wait3A_37 = tpu.memref_slice %arg14[%mul3A_0, %dma_wait3A] : memref<10240x128xf32, #tpu.memory_space<vmem_shared>> -> memref<640x128xf32, #tpu.memory_space<vmem_shared>>
        %dma_wait3A_38 = arith.constant 0 : i32
        %dma_wait3A_39 = tpu.memref_slice %arg3[%mul3A_0, %dma_wait3A_38] : memref<10240x128xf32, #tpu.memory_space<hbm>> -> memref<640x128xf32, #tpu.memory_space<hbm>>
        tpu.wait_dma2 semaphore(%run_scoped3A : memref<!tpu.dma_semaphore, #tpu.memory_space<semaphore_mem>>) src(%dma_wait3A_39 : memref<640x128xf32, #tpu.memory_space<hbm>>) dst(%dma_wait3A_37 : memref<640x128xf32, #tpu.memory_space<vmem_shared>>)
        tpu.yield
      }) : () -> ()
      %barrier3A = arith.constant 0 : index
      tpu.barrier barrier_id(%barrier3A)
      "tpu.region"() ({
        %run_scoped3A = tpu.sem_alloc : memref<!tpu.dma_semaphore, #tpu.memory_space<semaphore_mem>>
        %dma_start3A_33 = arith.constant 0 : i32
        %dma_start3A_34 = arith.constant 0 : i32
        %dma_start3A_35 = tpu.memref_slice %arg4[%arg1, %dma_start3A_33, %dma_start3A_34] : memref<16x40x125xi32, #tpu.memory_space<hbm>> -> memref<1x40x125xi32, #tpu.memory_space<hbm>>
        %dma_start3A_36 = tpu.memref_squeeze %dma_start3A_35 : memref<1x40x125xi32, #tpu.memory_space<hbm>> -> memref<40x125xi32, #tpu.memory_space<hbm>>
        %dma_start3A_37 = arith.constant 0 : i32
        %dma_start3A_38 = arith.constant 0 : i32
        %dma_start3A_39 = tpu.memref_slice %arg4[%arg1, %dma_start3A_37, %dma_start3A_38] : memref<16x40x125xi32, #tpu.memory_space<hbm>> -> memref<1x40x125xi32, #tpu.memory_space<hbm>>
        %dma_start3A_40 = tpu.memref_squeeze %dma_start3A_39 : memref<1x40x125xi32, #tpu.memory_space<hbm>> -> memref<40x125xi32, #tpu.memory_space<hbm>>
        tpu.enqueue_dma source(%dma_start3A_40 : memref<40x125xi32, #tpu.memory_space<hbm>>) target(%arg10 : memref<40x125xi32, #tpu.memory_space<vmem>>) target_semaphore(%run_scoped3A : memref<!tpu.dma_semaphore, #tpu.memory_space<semaphore_mem>>)
        %dma_wait3A = arith.constant 0 : i32
        %dma_wait3A_41 = arith.constant 0 : i32
        %dma_wait3A_42 = tpu.memref_slice %arg4[%arg1, %dma_wait3A, %dma_wait3A_41] : memref<16x40x125xi32, #tpu.memory_space<hbm>> -> memref<1x40x125xi32, #tpu.memory_space<hbm>>
        %dma_wait3A_43 = tpu.memref_squeeze %dma_wait3A_42 : memref<1x40x125xi32, #tpu.memory_space<hbm>> -> memref<40x125xi32, #tpu.memory_space<hbm>>
        %dma_wait3A_44 = arith.constant 0 : i32
        %dma_wait3A_45 = arith.constant 0 : i32
        %dma_wait3A_46 = tpu.memref_slice %arg4[%arg1, %dma_wait3A_44, %dma_wait3A_45] : memref<16x40x125xi32, #tpu.memory_space<hbm>> -> memref<1x40x125xi32, #tpu.memory_space<hbm>>
        %dma_wait3A_47 = tpu.memref_squeeze %dma_wait3A_46 : memref<1x40x125xi32, #tpu.memory_space<hbm>> -> memref<40x125xi32, #tpu.memory_space<hbm>>
        tpu.wait_dma2 semaphore(%run_scoped3A : memref<!tpu.dma_semaphore, #tpu.memory_space<semaphore_mem>>) src(%dma_wait3A_47 : memref<40x125xi32, #tpu.memory_space<hbm>>) dst(%arg10 : memref<40x125xi32, #tpu.memory_space<vmem>>)
        tpu.yield
      }) : () -> ()
      "tpu.region"() ({
        %run_scoped3A = tpu.sem_alloc : memref<!tpu.dma_semaphore, #tpu.memory_space<semaphore_mem>>
        %dma_start3A_33 = arith.constant 0 : i32
        %dma_start3A_34 = arith.constant 0 : i32
        %dma_start3A_35 = tpu.memref_slice %arg6[%arg1, %dma_start3A_33, %dma_start3A_34] : memref<16x40x125xi32, #tpu.memory_space<hbm>> -> memref<1x40x125xi32, #tpu.memory_space<hbm>>
        %dma_start3A_36 = tpu.memref_squeeze %dma_start3A_35 : memref<1x40x125xi32, #tpu.memory_space<hbm>> -> memref<40x125xi32, #tpu.memory_space<hbm>>
        %dma_start3A_37 = arith.constant 0 : i32
        %dma_start3A_38 = arith.constant 0 : i32
        %dma_start3A_39 = tpu.memref_slice %arg6[%arg1, %dma_start3A_37, %dma_start3A_38] : memref<16x40x125xi32, #tpu.memory_space<hbm>> -> memref<1x40x125xi32, #tpu.memory_space<hbm>>
        %dma_start3A_40 = tpu.memref_squeeze %dma_start3A_39 : memref<1x40x125xi32, #tpu.memory_space<hbm>> -> memref<40x125xi32, #tpu.memory_space<hbm>>
        tpu.enqueue_dma source(%dma_start3A_40 : memref<40x125xi32, #tpu.memory_space<hbm>>) target(%arg11 : memref<40x125xi32, #tpu.memory_space<vmem>>) target_semaphore(%run_scoped3A : memref<!tpu.dma_semaphore, #tpu.memory_space<semaphore_mem>>)
        %dma_wait3A = arith.constant 0 : i32
        %dma_wait3A_41 = arith.constant 0 : i32
        %dma_wait3A_42 = tpu.memref_slice %arg6[%arg1, %dma_wait3A, %dma_wait3A_41] : memref<16x40x125xi32, #tpu.memory_space<hbm>> -> memref<1x40x125xi32, #tpu.memory_space<hbm>>
        %dma_wait3A_43 = tpu.memref_squeeze %dma_wait3A_42 : memref<1x40x125xi32, #tpu.memory_space<hbm>> -> memref<40x125xi32, #tpu.memory_space<hbm>>
        %dma_wait3A_44 = arith.constant 0 : i32
        %dma_wait3A_45 = arith.constant 0 : i32
        %dma_wait3A_46 = tpu.memref_slice %arg6[%arg1, %dma_wait3A_44, %dma_wait3A_45] : memref<16x40x125xi32, #tpu.memory_space<hbm>> -> memref<1x40x125xi32, #tpu.memory_space<hbm>>
        %dma_wait3A_47 = tpu.memref_squeeze %dma_wait3A_46 : memref<1x40x125xi32, #tpu.memory_space<hbm>> -> memref<40x125xi32, #tpu.memory_space<hbm>>
        tpu.wait_dma2 semaphore(%run_scoped3A : memref<!tpu.dma_semaphore, #tpu.memory_space<semaphore_mem>>) src(%dma_wait3A_47 : memref<40x125xi32, #tpu.memory_space<hbm>>) dst(%arg11 : memref<40x125xi32, #tpu.memory_space<vmem>>)
        tpu.yield
      }) : () -> ()
      %dma_start3A = arith.constant 0 : i32
      %dma_start3A_8 = arith.constant 0 : i32
      %dma_start3A_9 = tpu.memref_slice %arg10[%dma_start3A, %dma_start3A_8] : memref<40x125xi32, #tpu.memory_space<vmem>> -> memref<1x125xi32, #tpu.memory_space<vmem>>
      %dma_start3A_10 = tpu.memref_squeeze %dma_start3A_9 : memref<1x125xi32, #tpu.memory_space<vmem>> -> memref<125xi32, #tpu.memory_space<vmem>>
      %dma_start3A_11 = arith.constant 0 : i32
      %dma_start3A_12 = arith.constant 0 : i32
      %dma_start3A_13 = tpu.memref_slice %arg3[%dma_start3A_11, %dma_start3A_12] : memref<10240x128xf32, #tpu.memory_space<hbm>> -> memref<10240x128xf32, #tpu.memory_space<hbm>>
      tpu.enqueue_indirect_dma source(%dma_start3A_13 : memref<10240x128xf32, #tpu.memory_space<hbm>>) target(%arg12 : memref<125x128xf32, #tpu.memory_space<vmem>>) offsets(%dma_start3A_10 : memref<125xi32, #tpu.memory_space<vmem>>) semaphore(%arg15 : memref<!tpu.dma_semaphore, #tpu.memory_space<semaphore_mem>>)
      %scan3A = arith.constant 0 : i32
      %scan3A_14 = arith.constant 0 : i32
      %scan3A_15 = arith.constant 20 : i32
      %scan3A_16 = arith.addi %scan3A_14, %scan3A_15 : i32
      %scan3A_17 = arith.constant 1 : i32
      scf.for %scan3A_33 = %scan3A_14 to %scan3A_16 step %scan3A_17  : i32 {
        %mul3A_34 = arith.constant 2 : i32
        %mul3A_35 = arith.muli %mul3A_34, %scan3A_33 : i32
        %add3A = arith.constant 1 : i32
        %add3A_36 = arith.addi %mul3A_35, %add3A : i32
        %dma_start3A_37 = arith.constant 0 : i32
        %dma_start3A_38 = tpu.memref_slice %arg10[%add3A_36, %dma_start3A_37] : memref<40x125xi32, #tpu.memory_space<vmem>> -> memref<1x125xi32, #tpu.memory_space<vmem>>
        %dma_start3A_39 = tpu.memref_squeeze %dma_start3A_38 : memref<1x125xi32, #tpu.memory_space<vmem>> -> memref<125xi32, #tpu.memory_space<vmem>>
        %dma_start3A_40 = arith.constant 0 : i32
        %dma_start3A_41 = arith.constant 0 : i32
        %dma_start3A_42 = tpu.memref_slice %arg3[%dma_start3A_40, %dma_start3A_41] : memref<10240x128xf32, #tpu.memory_space<hbm>> -> memref<10240x128xf32, #tpu.memory_space<hbm>>
        tpu.enqueue_indirect_dma source(%dma_start3A_42 : memref<10240x128xf32, #tpu.memory_space<hbm>>) target(%arg13 : memref<125x128xf32, #tpu.memory_space<vmem>>) offsets(%dma_start3A_39 : memref<125xi32, #tpu.memory_space<vmem>>) semaphore(%arg16 : memref<!tpu.dma_semaphore, #tpu.memory_space<semaphore_mem>>)
        %dma_wait3A = arith.constant 0 : i32
        %dma_wait3A_43 = tpu.memref_slice %arg10[%mul3A_35, %dma_wait3A] : memref<40x125xi32, #tpu.memory_space<vmem>> -> memref<1x125xi32, #tpu.memory_space<vmem>>
        %dma_wait3A_44 = tpu.memref_squeeze %dma_wait3A_43 : memref<1x125xi32, #tpu.memory_space<vmem>> -> memref<125xi32, #tpu.memory_space<vmem>>
        %dma_wait3A_45 = arith.constant 0 : i32
        %dma_wait3A_46 = arith.constant 0 : i32
        %dma_wait3A_47 = tpu.memref_slice %arg3[%dma_wait3A_45, %dma_wait3A_46] : memref<10240x128xf32, #tpu.memory_space<hbm>> -> memref<10240x128xf32, #tpu.memory_space<hbm>>
        tpu.wait_indirect_dma semaphore(%arg15 : memref<!tpu.dma_semaphore, #tpu.memory_space<semaphore_mem>>) src(%dma_wait3A_47 : memref<10240x128xf32, #tpu.memory_space<hbm>>) dst(%arg12 : memref<125x128xf32, #tpu.memory_space<vmem>>)
        "tpu.region"() ({
          %run_scoped3A = tpu.sem_alloc : memref<!tpu.dma_semaphore, #tpu.memory_space<semaphore_mem>>
          %dma_start3A_60 = arith.constant 0 : i32
          %dma_start3A_61 = tpu.memref_slice %arg11[%mul3A_35, %dma_start3A_60] : memref<40x125xi32, #tpu.memory_space<vmem>> -> memref<1x125xi32, #tpu.memory_space<vmem>>
          %dma_start3A_62 = tpu.memref_squeeze %dma_start3A_61 : memref<1x125xi32, #tpu.memory_space<vmem>> -> memref<125xi32, #tpu.memory_space<vmem>>
          %dma_start3A_63 = arith.constant 0 : i32
          %dma_start3A_64 = arith.constant 0 : i32
          %dma_start3A_65 = tpu.memref_slice %arg14[%dma_start3A_63, %dma_start3A_64] : memref<10240x128xf32, #tpu.memory_space<vmem_shared>> -> memref<10240x128xf32, #tpu.memory_space<vmem_shared>>
          tpu.enqueue_indirect_dma source(%arg12 : memref<125x128xf32, #tpu.memory_space<vmem>>) target(%dma_start3A_65 : memref<10240x128xf32, #tpu.memory_space<vmem_shared>>) offsets(%dma_start3A_62 : memref<125xi32, #tpu.memory_space<vmem>>) semaphore(%run_scoped3A : memref<!tpu.dma_semaphore, #tpu.memory_space<semaphore_mem>>) {add = true}
          %dma_wait3A_66 = arith.constant 0 : i32
          %dma_wait3A_67 = tpu.memref_slice %arg11[%mul3A_35, %dma_wait3A_66] : memref<40x125xi32, #tpu.memory_space<vmem>> -> memref<1x125xi32, #tpu.memory_space<vmem>>
          %dma_wait3A_68 = tpu.memref_squeeze %dma_wait3A_67 : memref<1x125xi32, #tpu.memory_space<vmem>> -> memref<125xi32, #tpu.memory_space<vmem>>
          %dma_wait3A_69 = arith.constant 0 : i32
          %dma_wait3A_70 = arith.constant 0 : i32
          %dma_wait3A_71 = tpu.memref_slice %arg14[%dma_wait3A_69, %dma_wait3A_70] : memref<10240x128xf32, #tpu.memory_space<vmem_shared>> -> memref<10240x128xf32, #tpu.memory_space<vmem_shared>>
          tpu.wait_indirect_dma semaphore(%run_scoped3A : memref<!tpu.dma_semaphore, #tpu.memory_space<semaphore_mem>>) src(%arg12 : memref<125x128xf32, #tpu.memory_space<vmem>>) dst(%dma_wait3A_71 : memref<10240x128xf32, #tpu.memory_space<vmem_shared>>)
          tpu.yield
        }) : () -> ()
        %lt3A = arith.constant 19 : i32
        %lt3A_48 = arith.cmpi slt, %scan3A_33, %lt3A : i32
        %convert_element_type3A_49 = arith.extui %lt3A_48 : i1 to i32
        %cond3A_50 = arith.constant 0 : i32
        %cond3A_51 = arith.cmpi ne, %convert_element_type3A_49, %cond3A_50 : i32
        scf.if %cond3A_51 {
          %add3A_60 = arith.constant 2 : i32
          %add3A_61 = arith.addi %mul3A_35, %add3A_60 : i32
          %dma_start3A_62 = arith.constant 0 : i32
          %dma_start3A_63 = tpu.memref_slice %arg10[%add3A_61, %dma_start3A_62] : memref<40x125xi32, #tpu.memory_space<vmem>> -> memref<1x125xi32, #tpu.memory_space<vmem>>
          %dma_start3A_64 = tpu.memref_squeeze %dma_start3A_63 : memref<1x125xi32, #tpu.memory_space<vmem>> -> memref<125xi32, #tpu.memory_space<vmem>>
          %dma_start3A_65 = arith.constant 0 : i32
          %dma_start3A_66 = arith.constant 0 : i32
          %dma_start3A_67 = tpu.memref_slice %arg3[%dma_start3A_65, %dma_start3A_66] : memref<10240x128xf32, #tpu.memory_space<hbm>> -> memref<10240x128xf32, #tpu.memory_space<hbm>>
          tpu.enqueue_indirect_dma source(%dma_start3A_67 : memref<10240x128xf32, #tpu.memory_space<hbm>>) target(%arg12 : memref<125x128xf32, #tpu.memory_space<vmem>>) offsets(%dma_start3A_64 : memref<125xi32, #tpu.memory_space<vmem>>) semaphore(%arg15 : memref<!tpu.dma_semaphore, #tpu.memory_space<semaphore_mem>>)
        } else {
        }
        %dma_wait3A_52 = arith.constant 0 : i32
        %dma_wait3A_53 = tpu.memref_slice %arg10[%add3A_36, %dma_wait3A_52] : memref<40x125xi32, #tpu.memory_space<vmem>> -> memref<1x125xi32, #tpu.memory_space<vmem>>
        %dma_wait3A_54 = tpu.memref_squeeze %dma_wait3A_53 : memref<1x125xi32, #tpu.memory_space<vmem>> -> memref<125xi32, #tpu.memory_space<vmem>>
        %dma_wait3A_55 = arith.constant 0 : i32
        %dma_wait3A_56 = arith.constant 0 : i32
        %dma_wait3A_57 = tpu.memref_slice %arg3[%dma_wait3A_55, %dma_wait3A_56] : memref<10240x128xf32, #tpu.memory_space<hbm>> -> memref<10240x128xf32, #tpu.memory_space<hbm>>
        tpu.wait_indirect_dma semaphore(%arg16 : memref<!tpu.dma_semaphore, #tpu.memory_space<semaphore_mem>>) src(%dma_wait3A_57 : memref<10240x128xf32, #tpu.memory_space<hbm>>) dst(%arg13 : memref<125x128xf32, #tpu.memory_space<vmem>>)
        %add3A_58 = arith.constant 1 : i32
        %add3A_59 = arith.addi %mul3A_35, %add3A_58 : i32
        "tpu.region"() ({
          %run_scoped3A = tpu.sem_alloc : memref<!tpu.dma_semaphore, #tpu.memory_space<semaphore_mem>>
          %dma_start3A_60 = arith.constant 0 : i32
          %dma_start3A_61 = tpu.memref_slice %arg11[%add3A_59, %dma_start3A_60] : memref<40x125xi32, #tpu.memory_space<vmem>> -> memref<1x125xi32, #tpu.memory_space<vmem>>
          %dma_start3A_62 = tpu.memref_squeeze %dma_start3A_61 : memref<1x125xi32, #tpu.memory_space<vmem>> -> memref<125xi32, #tpu.memory_space<vmem>>
          %dma_start3A_63 = arith.constant 0 : i32
          %dma_start3A_64 = arith.constant 0 : i32
          %dma_start3A_65 = tpu.memref_slice %arg14[%dma_start3A_63, %dma_start3A_64] : memref<10240x128xf32, #tpu.memory_space<vmem_shared>> -> memref<10240x128xf32, #tpu.memory_space<vmem_shared>>
          tpu.enqueue_indirect_dma source(%arg13 : memref<125x128xf32, #tpu.memory_space<vmem>>) target(%dma_start3A_65 : memref<10240x128xf32, #tpu.memory_space<vmem_shared>>) offsets(%dma_start3A_62 : memref<125xi32, #tpu.memory_space<vmem>>) semaphore(%run_scoped3A : memref<!tpu.dma_semaphore, #tpu.memory_space<semaphore_mem>>) {add = true}
          %dma_wait3A_66 = arith.constant 0 : i32
          %dma_wait3A_67 = tpu.memref_slice %arg11[%add3A_59, %dma_wait3A_66] : memref<40x125xi32, #tpu.memory_space<vmem>> -> memref<1x125xi32, #tpu.memory_space<vmem>>
          %dma_wait3A_68 = tpu.memref_squeeze %dma_wait3A_67 : memref<1x125xi32, #tpu.memory_space<vmem>> -> memref<125xi32, #tpu.memory_space<vmem>>
          %dma_wait3A_69 = arith.constant 0 : i32
          %dma_wait3A_70 = arith.constant 0 : i32
          %dma_wait3A_71 = tpu.memref_slice %arg14[%dma_wait3A_69, %dma_wait3A_70] : memref<10240x128xf32, #tpu.memory_space<vmem_shared>> -> memref<10240x128xf32, #tpu.memory_space<vmem_shared>>
          tpu.wait_indirect_dma semaphore(%run_scoped3A : memref<!tpu.dma_semaphore, #tpu.memory_space<semaphore_mem>>) src(%arg13 : memref<125x128xf32, #tpu.memory_space<vmem>>) dst(%dma_wait3A_71 : memref<10240x128xf32, #tpu.memory_space<vmem_shared>>)
          tpu.yield
        }) : () -> ()
      }
      %scan3A_18 = arith.constant 20 : i32
      "tpu.region"() ({
        %run_scoped3A = tpu.sem_alloc : memref<!tpu.dma_semaphore, #tpu.memory_space<semaphore_mem>>
        %dma_start3A_33 = arith.constant 0 : i32
        %dma_start3A_34 = arith.constant 0 : i32
        %dma_start3A_35 = tpu.memref_slice %arg5[%arg1, %dma_start3A_33, %dma_start3A_34] : memref<16x40x125xi32, #tpu.memory_space<hbm>> -> memref<1x40x125xi32, #tpu.memory_space<hbm>>
        %dma_start3A_36 = tpu.memref_squeeze %dma_start3A_35 : memref<1x40x125xi32, #tpu.memory_space<hbm>> -> memref<40x125xi32, #tpu.memory_space<hbm>>
        %dma_start3A_37 = arith.constant 0 : i32
        %dma_start3A_38 = arith.constant 0 : i32
        %dma_start3A_39 = tpu.memref_slice %arg5[%arg1, %dma_start3A_37, %dma_start3A_38] : memref<16x40x125xi32, #tpu.memory_space<hbm>> -> memref<1x40x125xi32, #tpu.memory_space<hbm>>
        %dma_start3A_40 = tpu.memref_squeeze %dma_start3A_39 : memref<1x40x125xi32, #tpu.memory_space<hbm>> -> memref<40x125xi32, #tpu.memory_space<hbm>>
        tpu.enqueue_dma source(%dma_start3A_40 : memref<40x125xi32, #tpu.memory_space<hbm>>) target(%arg10 : memref<40x125xi32, #tpu.memory_space<vmem>>) target_semaphore(%run_scoped3A : memref<!tpu.dma_semaphore, #tpu.memory_space<semaphore_mem>>)
        %dma_wait3A = arith.constant 0 : i32
        %dma_wait3A_41 = arith.constant 0 : i32
        %dma_wait3A_42 = tpu.memref_slice %arg5[%arg1, %dma_wait3A, %dma_wait3A_41] : memref<16x40x125xi32, #tpu.memory_space<hbm>> -> memref<1x40x125xi32, #tpu.memory_space<hbm>>
        %dma_wait3A_43 = tpu.memref_squeeze %dma_wait3A_42 : memref<1x40x125xi32, #tpu.memory_space<hbm>> -> memref<40x125xi32, #tpu.memory_space<hbm>>
        %dma_wait3A_44 = arith.constant 0 : i32
        %dma_wait3A_45 = arith.constant 0 : i32
        %dma_wait3A_46 = tpu.memref_slice %arg5[%arg1, %dma_wait3A_44, %dma_wait3A_45] : memref<16x40x125xi32, #tpu.memory_space<hbm>> -> memref<1x40x125xi32, #tpu.memory_space<hbm>>
        %dma_wait3A_47 = tpu.memref_squeeze %dma_wait3A_46 : memref<1x40x125xi32, #tpu.memory_space<hbm>> -> memref<40x125xi32, #tpu.memory_space<hbm>>
        tpu.wait_dma2 semaphore(%run_scoped3A : memref<!tpu.dma_semaphore, #tpu.memory_space<semaphore_mem>>) src(%dma_wait3A_47 : memref<40x125xi32, #tpu.memory_space<hbm>>) dst(%arg10 : memref<40x125xi32, #tpu.memory_space<vmem>>)
        tpu.yield
      }) : () -> ()
      "tpu.region"() ({
        %run_scoped3A = tpu.sem_alloc : memref<!tpu.dma_semaphore, #tpu.memory_space<semaphore_mem>>
        %dma_start3A_33 = arith.constant 0 : i32
        %dma_start3A_34 = arith.constant 0 : i32
        %dma_start3A_35 = tpu.memref_slice %arg7[%arg1, %dma_start3A_33, %dma_start3A_34] : memref<16x40x125xi32, #tpu.memory_space<hbm>> -> memref<1x40x125xi32, #tpu.memory_space<hbm>>
        %dma_start3A_36 = tpu.memref_squeeze %dma_start3A_35 : memref<1x40x125xi32, #tpu.memory_space<hbm>> -> memref<40x125xi32, #tpu.memory_space<hbm>>
        %dma_start3A_37 = arith.constant 0 : i32
        %dma_start3A_38 = arith.constant 0 : i32
        %dma_start3A_39 = tpu.memref_slice %arg7[%arg1, %dma_start3A_37, %dma_start3A_38] : memref<16x40x125xi32, #tpu.memory_space<hbm>> -> memref<1x40x125xi32, #tpu.memory_space<hbm>>
        %dma_start3A_40 = tpu.memref_squeeze %dma_start3A_39 : memref<1x40x125xi32, #tpu.memory_space<hbm>> -> memref<40x125xi32, #tpu.memory_space<hbm>>
        tpu.enqueue_dma source(%dma_start3A_40 : memref<40x125xi32, #tpu.memory_space<hbm>>) target(%arg11 : memref<40x125xi32, #tpu.memory_space<vmem>>) target_semaphore(%run_scoped3A : memref<!tpu.dma_semaphore, #tpu.memory_space<semaphore_mem>>)
        %dma_wait3A = arith.constant 0 : i32
        %dma_wait3A_41 = arith.constant 0 : i32
        %dma_wait3A_42 = tpu.memref_slice %arg7[%arg1, %dma_wait3A, %dma_wait3A_41] : memref<16x40x125xi32, #tpu.memory_space<hbm>> -> memref<1x40x125xi32, #tpu.memory_space<hbm>>
        %dma_wait3A_43 = tpu.memref_squeeze %dma_wait3A_42 : memref<1x40x125xi32, #tpu.memory_space<hbm>> -> memref<40x125xi32, #tpu.memory_space<hbm>>
        %dma_wait3A_44 = arith.constant 0 : i32
        %dma_wait3A_45 = arith.constant 0 : i32
        %dma_wait3A_46 = tpu.memref_slice %arg7[%arg1, %dma_wait3A_44, %dma_wait3A_45] : memref<16x40x125xi32, #tpu.memory_space<hbm>> -> memref<1x40x125xi32, #tpu.memory_space<hbm>>
        %dma_wait3A_47 = tpu.memref_squeeze %dma_wait3A_46 : memref<1x40x125xi32, #tpu.memory_space<hbm>> -> memref<40x125xi32, #tpu.memory_space<hbm>>
        tpu.wait_dma2 semaphore(%run_scoped3A : memref<!tpu.dma_semaphore, #tpu.memory_space<semaphore_mem>>) src(%dma_wait3A_47 : memref<40x125xi32, #tpu.memory_space<hbm>>) dst(%arg11 : memref<40x125xi32, #tpu.memory_space<vmem>>)
        tpu.yield
      }) : () -> ()
      %dma_start3A_19 = arith.constant 0 : i32
      %dma_start3A_20 = arith.constant 0 : i32
      %dma_start3A_21 = tpu.memref_slice %arg10[%dma_start3A_19, %dma_start3A_20] : memref<40x125xi32, #tpu.memory_space<vmem>> -> memref<1x125xi32, #tpu.memory_space<vmem>>
      %dma_start3A_22 = tpu.memref_squeeze %dma_start3A_21 : memref<1x125xi32, #tpu.memory_space<vmem>> -> memref<125xi32, #tpu.memory_space<vmem>>
      %dma_start3A_23 = arith.constant 0 : i32
      %dma_start3A_24 = arith.constant 0 : i32
      %dma_start3A_25 = tpu.memref_slice %arg3[%dma_start3A_23, %dma_start3A_24] : memref<10240x128xf32, #tpu.memory_space<hbm>> -> memref<10240x128xf32, #tpu.memory_space<hbm>>
      tpu.enqueue_indirect_dma source(%dma_start3A_25 : memref<10240x128xf32, #tpu.memory_space<hbm>>) target(%arg12 : memref<125x128xf32, #tpu.memory_space<vmem>>) offsets(%dma_start3A_22 : memref<125xi32, #tpu.memory_space<vmem>>) semaphore(%arg15 : memref<!tpu.dma_semaphore, #tpu.memory_space<semaphore_mem>>)
      %scan3A_26 = arith.constant 0 : i32
      %scan3A_27 = arith.constant 0 : i32
      %scan3A_28 = arith.constant 20 : i32
      %scan3A_29 = arith.addi %scan3A_27, %scan3A_28 : i32
      %scan3A_30 = arith.constant 1 : i32
      scf.for %scan3A_33 = %scan3A_27 to %scan3A_29 step %scan3A_30  : i32 {
        %mul3A_34 = arith.constant 2 : i32
        %mul3A_35 = arith.muli %mul3A_34, %scan3A_33 : i32
        %add3A = arith.constant 1 : i32
        %add3A_36 = arith.addi %mul3A_35, %add3A : i32
        %dma_start3A_37 = arith.constant 0 : i32
        %dma_start3A_38 = tpu.memref_slice %arg10[%add3A_36, %dma_start3A_37] : memref<40x125xi32, #tpu.memory_space<vmem>> -> memref<1x125xi32, #tpu.memory_space<vmem>>
        %dma_start3A_39 = tpu.memref_squeeze %dma_start3A_38 : memref<1x125xi32, #tpu.memory_space<vmem>> -> memref<125xi32, #tpu.memory_space<vmem>>
        %dma_start3A_40 = arith.constant 0 : i32
        %dma_start3A_41 = arith.constant 0 : i32
        %dma_start3A_42 = tpu.memref_slice %arg3[%dma_start3A_40, %dma_start3A_41] : memref<10240x128xf32, #tpu.memory_space<hbm>> -> memref<10240x128xf32, #tpu.memory_space<hbm>>
        tpu.enqueue_indirect_dma source(%dma_start3A_42 : memref<10240x128xf32, #tpu.memory_space<hbm>>) target(%arg13 : memref<125x128xf32, #tpu.memory_space<vmem>>) offsets(%dma_start3A_39 : memref<125xi32, #tpu.memory_space<vmem>>) semaphore(%arg16 : memref<!tpu.dma_semaphore, #tpu.memory_space<semaphore_mem>>)
        %dma_wait3A = arith.constant 0 : i32
        %dma_wait3A_43 = tpu.memref_slice %arg10[%mul3A_35, %dma_wait3A] : memref<40x125xi32, #tpu.memory_space<vmem>> -> memref<1x125xi32, #tpu.memory_space<vmem>>
        %dma_wait3A_44 = tpu.memref_squeeze %dma_wait3A_43 : memref<1x125xi32, #tpu.memory_space<vmem>> -> memref<125xi32, #tpu.memory_space<vmem>>
        %dma_wait3A_45 = arith.constant 0 : i32
        %dma_wait3A_46 = arith.constant 0 : i32
        %dma_wait3A_47 = tpu.memref_slice %arg3[%dma_wait3A_45, %dma_wait3A_46] : memref<10240x128xf32, #tpu.memory_space<hbm>> -> memref<10240x128xf32, #tpu.memory_space<hbm>>
        tpu.wait_indirect_dma semaphore(%arg15 : memref<!tpu.dma_semaphore, #tpu.memory_space<semaphore_mem>>) src(%dma_wait3A_47 : memref<10240x128xf32, #tpu.memory_space<hbm>>) dst(%arg12 : memref<125x128xf32, #tpu.memory_space<vmem>>)
        "tpu.region"() ({
          %run_scoped3A = tpu.sem_alloc : memref<!tpu.dma_semaphore, #tpu.memory_space<semaphore_mem>>
          %dma_start3A_60 = arith.constant 0 : i32
          %dma_start3A_61 = tpu.memref_slice %arg11[%mul3A_35, %dma_start3A_60] : memref<40x125xi32, #tpu.memory_space<vmem>> -> memref<1x125xi32, #tpu.memory_space<vmem>>
          %dma_start3A_62 = tpu.memref_squeeze %dma_start3A_61 : memref<1x125xi32, #tpu.memory_space<vmem>> -> memref<125xi32, #tpu.memory_space<vmem>>
          %dma_start3A_63 = arith.constant 0 : i32
          %dma_start3A_64 = arith.constant 0 : i32
          %dma_start3A_65 = tpu.memref_slice %arg14[%dma_start3A_63, %dma_start3A_64] : memref<10240x128xf32, #tpu.memory_space<vmem_shared>> -> memref<10240x128xf32, #tpu.memory_space<vmem_shared>>
          tpu.enqueue_indirect_dma source(%arg12 : memref<125x128xf32, #tpu.memory_space<vmem>>) target(%dma_start3A_65 : memref<10240x128xf32, #tpu.memory_space<vmem_shared>>) offsets(%dma_start3A_62 : memref<125xi32, #tpu.memory_space<vmem>>) semaphore(%run_scoped3A : memref<!tpu.dma_semaphore, #tpu.memory_space<semaphore_mem>>) {add = true}
          %dma_wait3A_66 = arith.constant 0 : i32
          %dma_wait3A_67 = tpu.memref_slice %arg11[%mul3A_35, %dma_wait3A_66] : memref<40x125xi32, #tpu.memory_space<vmem>> -> memref<1x125xi32, #tpu.memory_space<vmem>>
          %dma_wait3A_68 = tpu.memref_squeeze %dma_wait3A_67 : memref<1x125xi32, #tpu.memory_space<vmem>> -> memref<125xi32, #tpu.memory_space<vmem>>
          %dma_wait3A_69 = arith.constant 0 : i32
          %dma_wait3A_70 = arith.constant 0 : i32
          %dma_wait3A_71 = tpu.memref_slice %arg14[%dma_wait3A_69, %dma_wait3A_70] : memref<10240x128xf32, #tpu.memory_space<vmem_shared>> -> memref<10240x128xf32, #tpu.memory_space<vmem_shared>>
          tpu.wait_indirect_dma semaphore(%run_scoped3A : memref<!tpu.dma_semaphore, #tpu.memory_space<semaphore_mem>>) src(%arg12 : memref<125x128xf32, #tpu.memory_space<vmem>>) dst(%dma_wait3A_71 : memref<10240x128xf32, #tpu.memory_space<vmem_shared>>)
          tpu.yield
        }) : () -> ()
        %lt3A = arith.constant 19 : i32
        %lt3A_48 = arith.cmpi slt, %scan3A_33, %lt3A : i32
        %convert_element_type3A_49 = arith.extui %lt3A_48 : i1 to i32
        %cond3A_50 = arith.constant 0 : i32
        %cond3A_51 = arith.cmpi ne, %convert_element_type3A_49, %cond3A_50 : i32
        scf.if %cond3A_51 {
          %add3A_60 = arith.constant 2 : i32
          %add3A_61 = arith.addi %mul3A_35, %add3A_60 : i32
          %dma_start3A_62 = arith.constant 0 : i32
          %dma_start3A_63 = tpu.memref_slice %arg10[%add3A_61, %dma_start3A_62] : memref<40x125xi32, #tpu.memory_space<vmem>> -> memref<1x125xi32, #tpu.memory_space<vmem>>
          %dma_start3A_64 = tpu.memref_squeeze %dma_start3A_63 : memref<1x125xi32, #tpu.memory_space<vmem>> -> memref<125xi32, #tpu.memory_space<vmem>>
          %dma_start3A_65 = arith.constant 0 : i32
          %dma_start3A_66 = arith.constant 0 : i32
          %dma_start3A_67 = tpu.memref_slice %arg3[%dma_start3A_65, %dma_start3A_66] : memref<10240x128xf32, #tpu.memory_space<hbm>> -> memref<10240x128xf32, #tpu.memory_space<hbm>>
          tpu.enqueue_indirect_dma source(%dma_start3A_67 : memref<10240x128xf32, #tpu.memory_space<hbm>>) target(%arg12 : memref<125x128xf32, #tpu.memory_space<vmem>>) offsets(%dma_start3A_64 : memref<125xi32, #tpu.memory_space<vmem>>) semaphore(%arg15 : memref<!tpu.dma_semaphore, #tpu.memory_space<semaphore_mem>>)
        } else {
        }
        %dma_wait3A_52 = arith.constant 0 : i32
        %dma_wait3A_53 = tpu.memref_slice %arg10[%add3A_36, %dma_wait3A_52] : memref<40x125xi32, #tpu.memory_space<vmem>> -> memref<1x125xi32, #tpu.memory_space<vmem>>
        %dma_wait3A_54 = tpu.memref_squeeze %dma_wait3A_53 : memref<1x125xi32, #tpu.memory_space<vmem>> -> memref<125xi32, #tpu.memory_space<vmem>>
        %dma_wait3A_55 = arith.constant 0 : i32
        %dma_wait3A_56 = arith.constant 0 : i32
        %dma_wait3A_57 = tpu.memref_slice %arg3[%dma_wait3A_55, %dma_wait3A_56] : memref<10240x128xf32, #tpu.memory_space<hbm>> -> memref<10240x128xf32, #tpu.memory_space<hbm>>
        tpu.wait_indirect_dma semaphore(%arg16 : memref<!tpu.dma_semaphore, #tpu.memory_space<semaphore_mem>>) src(%dma_wait3A_57 : memref<10240x128xf32, #tpu.memory_space<hbm>>) dst(%arg13 : memref<125x128xf32, #tpu.memory_space<vmem>>)
        %add3A_58 = arith.constant 1 : i32
        %add3A_59 = arith.addi %mul3A_35, %add3A_58 : i32
        "tpu.region"() ({
          %run_scoped3A = tpu.sem_alloc : memref<!tpu.dma_semaphore, #tpu.memory_space<semaphore_mem>>
          %dma_start3A_60 = arith.constant 0 : i32
          %dma_start3A_61 = tpu.memref_slice %arg11[%add3A_59, %dma_start3A_60] : memref<40x125xi32, #tpu.memory_space<vmem>> -> memref<1x125xi32, #tpu.memory_space<vmem>>
          %dma_start3A_62 = tpu.memref_squeeze %dma_start3A_61 : memref<1x125xi32, #tpu.memory_space<vmem>> -> memref<125xi32, #tpu.memory_space<vmem>>
          %dma_start3A_63 = arith.constant 0 : i32
          %dma_start3A_64 = arith.constant 0 : i32
          %dma_start3A_65 = tpu.memref_slice %arg14[%dma_start3A_63, %dma_start3A_64] : memref<10240x128xf32, #tpu.memory_space<vmem_shared>> -> memref<10240x128xf32, #tpu.memory_space<vmem_shared>>
          tpu.enqueue_indirect_dma source(%arg13 : memref<125x128xf32, #tpu.memory_space<vmem>>) target(%dma_start3A_65 : memref<10240x128xf32, #tpu.memory_space<vmem_shared>>) offsets(%dma_start3A_62 : memref<125xi32, #tpu.memory_space<vmem>>) semaphore(%run_scoped3A : memref<!tpu.dma_semaphore, #tpu.memory_space<semaphore_mem>>) {add = true}
          %dma_wait3A_66 = arith.constant 0 : i32
          %dma_wait3A_67 = tpu.memref_slice %arg11[%add3A_59, %dma_wait3A_66] : memref<40x125xi32, #tpu.memory_space<vmem>> -> memref<1x125xi32, #tpu.memory_space<vmem>>
          %dma_wait3A_68 = tpu.memref_squeeze %dma_wait3A_67 : memref<1x125xi32, #tpu.memory_space<vmem>> -> memref<125xi32, #tpu.memory_space<vmem>>
          %dma_wait3A_69 = arith.constant 0 : i32
          %dma_wait3A_70 = arith.constant 0 : i32
          %dma_wait3A_71 = tpu.memref_slice %arg14[%dma_wait3A_69, %dma_wait3A_70] : memref<10240x128xf32, #tpu.memory_space<vmem_shared>> -> memref<10240x128xf32, #tpu.memory_space<vmem_shared>>
          tpu.wait_indirect_dma semaphore(%run_scoped3A : memref<!tpu.dma_semaphore, #tpu.memory_space<semaphore_mem>>) src(%arg13 : memref<125x128xf32, #tpu.memory_space<vmem>>) dst(%dma_wait3A_71 : memref<10240x128xf32, #tpu.memory_space<vmem_shared>>)
          tpu.yield
        }) : () -> ()
      }
      %scan3A_31 = arith.constant 20 : i32
      %barrier3A_32 = arith.constant 0 : index
      tpu.barrier barrier_id(%barrier3A_32)
      "tpu.region"() ({
        %run_scoped3A = tpu.sem_alloc : memref<!tpu.dma_semaphore, #tpu.memory_space<semaphore_mem>>
        %dma_start3A_33 = arith.constant 0 : i32
        %dma_start3A_34 = tpu.memref_slice %arg9[%mul3A_0, %dma_start3A_33] : memref<10240x128xf32, #tpu.memory_space<hbm>> -> memref<640x128xf32, #tpu.memory_space<hbm>>
        %dma_start3A_35 = arith.constant 0 : i32
        %dma_start3A_36 = tpu.memref_slice %arg14[%mul3A_0, %dma_start3A_35] : memref<10240x128xf32, #tpu.memory_space<vmem_shared>> -> memref<640x128xf32, #tpu.memory_space<vmem_shared>>
        tpu.enqueue_dma source(%dma_start3A_36 : memref<640x128xf32, #tpu.memory_space<vmem_shared>>) target(%dma_start3A_34 : memref<640x128xf32, #tpu.memory_space<hbm>>) target_semaphore(%run_scoped3A : memref<!tpu.dma_semaphore, #tpu.memory_space<semaphore_mem>>)
        %dma_wait3A = arith.constant 0 : i32
        %dma_wait3A_37 = tpu.memref_slice %arg9[%mul3A_0, %dma_wait3A] : memref<10240x128xf32, #tpu.memory_space<hbm>> -> memref<640x128xf32, #tpu.memory_space<hbm>>
        %dma_wait3A_38 = arith.constant 0 : i32
        %dma_wait3A_39 = tpu.memref_slice %arg14[%mul3A_0, %dma_wait3A_38] : memref<10240x128xf32, #tpu.memory_space<vmem_shared>> -> memref<640x128xf32, #tpu.memory_space<vmem_shared>>
        tpu.wait_dma2 semaphore(%run_scoped3A : memref<!tpu.dma_semaphore, #tpu.memory_space<semaphore_mem>>) src(%dma_wait3A_39 : memref<640x128xf32, #tpu.memory_space<vmem_shared>>) dst(%dma_wait3A_37 : memref<640x128xf32, #tpu.memory_space<hbm>>)
        tpu.yield
      }) : () -> ()
    } else {
    }
    return
  }
}

module attributes {stable_mosaic.version = 14 : i64} {
  func.func @body(%arg0: i32, %arg1: memref<2000x256xf32, #tpu.memory_space<vmem>>, %arg2: memref<2000x128xf32, #tpu.memory_space<vmem>>, %arg3: memref<2000x128xf32, #tpu.memory_space<vmem>>, %arg4: memref<2000x128xf32, #tpu.memory_space<vmem>>, %arg5: memref<2000x128xf32, #tpu.memory_space<vmem>>, %arg6: memref<2000x1xf32, #tpu.memory_space<vmem>>) attributes {dimension_semantics = [#tpu.dimension_semantics<arbitrary>], iteration_bounds = array<i64: 5>, scalar_prefetch = 0 : i64, scratch_operands = 0 : i64, tpu.core_type = #tpu.core_type<tc>, window_params = [{transform_indices = @transform_0, window_bounds = array<i64: 2000, 256>}, {transform_indices = @transform_1, window_bounds = array<i64: 2000, 128>}, {transform_indices = @transform_2, window_bounds = array<i64: 2000, 128>}, {transform_indices = @transform_3, window_bounds = array<i64: 2000, 128>}, {transform_indices = @transform_4, window_bounds = array<i64: 2000, 128>}, {transform_indices = @transform_5, window_bounds = array<i64: 2000, 1>}]} {
    %get3A = arith.constant 0 : index
    %get3A_0 = arith.constant 0 : index
    %get3A_1 = vector.load %arg2[%get3A, %get3A_0] : memref<2000x128xf32, #tpu.memory_space<vmem>>, vector<2000x1xf32>
    %get3A_2 = arith.constant 0 : index
    %get3A_3 = arith.constant 0 : index
    %get3A_4 = vector.load %arg3[%get3A_2, %get3A_3] : memref<2000x128xf32, #tpu.memory_space<vmem>>, vector<2000x1xf32>
    %add3A = arith.addf %get3A_1, %get3A_4 : vector<2000x1xf32>
    %add3A_5 = arith.constant 1.000000e+00 : f32
    %add3A_6 = vector.broadcast %add3A_5 : f32 to vector<2000x1xf32>
    %add3A_7 = arith.addf %add3A, %add3A_6 : vector<2000x1xf32>
    %max3A = arith.constant 9.99999996E-13 : f32
    %max3A_8 = vector.broadcast %max3A : f32 to vector<2000x1xf32>
    %max3A_9 = arith.maximumf %add3A_7, %max3A_8 : vector<2000x1xf32>
    %rsqrt3A = math.rsqrt %max3A_9 : vector<2000x1xf32>
    %get3A_10 = arith.constant 0 : index
    %get3A_11 = arith.constant 0 : index
    %get3A_12 = vector.load %arg1[%get3A_10, %get3A_11] : memref<2000x256xf32, #tpu.memory_space<vmem>>, vector<2000x256xf32>
    %mul3A = vector.broadcast %rsqrt3A : vector<2000x1xf32> to vector<2000x256xf32>
    %mul3A_13 = arith.mulf %get3A_12, %mul3A : vector<2000x256xf32>
    %slice3A = vector.extract_strided_slice %mul3A_13 {offsets = [0, 0], sizes = [2000, 128], strides = [1, 1]} : vector<2000x256xf32> to vector<2000x128xf32>
    %swap3A = arith.constant 0 : index
    %swap3A_14 = arith.constant 0 : index
    %swap3A_15 = vector.load %arg4[%swap3A, %swap3A_14] : memref<2000x128xf32, #tpu.memory_space<vmem>>, vector<2000x128xf32>
    tpu.vector_store %arg4[%swap3A, %swap3A_14], %slice3A {strides = array<i32>} : memref<2000x128xf32, #tpu.memory_space<vmem>>, vector<2000x128xf32>,
    %slice3A_16 = vector.extract_strided_slice %mul3A_13 {offsets = [0, 128], sizes = [2000, 128], strides = [1, 1]} : vector<2000x256xf32> to vector<2000x128xf32>
    %swap3A_17 = arith.constant 0 : index
    %swap3A_18 = arith.constant 0 : index
    %swap3A_19 = vector.load %arg5[%swap3A_17, %swap3A_18] : memref<2000x128xf32, #tpu.memory_space<vmem>>, vector<2000x128xf32>
    tpu.vector_store %arg5[%swap3A_17, %swap3A_18], %slice3A_16 {strides = array<i32>} : memref<2000x128xf32, #tpu.memory_space<vmem>>, vector<2000x128xf32>,
    %swap3A_20 = arith.constant 0 : index
    %swap3A_21 = arith.constant 0 : index
    %swap3A_22 = vector.load %arg6[%swap3A_20, %swap3A_21] : memref<2000x1xf32, #tpu.memory_space<vmem>>, vector<2000x1xf32>
    tpu.vector_store %arg6[%swap3A_20, %swap3A_21], %rsqrt3A {strides = array<i32>} : memref<2000x1xf32, #tpu.memory_space<vmem>>, vector<2000x1xf32>,
    return
  }
  func.func @transform_0(%arg0: i32) -> (i32, i32) {
    %c0_i32 = arith.constant 0 : i32
    %c0_i32_0 = arith.constant 0 : i32
    return %arg0, %c0_i32 : i32, i32
  }
  func.func @transform_1(%arg0: i32) -> (i32, i32) {
    %c0_i32 = arith.constant 0 : i32
    %c0_i32_0 = arith.constant 0 : i32
    return %arg0, %c0_i32 : i32, i32
  }
  func.func @transform_2(%arg0: i32) -> (i32, i32) {
    %c0_i32 = arith.constant 0 : i32
    %c0_i32_0 = arith.constant 0 : i32
    return %arg0, %c0_i32 : i32, i32
  }
  func.func @transform_3(%arg0: i32) -> (i32, i32) {
    %c0_i32 = arith.constant 0 : i32
    %c0_i32_0 = arith.constant 0 : i32
    return %arg0, %c0_i32 : i32, i32
  }
  func.func @transform_4(%arg0: i32) -> (i32, i32) {
    %c0_i32 = arith.constant 0 : i32
    %c0_i32_0 = arith.constant 0 : i32
    return %arg0, %c0_i32 : i32, i32
  }
  func.func @transform_5(%arg0: i32) -> (i32, i32) {
    %c0_i32 = arith.constant 0 : i32
    %c0_i32_0 = arith.constant 0 : i32
    return %arg0, %c0_i32 : i32, i32
  }
}

module attributes {stable_mosaic.version = 14 : i64} {
  func.func @body(%arg0: i32, %arg1: memref<2000x128xf32, #tpu.memory_space<vmem>>, %arg2: memref<2000x128xf32, #tpu.memory_space<vmem>>, %arg3: memref<2000x1xf32, #tpu.memory_space<vmem>>, %arg4: memref<256x512xf32, #tpu.memory_space<vmem>>, %arg5: memref<1x512xf32, #tpu.memory_space<vmem>>, %arg6: memref<512x256xf32, #tpu.memory_space<vmem>>, %arg7: memref<2000x128xf32, #tpu.memory_space<vmem>>, %arg8: memref<2000x128xf32, #tpu.memory_space<vmem>>) attributes {dimension_semantics = [#tpu.dimension_semantics<arbitrary>], iteration_bounds = array<i64: 5>, scalar_prefetch = 0 : i64, scratch_operands = 0 : i64, tpu.core_type = #tpu.core_type<tc>, window_params = [{transform_indices = @transform_0, window_bounds = array<i64: 2000, 128>}, {transform_indices = @transform_1, window_bounds = array<i64: 2000, 128>}, {transform_indices = @transform_2, window_bounds = array<i64: 2000, 1>}, {pipeline_mode = #tpu.pipeline_mode<synchronous>, transform_indices = @transform_3, window_bounds = array<i64: 256, 512>}, {pipeline_mode = #tpu.pipeline_mode<synchronous>, transform_indices = @transform_4, window_bounds = array<i64: 1, 512>}, {pipeline_mode = #tpu.pipeline_mode<synchronous>, transform_indices = @transform_5, window_bounds = array<i64: 512, 256>}, {transform_indices = @transform_6, window_bounds = array<i64: 2000, 128>}, {transform_indices = @transform_7, window_bounds = array<i64: 2000, 128>}]} {
    %get3A = arith.constant 0 : index
    %get3A_0 = arith.constant 0 : index
    %get3A_1 = vector.load %arg3[%get3A, %get3A_0] : memref<2000x1xf32, #tpu.memory_space<vmem>>, vector<2000x1xf32>
    %get3A_2 = arith.constant 0 : index
    %get3A_3 = arith.constant 0 : index
    %get3A_4 = vector.load %arg1[%get3A_2, %get3A_3] : memref<2000x128xf32, #tpu.memory_space<vmem>>, vector<2000x128xf32>
    %mul3A = vector.broadcast %get3A_1 : vector<2000x1xf32> to vector<2000x128xf32>
    %mul3A_5 = arith.mulf %get3A_4, %mul3A : vector<2000x128xf32>
    %get3A_6 = arith.constant 0 : index
    %get3A_7 = arith.constant 0 : index
    %get3A_8 = vector.load %arg2[%get3A_6, %get3A_7] : memref<2000x128xf32, #tpu.memory_space<vmem>>, vector<2000x128xf32>
    %mul3A_9 = vector.broadcast %get3A_1 : vector<2000x1xf32> to vector<2000x128xf32>
    %mul3A_10 = arith.mulf %get3A_8, %mul3A_9 : vector<2000x128xf32>
    %get3A_11 = arith.constant 0 : index
    %get3A_12 = arith.constant 0 : index
    %get3A_13 = vector.load %arg4[%get3A_11, %get3A_12] : memref<256x512xf32, #tpu.memory_space<vmem>>, vector<128x512xf32>
    %dot_general3A = arith.constant dense<0.000000e+00> : vector<2000x512xf32>
    %dot_general3A_14 = tpu.matmul %mul3A_5, %get3A_13, %dot_general3A {dimension_numbers = #tpu.dot_dimension_numbers<[1], [0], [0], [1], [0, 0, 1, 1], [], []>, transpose_lhs_hint = false} : vector<2000x128xf32>, vector<128x512xf32>, vector<2000x512xf32> -> vector<2000x512xf32>
    %get3A_15 = arith.constant 128 : index
    %get3A_16 = arith.constant 0 : index
    %get3A_17 = vector.load %arg4[%get3A_15, %get3A_16] : memref<256x512xf32, #tpu.memory_space<vmem>>, vector<128x512xf32>
    %dot_general3A_18 = arith.constant dense<0.000000e+00> : vector<2000x512xf32>
    %dot_general3A_19 = tpu.matmul %mul3A_10, %get3A_17, %dot_general3A_18 {dimension_numbers = #tpu.dot_dimension_numbers<[1], [0], [0], [1], [0, 0, 1, 1], [], []>, transpose_lhs_hint = false} : vector<2000x128xf32>, vector<128x512xf32>, vector<2000x512xf32> -> vector<2000x512xf32>
    %add3A = arith.addf %dot_general3A_14, %dot_general3A_19 : vector<2000x512xf32>
    %get3A_20 = arith.constant 0 : index
    %get3A_21 = arith.constant 0 : index
    %get3A_22 = vector.load %arg5[%get3A_20, %get3A_21] : memref<1x512xf32, #tpu.memory_space<vmem>>, vector<1x512xf32>
    %add3A_23 = vector.broadcast %get3A_22 : vector<1x512xf32> to vector<2000x512xf32>
    %add3A_24 = arith.addf %add3A, %add3A_23 : vector<2000x512xf32>
    %max3A = arith.constant 0.000000e+00 : f32
    %max3A_25 = vector.broadcast %max3A : f32 to vector<2000x512xf32>
    %max3A_26 = arith.maximumf %add3A_24, %max3A_25 : vector<2000x512xf32>
    %get3A_27 = arith.constant 0 : index
    %get3A_28 = arith.constant 0 : index
    %get3A_29 = vector.load %arg6[%get3A_27, %get3A_28] : memref<512x256xf32, #tpu.memory_space<vmem>>, vector<512x256xf32>
    %dot_general3A_30 = arith.constant dense<0.000000e+00> : vector<2000x256xf32>
    %dot_general3A_31 = tpu.matmul %max3A_26, %get3A_29, %dot_general3A_30 {dimension_numbers = #tpu.dot_dimension_numbers<[1], [0], [0], [1], [0, 0, 1, 1], [], []>, transpose_lhs_hint = false} : vector<2000x512xf32>, vector<512x256xf32>, vector<2000x256xf32> -> vector<2000x256xf32>
    %mul3A_32 = vector.broadcast %get3A_1 : vector<2000x1xf32> to vector<2000x256xf32>
    %mul3A_33 = arith.mulf %dot_general3A_31, %mul3A_32 : vector<2000x256xf32>
    %slice3A = vector.extract_strided_slice %mul3A_33 {offsets = [0, 0], sizes = [2000, 128], strides = [1, 1]} : vector<2000x256xf32> to vector<2000x128xf32>
    %swap3A = arith.constant 0 : index
    %swap3A_34 = arith.constant 0 : index
    %swap3A_35 = vector.load %arg7[%swap3A, %swap3A_34] : memref<2000x128xf32, #tpu.memory_space<vmem>>, vector<2000x128xf32>
    tpu.vector_store %arg7[%swap3A, %swap3A_34], %slice3A {strides = array<i32>} : memref<2000x128xf32, #tpu.memory_space<vmem>>, vector<2000x128xf32>,
    %slice3A_36 = vector.extract_strided_slice %mul3A_33 {offsets = [0, 128], sizes = [2000, 128], strides = [1, 1]} : vector<2000x256xf32> to vector<2000x128xf32>
    %swap3A_37 = arith.constant 0 : index
    %swap3A_38 = arith.constant 0 : index
    %swap3A_39 = vector.load %arg8[%swap3A_37, %swap3A_38] : memref<2000x128xf32, #tpu.memory_space<vmem>>, vector<2000x128xf32>
    tpu.vector_store %arg8[%swap3A_37, %swap3A_38], %slice3A_36 {strides = array<i32>} : memref<2000x128xf32, #tpu.memory_space<vmem>>, vector<2000x128xf32>,
    return
  }
  func.func @transform_0(%arg0: i32) -> (i32, i32) {
    %c0_i32 = arith.constant 0 : i32
    %c0_i32_0 = arith.constant 0 : i32
    return %arg0, %c0_i32 : i32, i32
  }
  func.func @transform_1(%arg0: i32) -> (i32, i32) {
    %c0_i32 = arith.constant 0 : i32
    %c0_i32_0 = arith.constant 0 : i32
    return %arg0, %c0_i32 : i32, i32
  }
  func.func @transform_2(%arg0: i32) -> (i32, i32) {
    %c0_i32 = arith.constant 0 : i32
    %c0_i32_0 = arith.constant 0 : i32
    return %arg0, %c0_i32 : i32, i32
  }
  func.func @transform_3(%arg0: i32) -> (i32, i32) {
    %c0_i32 = arith.constant 0 : i32
    %c0_i32_0 = arith.constant 0 : i32
    %c0_i32_1 = arith.constant 0 : i32
    return %c0_i32, %c0_i32_0 : i32, i32
  }
  func.func @transform_4(%arg0: i32) -> (i32, i32) {
    %c0_i32 = arith.constant 0 : i32
    %c0_i32_0 = arith.constant 0 : i32
    %c0_i32_1 = arith.constant 0 : i32
    return %c0_i32, %c0_i32_0 : i32, i32
  }
  func.func @transform_5(%arg0: i32) -> (i32, i32) {
    %c0_i32 = arith.constant 0 : i32
    %c0_i32_0 = arith.constant 0 : i32
    %c0_i32_1 = arith.constant 0 : i32
    return %c0_i32, %c0_i32_0 : i32, i32
  }
  func.func @transform_6(%arg0: i32) -> (i32, i32) {
    %c0_i32 = arith.constant 0 : i32
    %c0_i32_0 = arith.constant 0 : i32
    return %arg0, %c0_i32 : i32, i32
  }
  func.func @transform_7(%arg0: i32) -> (i32, i32) {
    %c0_i32 = arith.constant 0 : i32
    %c0_i32_0 = arith.constant 0 : i32
    return %arg0, %c0_i32 : i32, i32
  }
}

module attributes {stable_mosaic.version = 14 : i64} {
  func.func @body(%arg0: i32, %arg1: memref<2000x128xf32, #tpu.memory_space<vmem>>, %arg2: memref<2000x128xf32, #tpu.memory_space<vmem>>, %arg3: memref<2000x1xf32, #tpu.memory_space<vmem>>, %arg4: memref<1x256xf32, #tpu.memory_space<vmem>>, %arg5: memref<2000x256xf32, #tpu.memory_space<vmem>>) attributes {dimension_semantics = [#tpu.dimension_semantics<arbitrary>], iteration_bounds = array<i64: 5>, scalar_prefetch = 0 : i64, scratch_operands = 0 : i64, tpu.core_type = #tpu.core_type<tc>, window_params = [{transform_indices = @transform_0, window_bounds = array<i64: 2000, 128>}, {transform_indices = @transform_1, window_bounds = array<i64: 2000, 128>}, {transform_indices = @transform_2, window_bounds = array<i64: 2000, 1>}, {pipeline_mode = #tpu.pipeline_mode<synchronous>, transform_indices = @transform_3, window_bounds = array<i64: 1, 256>}, {transform_indices = @transform_4, window_bounds = array<i64: 2000, 256>}]} {
    %get3A = arith.constant 0 : index
    %get3A_0 = arith.constant 0 : index
    %get3A_1 = vector.load %arg3[%get3A, %get3A_0] : memref<2000x1xf32, #tpu.memory_space<vmem>>, vector<2000x1xf32>
    %get3A_2 = arith.constant 0 : index
    %get3A_3 = arith.constant 0 : index
    %get3A_4 = vector.load %arg1[%get3A_2, %get3A_3] : memref<2000x128xf32, #tpu.memory_space<vmem>>, vector<2000x128xf32>
    %mul3A = vector.broadcast %get3A_1 : vector<2000x1xf32> to vector<2000x128xf32>
    %mul3A_5 = arith.mulf %get3A_4, %mul3A : vector<2000x128xf32>
    %get3A_6 = arith.constant 0 : index
    %get3A_7 = arith.constant 0 : index
    %get3A_8 = vector.load %arg2[%get3A_6, %get3A_7] : memref<2000x128xf32, #tpu.memory_space<vmem>>, vector<2000x128xf32>
    %mul3A_9 = vector.broadcast %get3A_1 : vector<2000x1xf32> to vector<2000x128xf32>
    %mul3A_10 = arith.mulf %get3A_8, %mul3A_9 : vector<2000x128xf32>
    %concatenate3A = tpu.concatenate %mul3A_5, %mul3A_10 in 1 : vector<2000x128xf32>, vector<2000x128xf32> -> vector<2000x256xf32>
    %get3A_11 = arith.constant 0 : index
    %get3A_12 = arith.constant 0 : index
    %get3A_13 = vector.load %arg4[%get3A_11, %get3A_12] : memref<1x256xf32, #tpu.memory_space<vmem>>, vector<1x256xf32>
    %add3A = vector.broadcast %get3A_13 : vector<1x256xf32> to vector<2000x256xf32>
    %add3A_14 = arith.addf %concatenate3A, %add3A : vector<2000x256xf32>
    %swap3A = arith.constant 0 : index
    %swap3A_15 = arith.constant 0 : index
    %swap3A_16 = vector.load %arg5[%swap3A, %swap3A_15] : memref<2000x256xf32, #tpu.memory_space<vmem>>, vector<2000x256xf32>
    tpu.vector_store %arg5[%swap3A, %swap3A_15], %add3A_14 {strides = array<i32>} : memref<2000x256xf32, #tpu.memory_space<vmem>>, vector<2000x256xf32>,
    return
  }
  func.func @transform_0(%arg0: i32) -> (i32, i32) {
    %c0_i32 = arith.constant 0 : i32
    %c0_i32_0 = arith.constant 0 : i32
    return %arg0, %c0_i32 : i32, i32
  }
  func.func @transform_1(%arg0: i32) -> (i32, i32) {
    %c0_i32 = arith.constant 0 : i32
    %c0_i32_0 = arith.constant 0 : i32
    return %arg0, %c0_i32 : i32, i32
  }
  func.func @transform_2(%arg0: i32) -> (i32, i32) {
    %c0_i32 = arith.constant 0 : i32
    %c0_i32_0 = arith.constant 0 : i32
    return %arg0, %c0_i32 : i32, i32
  }
  func.func @transform_3(%arg0: i32) -> (i32, i32) {
    %c0_i32 = arith.constant 0 : i32
    %c0_i32_0 = arith.constant 0 : i32
    %c0_i32_1 = arith.constant 0 : i32
    return %c0_i32, %c0_i32_0 : i32, i32
  }
  func.func @transform_4(%arg0: i32) -> (i32, i32) {
    %c0_i32 = arith.constant 0 : i32
    %c0_i32_0 = arith.constant 0 : i32
    return %arg0, %c0_i32 : i32, i32
  }
}

</mosaic_0001>

<sc_bundles>
// kernel: kernel.11.cloned.1.call-start
scs
__scs_entry_jumppad:
0x0: {  	(pc) =	sbr.rel $0x88, $3  }
0x1: {  	(tag) =	ssettag $0x0;
	lr =	simm.s32 $0x1  }
0x2: {  	[smem:$0x3F9B] =	sst lr;
	_ =	strace $0xD0000000  }
0x3: {  	_ = 	snop  }
0x4: {  	_ = 	snop  }
0x5: {  	_ = 	snop  }
0x6: {  	_ = 	snop  }
0x7: {  	_ = 	snop  }
__scs_overlays_trampoline_lowered:
0x8: {  	[smem:$0x3FAA] =	sst s0  }
0x9: {  	[smem:$0x3FAB] =	sst s1  }
0xa: {  	[smem:$0x3FAC] =	sst s2  }
0xb: {  	[smem:$0x3FAD] =	sst s3  }
0xc: {  	[smem:$0x3FAE] =	sst s4  }
0xd: {  	[smem:$0x3FAF] =	sst s5  }
0xe: {  	[smem:$0x3FB0] =	sst s6  }
0xf: {  	[smem:$0x3FB1] =	sst s7  }
0x10: {  	[smem:$0x3FB2] =	sst s8  }
0x11: {  	[smem:$0x3FB3] =	sst s9;
	s0 =	simm.s32 @!p0 $0x0  }
0x12: {  	s1 =	sld [smem:$0x3F99];
	s0 =	simm.s32 @p0 $0x1  }
0x13: {  	[smem:$0x3FB4] =	sst s0;
	s0 =	simm.s32 @!p1 $0x0  }
0x14: {  	s2 =	sld [smem:$0x3F98];
	s0 =	simm.s32 @p1 $0x1  }
0x15: {  	[smem:$0x3FB5] =	sst s0;
	s0 =	simm.s32 @!p2 $0x0  }
0x16: {  	s3 =	sld [smem:$0x3FDB];
	s0 =	simm.s32 @p2 $0x1  }
0x17: {  	s4 =	simm.s32 $0x1BF5;
	[smem:$0x3FB7] =	sst s0  }
0x18: {  	s0 =	sld [smem:$0x3F9A];
	_ =	swait.ge [sflag:s4], $0x0  }
0x19: {  	s7 =	sld [smem:$0x3F9B]  }
0x1a: {  	s8 =	sadd.s32 $0xFFFFE003, lr  }
0x1b: {  	s9 =	sadd.s32 $0xFFFFFEF7, lr;
	s5 =	simm.s32 $0xFFFFFFFF;
	p2 =	slt.u32 s8, $0xFFFFF086  }
0x1c: {  	p1 =	slt.u32 s9, $0xF7A;
	s5 =	simm.s32 @!p2 $0x0  }
0x1d: {  	s5 =	simm.s32 @p1 $0x1;
	p0 =	seq.s32 s7, s2  }
0x1e: {  	s7 =	smul.u32 @!p0 $0xF7A, s2;
	p2 =	seq.s32 @!p0 s5, $0x0  }
0x1f: {  	s9 =	smul.u32 $0xF7A, s1;
	s8 =	simm.s32 @!p0 $0x1BF5;
	p2 =	por !p2, p0  }
0x20: {  	[sflag:s8] =	ssyncset.s32 @!p0 $0xFFFFF086;
	s6 =	sadd.s32 @!p0 s3, s7;
	s7 =	simm.s32 @!p0 $0x108  }
0x21: {  	s3 =	sadd.s32 s3, s9;
	s6 =	sadd.s32 @!p0 $0x88, s6;
	s7 =	simm.s32 @p2 $0x1082  }
0x22: {  	[simem:s7], [sflag:s8] =	dma.local @!p0 [hbm:s6], $0xF7A  }
0x23: {  	s9 =	sor.u32 $0xD0000000, s2;
	s6 =	simm.s32 $0x108;
	_ =	swait.ge @!p0 [sflag:s8], $0x0  }
0x24: {  	s3 =	sadd.s32 $0x88, s3;
	s6 =	simm.s32 @!p1 $0x1082;
	[sflag:s4] =	ssyncset.s32 $0xFFFFF086  }
0x25: {  	[simem:s6], [sflag:s4] =	dma.local [hbm:s3], $0xF7A  }
0x26: {  	[smem:$0x3F9B] =	sst s1;
	(tag) =	ssettag s2;
	_ =	strace s9  }
0x27: {  	s1 =	sld [smem:$0x3FAB]  }
0x28: {  	s2 =	sld [smem:$0x3FAC]  }
0x29: {  	s4 =	sld [smem:$0x3FAE]  }
0x2a: {  	p0 =	seq.s32 s5, $0x0;
	s5 =	sld [smem:$0x3FAF]  }
0x2b: {  	s6 =	sld [smem:$0x3FB0]  }
0x2c: {  	s7 =	sld [smem:$0x3FB1]  }
0x2d: {  	s3 =	simm.s32 $0x108;
	s8 =	sld [smem:$0x3FB2]  }
0x2e: {  	s3 =	simm.s32 @!p0 $0x1082;
	s9 =	sld [smem:$0x3FB3]  }
0x2f: {  	lr =	sadd.s32 s0, s3;
	s0 =	sld [smem:$0x3FAA]  }
0x30: {  	s3 =	sld [smem:$0x3FAD]  }
0x31: {  	[smem:$0x3FB6] =	sst s10  }
0x32: {  	s10 =	sld [smem:$0x3FB4];
	_ =	sdelay $0x3  }
0x33: {  	p0 =	seq.s32 s10, $0x1;
	s10 =	sld [smem:$0x3FB6];
	_ =	sdelay $0x3  }
0x34: {  	[smem:$0x3FB6] =	sst s10  }
0x35: {  	s10 =	sld [smem:$0x3FB5];
	_ =	sdelay $0x3  }
0x36: {  	p1 =	seq.s32 s10, $0x1;
	s10 =	sld [smem:$0x3FB6];
	_ =	sdelay $0x3  }
0x37: {  	[smem:$0x3FB6] =	sst s10  }
0x38: {  	s10 =	sld [smem:$0x3FB7]  }
0x39: {  	_ = 	snop;
	(pc) =	sbr.ind lr, $3  }
0x3a: {  	_ = 	snop  }
0x3b: {  	_ = 	snop  }
0x3c: {  	p2 =	seq.s32 s10, $0x1;
	s10 =	sld [smem:$0x3FB6]  }
0x3d: {  	_ =	shalt  }
0x3e: {  	_ =	shalt  }
0x3f: {  	_ =	shalt  }
0x40: {  	_ =	shalt  }
0x41: {  	_ =	shalt  }
0x42: {  	_ =	shalt  }
0x43: {  	_ =	shalt  }
0x44: {  	_ =	shalt  }
0x45: {  	_ =	shalt  }
0x46: {  	_ =	shalt  }
0x47: {  	_ =	shalt  }
0x48: {  	_ =	shalt  }
0x49: {  	_ =	shalt  }
0x4a: {  	_ =	shalt  }
0x4b: {  	_ =	shalt  }
0x4c: {  	_ =	shalt  }
0x4d: {  	_ =	shalt  }
0x4e: {  	_ =	shalt  }
0x4f: {  	_ =	shalt  }
0x50: {  	_ =	shalt  }
0x51: {  	_ =	shalt  }
0x52: {  	_ =	shalt  }
0x53: {  	_ =	shalt  }
0x54: {  	_ =	shalt  }
0x55: {  	_ =	shalt  }
0x56: {  	_ =	shalt  }
0x57: {  	_ =	shalt  }
0x58: {  	_ =	shalt  }
0x59: {  	_ =	shalt  }
0x5a: {  	_ =	shalt  }
0x5b: {  	_ =	shalt  }
0x5c: {  	_ =	shalt  }
0x5d: {  	_ =	shalt  }
0x5e: {  	_ =	shalt  }
0x5f: {  	_ =	shalt  }
0x60: {  	_ =	shalt  }
0x61: {  	_ =	shalt  }
0x62: {  	_ =	shalt  }
0x63: {  	_ =	shalt  }
0x64: {  	_ =	shalt  }
0x65: {  	_ =	shalt  }
0x66: {  	_ =	shalt  }
0x67: {  	_ =	shalt  }
0x68: {  	_ =	shalt  }
0x69: {  	_ =	shalt  }
0x6a: {  	_ =	shalt  }
0x6b: {  	_ =	shalt  }
0x6c: {  	_ =	shalt  }
0x6d: {  	_ =	shalt  }
0x6e: {  	_ =	shalt  }
0x6f: {  	_ =	shalt  }
0x70: {  	_ =	shalt  }
0x71: {  	_ =	shalt  }
0x72: {  	_ =	shalt  }
0x73: {  	_ =	shalt  }
0x74: {  	_ =	shalt  }
0x75: {  	_ =	shalt  }
0x76: {  	_ =	shalt  }
0x77: {  	_ =	shalt  }
0x78: {  	_ =	shalt  }
0x79: {  	_ =	shalt  }
0x7a: {  	_ =	shalt  }
0x7b: {  	_ =	shalt  }
0x7c: {  	_ =	shalt  }
0x7d: {  	_ =	shalt  }
0x7e: {  	_ =	shalt  }
0x7f: {  	_ =	shalt  }
0x80: {  	_ =	shalt  }
0x81: {  	_ =	shalt  }
0x82: {  	_ =	shalt  }
0x83: {  	_ =	shalt  }
0x84: {  	_ =	shalt  }
0x85: {  	_ =	shalt  }
0x86: {  	_ =	shalt  }
0x87: {  	_ =	shalt  }
.Lfunc_end0:
.L_simem_size_0:
called_computation.1_lowered:
.L_overlay_start_0:
0x88: {  	s2 =	sld [smem:$0x3FD9]  }
0x89: {  	s3 =	sld [smem:$0x3FFE];
	_ =	sdelay $0x1  }
0x8a: {  	s1 =	srdreg.scid  }
0x8b: {  	s0 =	sand.u32 $0x1, s1  }
0x8c: {  	s17 =	sshll.u32 s0, $0xA;
	s2 =	sadd.s32 s3, s2  }
0x8d: {  	s2 =	sadd.s32 s2, s17  }
0x8e: {  	[smem:$0x3FC2] =	sst s2  }
0x8f: {  	_ = 	snop  }
0x90: {  	s2 =	sld [smem:$0x3FD0];
	(tm) =	ssettm $0x1  }
0x91: {  	s18 =	sld [smem:$0x3FFB];
	_ =	sdelay $0x3  }
0x92: {  	_ =	strace s18  }
0x93: {  	s3 =	sld [smem:$0x3FFC];
	_ =	sdelay $0x3  }
0x94: {  	_ =	strace s3  }
0x95: {  	s3 =	sld [smem:$0x3FFD];
	_ =	sdelay $0x3  }
0x96: {  	_ =	strace s3  }
0x97: {  	_ =	strace $0x8FFFFFFF  }
0x98: {  	s19 =	sld [smem:$0x3FDB];
	_ =	sdelay $0x1  }
0x99: {  	s4 =	simm.s32 $_scs_section_size  }
0x9a: {  	s5 =	simm.s32 $_size__tile_overlayer_lowered;
	s6 =	simm.s32 $_tile_overlayer_lowered  }
0x9b: {  	s22 =	simm.s32 $0x1BFF;
	s21 =	sshll.u32 s6, $0x1;
	s3 =	sadd.s32 s4, s19  }
0x9c: {  	s7 =	simm.s32 $0x0;
	s20 =	sshll.u32 s5, $0x1;
	s5 =	sadd.s32 s21, s3  }
0x9d: {  	[timem:s7], [sflag:s22] =	dma.local [hbm:s5], s20  }
0x9e: {  	_ =	swait.ge [sflag:s22], s20  }
0x9f: {  	s4 =	ssub.s32 $0x0, s20;
	[sflag:s22] =	ssyncset.done $0x0  }
0xa0: {  	[sflag:s22] =	ssyncadd.s32 s4;
	_ =	sdelay $0x1  }
0xa1: {  	s23 =	simm.s32 $0x1B8B  }
0xa2: {  	_ =	swait.ge [sflag:s23], $0x1  }
0xa3: {  	[sflag:s23] =	ssyncset.done $0x0  }
0xa4: {  	s25 =	simm.s32 $0x1B8E;
	s24 =	sld [smem:$0x3FFE];
	[sflag:s23] =	ssyncadd.s32 $0xFFFFFFFF  }
0xa5: {  	s26 =	simm.s32 $execute0_lowered;
	[smem:$0x3FD2] =	sst s25  }
0xa6: {  	s5 =	sshll.u32 s26, $0x1;
	_ =	strace $0x80000049;
	[dreg:$0x1] =	wrdreg $0xFFFFFFFF  }
0xa7: {  	s28 =	simm.s32 $_size_execute0_lowered;
	s3 =	sadd.s32 s3, s5;
	[dreg:$0x0] =	wrdreg $0x0  }
0xa8: {  	s5 =	sshll.u32 s28, $0x1;
	[dreg:$0x2] =	wrdreg s3  }
0xa9: {  	[dreg:$0x3] =	wrdreg s5  }
0xaa: {  	[dreg:$0x4] =	wrdreg $0xC0  }
0xab: {  	_ =	task [dreg:s7], $0x5FFFF  }
0xac: {  	[dreg:$0x1] =	wrdreg $0xFFFFFFFF  }
0xad: {  	[dreg:$0x0] =	wrdreg $0x60  }
0xae: {  	[dreg:$0x2] =	wrdreg s2  }
0xaf: {  	[dreg:$0x3] =	wrdreg s24  }
0xb0: {  	[dreg:$0x4] =	wrdreg $0xA8000  }
0xb1: {  	[dreg:$0x5] =	wrdreg $0x9  }
0xb2: {  	_ =	task.clear_ibuf [dreg:s7], $0x6FFFF;
	_ =	strace $0x90000049  }
0xb3: {  	s29 =	simm.s32 $0x9;
	_ =	strace $0x8000004B  }
0xb4: {  	_ =	swait.ge [sflag:s29], $0x1  }
0xb5: {  	[sflag:s29] =	ssyncadd.s32 $0xFFFFFFFF  }
0xb6: {  	_ =	strace $0x9000004B  }
0xb7: {  	_ =	sfence  }
0xb8: {  	s30 =	sld [smem:$0x0];
	_ =	sdelay $0x2  }
0xb9: {  	s31 =	sshll.u32 s1, $0xD;
	s1 =	sshrl.u32 s1, $0x2  }
0xba: {  	s3 =	sand.u32 $0x4000, s31;
	s1 =	sadd.s32 s1, s30  }
0xbb: {  	s0 =	sor.u32 s3, s0;
	s1 =	sshll.u32 s1, $0x11  }
0xbc: {  	s0 =	sor.u32 s1, s0  }
0xbd: {  	s0 =	sadd.s32 $0x8F2B, s0  }
0xbe: {  	[sflag:s0] =	ssyncadd.remote.s32 $0x1  }
0xbf: {  	_ =	sfence.sel $0xFFFF  }
0xc0: {  	[dreg:$0x0] =	wrdreg $0xFFFFFFFF;
	(pc) =	sbr.abs _section_cstart, $3  }
0xc1: {  	[dreg:$0x1] =	wrdreg $0xFFFFFFFF  }
0xc2: {  	_ =	task.clear_ibuf [dreg:s7], $0x2FFFF;
	_ =	strace $0x9FFFFFFF  }
0xc3: {  	(tm) =	ssettm $0x7FFFFFFF  }
tec
execute0_lowered:
.L_overlay_start_1:
0x0: {  	(tag) =	ssettag $0x1  }
0x1: {  	s1 =	rddreg [dreg:$0x0]  }
0x2: {  	s0 =	rddreg [dreg:$0x1]  }
0x3: {  	s3 =	rddreg [dreg:$0x2]  }
0x4: {  	s4 =	simm.s32 $0x0;
	s2 =	stileid.u32;
	s7 =	srdreg.scid  }
0x5: {  	s19 =	simm.s32 $0x3;
	s20 =	simm.s32 $0x1400;
	s21 =	simm.s32 $0x7D  }
0x6: {  	s22 =	simm.s32 $0x2800;
	s23 =	simm.s32 $0x6800;
	s24 =	simm.s32 $0x1  }
0x7: {  	s25 =	simm.s32 $0x2;
	s28 =	simm.s32 $0x2700;
	s29 =	simm.s32 $0x2780  }
0x8: {  	[smem:$0x7FF] =	sst s4;
	s6 =	smul.u32 $0x280, s2;
	s5 =	sadd.s32 $0xDA00, s0  }
0x9: {  	s9 =	sand.u32 $0x1, s7;
	s26 =	sadd.s32 $0x5DA00, s0;
	s11 =	smul.u32 $0x50000, s2  }
0xa: {  	s8 =	smul.u32 $0x2800, s2;
	s16 =	sshll.u32 s2, $0x6;
	_ =	strace $0x8000004A  }
0xb: {  	[dreg:$0x4] =	wrdreg s26;
	s10 =	ssub.s32 $0x2, s9;
	p0 =	seq.s32 s9, $0x1  }
0xc: {  	s17 =	sor.u32 $0x1C03, s16;
	s26 =	simm.s32 $0x1380;
	s13 =	sadd.s32 s6, s0  }
.Ltmp0:
0xd: {  	s0 =	sadd.s32 $0x85A00, s0;
	s30 =	sshrl.u32 s10, $0x1;
	(pc) =	sbr.rel .LBB2_1-.Ltmp0, $4  }
0xe: {  	s31 =	sshrl.u32 s11, $0x2;
	s9 =	sadd.s32 s1, s8;
	s14 =	sadd.s32 s5, s8  }
0xf: {  	[dreg:$0x5] =	wrdreg s0;
	s0 =	ssub.s32 s10, s30;
	s18 =	sadd.s32 s31, s3  }
0x10: {  	s10 =	sadd.s32 $0x6200, s13;
	s11 =	sadd.s32 $0x8A00, s13;
	s12 =	sadd.s32 $0x3A00, s13  }
0x11: {  	s13 =	sadd.s32 $0xB200, s13;
	s15 =	smax.u32 s0, $0x1;
	s18 =	sshrl.u32 s18, $0x3  }
.LBB2_11:
0x12: {  	s0 =	sadd.s32 $0x80, s30;
	[sflag:s19] =	ssyncadd.s32 $0xFFFFC180  }
0x13: {  	[tilespmem:s23], [sflag:$0x2] =	stream.indirect.gather [hbm4b:s5+s21], $0x80, s0, s21, $0xb8;
	[tilespmem:$0x1E800] =	vst v63  }
0x14: {  	_ =	swait.ge [sflag:s24], $0x3E80  }
0x15: {  	[sflag:s24] =	ssyncset.done $0x0  }
0x16: {  	s2 =	sadd.s32 $0x1400, s30;
	[sflag:s24] =	ssyncadd.s32 $0xFFFFC180  }
0x17: {  	[spmem:s3] =	stream.indirect.scatter.add.f32 [tilespmem:s22], [sflag:$0x3], $0x80, s2, s21, $0xb8;
	[tilespmem:$0x1E800] =	vst v63  }
0x18: {  	_ =	swait.ge [sflag:s19], $0x3E80  }
0x19: {  	[sflag:s19] =	ssyncset.done $0x0  }
0x1a: {  	s6 =	sadd.s32 $0x100, s30;
	[sflag:s19] =	ssyncadd.s32 $0xFFFFC180  }
0x1b: {  	[tilespmem:s22], [sflag:$0x1] =	stream.indirect.gather [hbm4b:s5+s21], $0x80, s6, s21, $0xb8;
	[tilespmem:$0x1E800] =	vst v63  }
0x1c: {  	_ =	swait.ge [sflag:s25], $0x3E80  }
0x1d: {  	[sflag:s25] =	ssyncset.done $0x0  }
0x1e: {  	s7 =	sadd.s32 $0x1480, s30;
	[sflag:s25] =	ssyncadd.s32 $0xFFFFC180  }
0x1f: {  	[spmem:s3] =	stream.indirect.scatter.add.f32 [tilespmem:s23], [sflag:$0x3], $0x80, s7, s21, $0xb8;
	[tilespmem:$0x1E800] =	vst v63  }
0x20: {  	_ =	swait.ge [sflag:s19], $0x3E80  }
0x21: {  	[sflag:s19] =	ssyncset.done $0x0  }
0x22: {  	s30 =	smov.u32 s17;
	s31 =	rddreg [dreg:$0x5];
	[sflag:s19] =	ssyncadd.s32 $0xFFFFC180  }
0x23: {  	[tilespmem:s23], [sflag:$0x2] =	stream.indirect.gather [hbm4b:s5+s21], $0x80, s26, s21, $0xb8;
	[tilespmem:$0x1E800] =	vst v63  }
.LBB2_12:
0x24: {  	_ =	swait.ge [sflag:s24], $0x3E80  }
0x25: {  	[sflag:s24] =	ssyncset.done $0x0  }
0x26: {  	[sflag:s24] =	ssyncadd.s32 $0xFFFFC180  }
0x27: {  	[spmem:s3] =	stream.indirect.scatter.add.f32 [tilespmem:s22], [sflag:$0x3], $0x80, s28, s21, $0xb8;
	[tilespmem:$0x1E800] =	vst v63  }
0x28: {  	_ =	swait.ge [sflag:s19], $0x3E80  }
0x29: {  	[sflag:s19] =	ssyncset.done $0x0  }
0x2a: {  	[sflag:s19] =	ssyncadd.s32 $0xFFFFC180  }
0x2b: {  	_ =	swait.ge [sflag:s25], $0x3E80  }
0x2c: {  	[sflag:s25] =	ssyncset.done $0x0  }
0x2d: {  	[sflag:s25] =	ssyncadd.s32 $0xFFFFC180  }
0x2e: {  	[spmem:s3] =	stream.indirect.scatter.add.f32 [tilespmem:s23], [sflag:$0x3], $0x80, s29, s21, $0xb8;
	[tilespmem:$0x1E800] =	vst v63  }
0x2f: {  	_ =	swait.ge [sflag:s19], $0x3E80  }
0x30: {  	s4 =	sadd.s32 $0x1, s4;
	[sflag:s19] =	ssyncset.done $0x0  }
0x31: {  	p1 =	sne.s32 s4, s15;
	[sflag:s19] =	ssyncadd.s32 $0xFFFFC180  }
.Ltmp1:
0x32: {  	s0 =	sadd.s32 s31, s8;
	[bflag:$0x0] =	sbarrier.arrive $0xFFFF;
	(pc) =	sbr.rel @!p1 .LBB2_13-.Ltmp1, $4  }
0x33: {  	[hbm:s0], [sflag:s30] =	dma.local [spmem:s18], $0x2800  }
0x34: {  	_ =	swait.ge [sflag:s19], $0x2800  }
0x35: {  	[sflag:s19] =	ssyncset.done $0x0  }
0x36: {  	[sflag:s19] =	ssyncadd.s32 $0xFFFFD800  }
.LBB2_1:
.Ltmp2:
0x37: {  	(pc) =	sbr.rel @!p0 .LBB2_2-.Ltmp2, $1  }
0x38: {  	_ =	sdelay $0x3  }
0x39: {  	[spmem:s18], [sflag:s17] =	dma.local [hbm:s14], $0x2800  }
0x3a: {  	_ =	swait.ge [sflag:s19], $0x2800  }
0x3b: {  	[sflag:s19] =	ssyncset.done $0x0  }
0x3c: {  	[sflag:s19] =	ssyncadd.s32 $0xFFFFD800  }
0x3d: {  	s0 =	simm.s32 $0x0;
	[bflag:$0x0] =	sbarrier.arrive $0xFFFF  }
0x3e: {  	[tilespmem:s0], [sflag:$0x3] =	stream.linear.gather [hbm4b:s10+s0], $0x1400, $0x38;
	[tilespmem:$0x1E800] =	vst v63  }
0x3f: {  	_ =	swait.ge [sflag:s19], $0x1400  }
0x40: {  	[sflag:s19] =	ssyncset.done $0x0  }
0x41: {  	[sflag:s19] =	ssyncadd.s32 $0xFFFFEC00  }
0x42: {  	[tilespmem:s20], [sflag:$0x3] =	stream.linear.gather [hbm4b:s11+s0], $0x1400, $0x38;
	[tilespmem:$0x1E800] =	vst v63  }
0x43: {  	_ =	swait.ge [sflag:s19], $0x1400  }
0x44: {  	[sflag:s19] =	ssyncset.done $0x0  }
0x45: {  	[sflag:s19] =	ssyncadd.s32 $0xFFFFEC00  }
0x46: {  	[tilespmem:s22], [sflag:$0x1] =	stream.indirect.gather [hbm4b:s5+s21], $0x80, s0, s21, $0xb8;
	[tilespmem:$0x1E800] =	vst v63  }
0x47: {  	s2 =	simm.s32 $0x80  }
0x48: {  	[tilespmem:s23], [sflag:$0x2] =	stream.indirect.gather [hbm4b:s5+s21], $0x80, s2, s21, $0xb8;
	[tilespmem:$0x1E800] =	vst v63  }
0x49: {  	_ =	swait.ge [sflag:s24], $0x3E80  }
0x4a: {  	[sflag:s24] =	ssyncset.done $0x0  }
0x4b: {  	s6 =	simm.s32 $0x1400;
	[sflag:s24] =	ssyncadd.s32 $0xFFFFC180  }
0x4c: {  	[spmem:s3] =	stream.indirect.scatter.add.f32 [tilespmem:s22], [sflag:$0x3], $0x80, s6, s21, $0xb8;
	[tilespmem:$0x1E800] =	vst v63  }
0x4d: {  	_ =	swait.ge [sflag:s19], $0x3E80  }
0x4e: {  	[sflag:s19] =	ssyncset.done $0x0  }
0x4f: {  	s7 =	simm.s32 $0x100;
	[sflag:s19] =	ssyncadd.s32 $0xFFFFC180  }
0x50: {  	[tilespmem:s22], [sflag:$0x1] =	stream.indirect.gather [hbm4b:s5+s21], $0x80, s7, s21, $0xb8;
	[tilespmem:$0x1E800] =	vst v63  }
0x51: {  	_ =	swait.ge [sflag:s25], $0x3E80  }
0x52: {  	[sflag:s25] =	ssyncset.done $0x0  }
0x53: {  	s31 =	simm.s32 $0x1480;
	[sflag:s25] =	ssyncadd.s32 $0xFFFFC180  }
0x54: {  	[spmem:s3] =	stream.indirect.scatter.add.f32 [tilespmem:s23], [sflag:$0x3], $0x80, s31, s21, $0xb8;
	[tilespmem:$0x1E800] =	vst v63  }
0x55: {  	_ =	swait.ge [sflag:s19], $0x3E80  }
0x56: {  	s30 =	simm.s32 $0x100;
	s0 =	simm.s32 $0x800;
	[sflag:s19] =	ssyncset.done $0x0  }
.LBB2_8:
0x57: {  	s2 =	sadd.s32 $0x80, s30  }
0x58: {  	[sflag:s19] =	ssyncadd.s32 $0xFFFFC180;
	s6 =	smov.u32 s0;
	s7 =	sadd.s32 $0x400, s0  }
0x59: {  	[tilespmem:s23], [sflag:$0x2] =	stream.indirect.gather [hbm4b:s5+s21], $0x80, s2, s21, $0xb8;
	[tilespmem:$0x1E800] =	vst v63  }
0x5a: {  	p1 =	sne.s32 s0, $0x4800;
	_ =	swait.ge [sflag:s24], $0x3E80  }
0x5b: {  	[sflag:s24] =	ssyncset.done $0x0  }
0x5c: {  	s0 =	sadd.s32 $0x1400, s30;
	[sflag:s24] =	ssyncadd.s32 $0xFFFFC180  }
0x5d: {  	[spmem:s3] =	stream.indirect.scatter.add.f32 [tilespmem:s22], [sflag:$0x3], $0x80, s0, s21, $0xb8;
	[tilespmem:$0x1E800] =	vst v63  }
0x5e: {  	_ =	swait.ge [sflag:s19], $0x3E80  }
0x5f: {  	[sflag:s19] =	ssyncset.done $0x0  }
0x60: {  	s0 =	sadd.s32 $0x100, s30;
	[sflag:s19] =	ssyncadd.s32 $0xFFFFC180  }
0x61: {  	[tilespmem:s22], [sflag:$0x1] =	stream.indirect.gather [hbm4b:s5+s21], $0x80, s0, s21, $0xb8;
	[tilespmem:$0x1E800] =	vst v63  }
0x62: {  	_ =	swait.ge [sflag:s25], $0x3E80  }
.Ltmp3:
0x63: {  	[sflag:s25] =	ssyncset.done $0x0;
	(pc) =	sbr.rel @p1 .LBB2_8-.Ltmp3, $4  }
0x64: {  	s0 =	sadd.s32 $0x1480, s30;
	[sflag:s25] =	ssyncadd.s32 $0xFFFFC180  }
0x65: {  	[spmem:s3] =	stream.indirect.scatter.add.f32 [tilespmem:s23], [sflag:$0x3], $0x80, s0, s21, $0xb8;
	[tilespmem:$0x1E800] =	vst v63  }
0x66: {  	_ =	swait.ge [sflag:s19], $0x3E80  }
0x67: {  	s30 =	sshra.s32 s6, $0x2;
	s0 =	smov.u32 s7;
	[sflag:s19] =	ssyncset.done $0x0  }
0x68: {  	s0 =	sadd.s32 $0x80, s30;
	[sflag:s19] =	ssyncadd.s32 $0xFFFFC180  }
0x69: {  	[tilespmem:s23], [sflag:$0x2] =	stream.indirect.gather [hbm4b:s5+s21], $0x80, s0, s21, $0xb8;
	[tilespmem:$0x1E800] =	vst v63  }
0x6a: {  	_ =	swait.ge [sflag:s24], $0x3E80  }
0x6b: {  	[sflag:s24] =	ssyncset.done $0x0  }
0x6c: {  	s2 =	sadd.s32 $0x1400, s30;
	[sflag:s24] =	ssyncadd.s32 $0xFFFFC180  }
0x6d: {  	[spmem:s3] =	stream.indirect.scatter.add.f32 [tilespmem:s22], [sflag:$0x3], $0x80, s2, s21, $0xb8;
	[tilespmem:$0x1E800] =	vst v63  }
0x6e: {  	_ =	swait.ge [sflag:s19], $0x3E80  }
0x6f: {  	[sflag:s19] =	ssyncset.done $0x0  }
0x70: {  	s6 =	sadd.s32 $0x100, s30;
	[sflag:s19] =	ssyncadd.s32 $0xFFFFC180  }
0x71: {  	[tilespmem:s22], [sflag:$0x1] =	stream.indirect.gather [hbm4b:s5+s21], $0x80, s6, s21, $0xb8;
	[tilespmem:$0x1E800] =	vst v63  }
0x72: {  	_ =	swait.ge [sflag:s25], $0x3E80  }
0x73: {  	[sflag:s25] =	ssyncset.done $0x0  }
0x74: {  	s7 =	sadd.s32 $0x1480, s30;
	[sflag:s25] =	ssyncadd.s32 $0xFFFFC180  }
0x75: {  	[spmem:s3] =	stream.indirect.scatter.add.f32 [tilespmem:s23], [sflag:$0x3], $0x80, s7, s21, $0xb8;
	[tilespmem:$0x1E800] =	vst v63  }
0x76: {  	_ =	swait.ge [sflag:s19], $0x3E80  }
0x77: {  	[sflag:s19] =	ssyncset.done $0x0  }
0x78: {  	[sflag:s19] =	ssyncadd.s32 $0xFFFFC180  }
0x79: {  	[tilespmem:s23], [sflag:$0x2] =	stream.indirect.gather [hbm4b:s5+s21], $0x80, s26, s21, $0xb8;
	[tilespmem:$0x1E800] =	vst v63  }
0x7a: {  	_ =	swait.ge [sflag:s24], $0x3E80  }
0x7b: {  	[sflag:s24] =	ssyncset.done $0x0  }
0x7c: {  	[sflag:s24] =	ssyncadd.s32 $0xFFFFC180  }
0x7d: {  	[spmem:s3] =	stream.indirect.scatter.add.f32 [tilespmem:s22], [sflag:$0x3], $0x80, s28, s21, $0xb8;
	[tilespmem:$0x1E800] =	vst v63  }
0x7e: {  	_ =	swait.ge [sflag:s19], $0x3E80  }
0x7f: {  	[sflag:s19] =	ssyncset.done $0x0  }
0x80: {  	[sflag:s19] =	ssyncadd.s32 $0xFFFFC180  }
0x81: {  	_ =	swait.ge [sflag:s25], $0x3E80  }
0x82: {  	[sflag:s25] =	ssyncset.done $0x0  }
0x83: {  	[sflag:s25] =	ssyncadd.s32 $0xFFFFC180  }
0x84: {  	[spmem:s3] =	stream.indirect.scatter.add.f32 [tilespmem:s23], [sflag:$0x3], $0x80, s29, s21, $0xb8;
	[tilespmem:$0x1E800] =	vst v63  }
0x85: {  	_ =	swait.ge [sflag:s19], $0x3E80  }
0x86: {  	[sflag:s19] =	ssyncset.done $0x0  }
0x87: {  	s31 =	simm.s32 $0x0;
	[sflag:s19] =	ssyncadd.s32 $0xFFFFC180  }
0x88: {  	[tilespmem:s31], [sflag:$0x3] =	stream.linear.gather [hbm4b:s12+s31], $0x1400, $0x38;
	[tilespmem:$0x1E800] =	vst v63  }
0x89: {  	_ =	swait.ge [sflag:s19], $0x1400  }
0x8a: {  	[sflag:s19] =	ssyncset.done $0x0  }
0x8b: {  	[sflag:s19] =	ssyncadd.s32 $0xFFFFEC00  }
0x8c: {  	[tilespmem:s20], [sflag:$0x3] =	stream.linear.gather [hbm4b:s13+s31], $0x1400, $0x38;
	[tilespmem:$0x1E800] =	vst v63  }
0x8d: {  	_ =	swait.ge [sflag:s19], $0x1400  }
0x8e: {  	[sflag:s19] =	ssyncset.done $0x0  }
0x8f: {  	[sflag:s19] =	ssyncadd.s32 $0xFFFFEC00  }
0x90: {  	[tilespmem:s22], [sflag:$0x1] =	stream.indirect.gather [hbm4b:s5+s21], $0x80, s31, s21, $0xb8;
	[tilespmem:$0x1E800] =	vst v63  }
0x91: {  	s2 =	simm.s32 $0x80  }
0x92: {  	[tilespmem:s23], [sflag:$0x2] =	stream.indirect.gather [hbm4b:s5+s21], $0x80, s2, s21, $0xb8;
	[tilespmem:$0x1E800] =	vst v63  }
0x93: {  	_ =	swait.ge [sflag:s24], $0x3E80  }
0x94: {  	[sflag:s24] =	ssyncset.done $0x0  }
0x95: {  	s6 =	simm.s32 $0x1400;
	[sflag:s24] =	ssyncadd.s32 $0xFFFFC180  }
0x96: {  	[spmem:s3] =	stream.indirect.scatter.add.f32 [tilespmem:s22], [sflag:$0x3], $0x80, s6, s21, $0xb8;
	[tilespmem:$0x1E800] =	vst v63  }
0x97: {  	_ =	swait.ge [sflag:s19], $0x3E80  }
0x98: {  	[sflag:s19] =	ssyncset.done $0x0  }
0x99: {  	s7 =	simm.s32 $0x100;
	[sflag:s19] =	ssyncadd.s32 $0xFFFFC180  }
0x9a: {  	[tilespmem:s22], [sflag:$0x1] =	stream.indirect.gather [hbm4b:s5+s21], $0x80, s7, s21, $0xb8;
	[tilespmem:$0x1E800] =	vst v63  }
0x9b: {  	_ =	swait.ge [sflag:s25], $0x3E80  }
0x9c: {  	[sflag:s25] =	ssyncset.done $0x0  }
0x9d: {  	s31 =	simm.s32 $0x1480;
	[sflag:s25] =	ssyncadd.s32 $0xFFFFC180  }
0x9e: {  	[spmem:s3] =	stream.indirect.scatter.add.f32 [tilespmem:s23], [sflag:$0x3], $0x80, s31, s21, $0xb8;
	[tilespmem:$0x1E800] =	vst v63  }
0x9f: {  	_ =	swait.ge [sflag:s19], $0x3E80  }
0xa0: {  	s30 =	simm.s32 $0x100;
	s0 =	simm.s32 $0x800;
	[sflag:s19] =	ssyncset.done $0x0  }
.LBB2_10:
0xa1: {  	s2 =	sadd.s32 $0x80, s30  }
0xa2: {  	[sflag:s19] =	ssyncadd.s32 $0xFFFFC180;
	s6 =	smov.u32 s0;
	s7 =	sadd.s32 $0x400, s0  }
0xa3: {  	[tilespmem:s23], [sflag:$0x2] =	stream.indirect.gather [hbm4b:s5+s21], $0x80, s2, s21, $0xb8;
	[tilespmem:$0x1E800] =	vst v63  }
0xa4: {  	p1 =	sne.s32 s0, $0x4800;
	_ =	swait.ge [sflag:s24], $0x3E80  }
0xa5: {  	[sflag:s24] =	ssyncset.done $0x0  }
0xa6: {  	s0 =	sadd.s32 $0x1400, s30;
	[sflag:s24] =	ssyncadd.s32 $0xFFFFC180  }
0xa7: {  	[spmem:s3] =	stream.indirect.scatter.add.f32 [tilespmem:s22], [sflag:$0x3], $0x80, s0, s21, $0xb8;
	[tilespmem:$0x1E800] =	vst v63  }
0xa8: {  	_ =	swait.ge [sflag:s19], $0x3E80  }
0xa9: {  	[sflag:s19] =	ssyncset.done $0x0  }
0xaa: {  	s0 =	sadd.s32 $0x100, s30;
	[sflag:s19] =	ssyncadd.s32 $0xFFFFC180  }
0xab: {  	[tilespmem:s22], [sflag:$0x1] =	stream.indirect.gather [hbm4b:s5+s21], $0x80, s0, s21, $0xb8;
	[tilespmem:$0x1E800] =	vst v63  }
0xac: {  	_ =	swait.ge [sflag:s25], $0x3E80  }
.Ltmp4:
0xad: {  	[sflag:s25] =	ssyncset.done $0x0;
	(pc) =	sbr.rel @p1 .LBB2_10-.Ltmp4, $4  }
0xae: {  	s0 =	sadd.s32 $0x1480, s30;
	[sflag:s25] =	ssyncadd.s32 $0xFFFFC180  }
0xaf: {  	[spmem:s3] =	stream.indirect.scatter.add.f32 [tilespmem:s23], [sflag:$0x3], $0x80, s0, s21, $0xb8;
	[tilespmem:$0x1E800] =	vst v63  }
0xb0: {  	_ =	swait.ge [sflag:s19], $0x3E80  }
0xb1: {  	s30 =	sshra.s32 s6, $0x2;
	s0 =	smov.u32 s7;
	[sflag:s19] =	ssyncset.done $0x0  }
.Ltmp5:
0xb2: {  	_ = 	snop;
	(pc) =	sbr.rel .LBB2_11-.Ltmp5, $1  }
0xb3: {  	_ =	sdelay $0x3  }
.LBB2_2:
0xb4: {  	s30 =	sor.u32 $0x1C03, s16  }
0xb5: {  	[spmem:s18], [sflag:s30] =	dma.local [hbm:s9], $0x2800  }
0xb6: {  	_ =	swait.ge [sflag:s19], $0x2800  }
0xb7: {  	[sflag:s19] =	ssyncset.done $0x0  }
0xb8: {  	[sflag:s19] =	ssyncadd.s32 $0xFFFFD800  }
0xb9: {  	s0 =	simm.s32 $0x0;
	[bflag:$0x0] =	sbarrier.arrive $0xFFFF  }
0xba: {  	[tilespmem:s0], [sflag:$0x3] =	stream.linear.gather [hbm4b:s10+s0], $0x1400, $0x38;
	[tilespmem:$0x1E800] =	vst v63  }
0xbb: {  	_ =	swait.ge [sflag:s19], $0x1400  }
0xbc: {  	[sflag:s19] =	ssyncset.done $0x0  }
0xbd: {  	[sflag:s19] =	ssyncadd.s32 $0xFFFFEC00  }
0xbe: {  	[tilespmem:s20], [sflag:$0x3] =	stream.linear.gather [hbm4b:s11+s0], $0x1400, $0x38;
	[tilespmem:$0x1E800] =	vst v63  }
0xbf: {  	_ =	swait.ge [sflag:s19], $0x1400  }
0xc0: {  	[sflag:s19] =	ssyncset.done $0x0  }
0xc1: {  	[sflag:s19] =	ssyncadd.s32 $0xFFFFEC00  }
0xc2: {  	[tilespmem:s22], [sflag:$0x1] =	stream.indirect.gather [hbm4b:s1+s21], $0x80, s0, s21, $0xb8;
	[tilespmem:$0x1E800] =	vst v63  }
0xc3: {  	s7 =	simm.s32 $0x80  }
0xc4: {  	[tilespmem:s23], [sflag:$0x2] =	stream.indirect.gather [hbm4b:s1+s21], $0x80, s7, s21, $0xb8;
	[tilespmem:$0x1E800] =	vst v63  }
0xc5: {  	_ =	swait.ge [sflag:s24], $0x3E80  }
0xc6: {  	[sflag:s24] =	ssyncset.done $0x0  }
0xc7: {  	s2 =	simm.s32 $0x1400;
	[sflag:s24] =	ssyncadd.s32 $0xFFFFC180  }
0xc8: {  	[spmem:s3] =	stream.indirect.scatter.add.f32 [tilespmem:s22], [sflag:$0x3], $0x80, s2, s21, $0xb8;
	[tilespmem:$0x1E800] =	vst v63  }
0xc9: {  	_ =	swait.ge [sflag:s19], $0x3E80  }
0xca: {  	[sflag:s19] =	ssyncset.done $0x0  }
0xcb: {  	s6 =	simm.s32 $0x100;
	[sflag:s19] =	ssyncadd.s32 $0xFFFFC180  }
0xcc: {  	[tilespmem:s22], [sflag:$0x1] =	stream.indirect.gather [hbm4b:s1+s21], $0x80, s6, s21, $0xb8;
	[tilespmem:$0x1E800] =	vst v63  }
0xcd: {  	_ =	swait.ge [sflag:s25], $0x3E80  }
0xce: {  	[sflag:s25] =	ssyncset.done $0x0  }
0xcf: {  	s7 =	simm.s32 $0x1480;
	[sflag:s25] =	ssyncadd.s32 $0xFFFFC180  }
0xd0: {  	[spmem:s3] =	stream.indirect.scatter.add.f32 [tilespmem:s23], [sflag:$0x3], $0x80, s7, s21, $0xb8;
	[tilespmem:$0x1E800] =	vst v63  }
0xd1: {  	_ =	swait.ge [sflag:s19], $0x3E80  }
0xd2: {  	s31 =	simm.s32 $0x100;
	s0 =	simm.s32 $0x800;
	[sflag:s19] =	ssyncset.done $0x0  }
.LBB2_3:
0xd3: {  	s2 =	sadd.s32 $0x80, s31  }
0xd4: {  	[sflag:s19] =	ssyncadd.s32 $0xFFFFC180;
	s6 =	smov.u32 s0;
	s7 =	sadd.s32 $0x400, s0  }
0xd5: {  	[tilespmem:s23], [sflag:$0x2] =	stream.indirect.gather [hbm4b:s1+s21], $0x80, s2, s21, $0xb8;
	[tilespmem:$0x1E800] =	vst v63  }
0xd6: {  	p1 =	sne.s32 s0, $0x4800;
	_ =	swait.ge [sflag:s24], $0x3E80  }
0xd7: {  	[sflag:s24] =	ssyncset.done $0x0  }
0xd8: {  	s0 =	sadd.s32 $0x1400, s31;
	[sflag:s24] =	ssyncadd.s32 $0xFFFFC180  }
0xd9: {  	[spmem:s3] =	stream.indirect.scatter.add.f32 [tilespmem:s22], [sflag:$0x3], $0x80, s0, s21, $0xb8;
	[tilespmem:$0x1E800] =	vst v63  }
0xda: {  	_ =	swait.ge [sflag:s19], $0x3E80  }
0xdb: {  	[sflag:s19] =	ssyncset.done $0x0  }
0xdc: {  	s0 =	sadd.s32 $0x100, s31;
	[sflag:s19] =	ssyncadd.s32 $0xFFFFC180  }
0xdd: {  	[tilespmem:s22], [sflag:$0x1] =	stream.indirect.gather [hbm4b:s1+s21], $0x80, s0, s21, $0xb8;
	[tilespmem:$0x1E800] =	vst v63  }
0xde: {  	_ =	swait.ge [sflag:s25], $0x3E80  }
.Ltmp6:
0xdf: {  	[sflag:s25] =	ssyncset.done $0x0;
	(pc) =	sbr.rel @p1 .LBB2_3-.Ltmp6, $4  }
0xe0: {  	s0 =	sadd.s32 $0x1480, s31;
	[sflag:s25] =	ssyncadd.s32 $0xFFFFC180  }
0xe1: {  	[spmem:s3] =	stream.indirect.scatter.add.f32 [tilespmem:s23], [sflag:$0x3], $0x80, s0, s21, $0xb8;
	[tilespmem:$0x1E800] =	vst v63  }
0xe2: {  	_ =	swait.ge [sflag:s19], $0x3E80  }
0xe3: {  	s31 =	sshra.s32 s6, $0x2;
	s0 =	smov.u32 s7;
	[sflag:s19] =	ssyncset.done $0x0  }
0xe4: {  	s0 =	sadd.s32 $0x80, s31;
	[sflag:s19] =	ssyncadd.s32 $0xFFFFC180  }
0xe5: {  	[tilespmem:s23], [sflag:$0x2] =	stream.indirect.gather [hbm4b:s1+s21], $0x80, s0, s21, $0xb8;
	[tilespmem:$0x1E800] =	vst v63  }
0xe6: {  	_ =	swait.ge [sflag:s24], $0x3E80  }
0xe7: {  	[sflag:s24] =	ssyncset.done $0x0  }
0xe8: {  	s6 =	sadd.s32 $0x1400, s31;
	[sflag:s24] =	ssyncadd.s32 $0xFFFFC180  }
0xe9: {  	[spmem:s3] =	stream.indirect.scatter.add.f32 [tilespmem:s22], [sflag:$0x3], $0x80, s6, s21, $0xb8;
	[tilespmem:$0x1E800] =	vst v63  }
0xea: {  	_ =	swait.ge [sflag:s19], $0x3E80  }
0xeb: {  	[sflag:s19] =	ssyncset.done $0x0  }
0xec: {  	s7 =	sadd.s32 $0x100, s31;
	[sflag:s19] =	ssyncadd.s32 $0xFFFFC180  }
0xed: {  	[tilespmem:s22], [sflag:$0x1] =	stream.indirect.gather [hbm4b:s1+s21], $0x80, s7, s21, $0xb8;
	[tilespmem:$0x1E800] =	vst v63  }
0xee: {  	_ =	swait.ge [sflag:s25], $0x3E80  }
0xef: {  	[sflag:s25] =	ssyncset.done $0x0  }
0xf0: {  	s2 =	sadd.s32 $0x1480, s31;
	[sflag:s25] =	ssyncadd.s32 $0xFFFFC180  }
0xf1: {  	[spmem:s3] =	stream.indirect.scatter.add.f32 [tilespmem:s23], [sflag:$0x3], $0x80, s2, s21, $0xb8;
	[tilespmem:$0x1E800] =	vst v63  }
0xf2: {  	_ =	swait.ge [sflag:s19], $0x3E80  }
0xf3: {  	[sflag:s19] =	ssyncset.done $0x0  }
0xf4: {  	[sflag:s19] =	ssyncadd.s32 $0xFFFFC180  }
0xf5: {  	[tilespmem:s23], [sflag:$0x2] =	stream.indirect.gather [hbm4b:s1+s21], $0x80, s26, s21, $0xb8;
	[tilespmem:$0x1E800] =	vst v63  }
0xf6: {  	_ =	swait.ge [sflag:s24], $0x3E80  }
0xf7: {  	[sflag:s24] =	ssyncset.done $0x0  }
0xf8: {  	[sflag:s24] =	ssyncadd.s32 $0xFFFFC180  }
0xf9: {  	[spmem:s3] =	stream.indirect.scatter.add.f32 [tilespmem:s22], [sflag:$0x3], $0x80, s28, s21, $0xb8;
	[tilespmem:$0x1E800] =	vst v63  }
0xfa: {  	_ =	swait.ge [sflag:s19], $0x3E80  }
0xfb: {  	[sflag:s19] =	ssyncset.done $0x0  }
0xfc: {  	[sflag:s19] =	ssyncadd.s32 $0xFFFFC180  }
0xfd: {  	_ =	swait.ge [sflag:s25], $0x3E80  }
0xfe: {  	[sflag:s25] =	ssyncset.done $0x0  }
0xff: {  	[sflag:s25] =	ssyncadd.s32 $0xFFFFC180  }
0x100: {  	[spmem:s3] =	stream.indirect.scatter.add.f32 [tilespmem:s23], [sflag:$0x3], $0x80, s29, s21, $0xb8;
	[tilespmem:$0x1E800] =	vst v63  }
0x101: {  	_ =	swait.ge [sflag:s19], $0x3E80  }
0x102: {  	[sflag:s19] =	ssyncset.done $0x0  }
0x103: {  	s6 =	simm.s32 $0x0;
	[sflag:s19] =	ssyncadd.s32 $0xFFFFC180  }
0x104: {  	[tilespmem:s6], [sflag:$0x3] =	stream.linear.gather [hbm4b:s12+s6], $0x1400, $0x38;
	[tilespmem:$0x1E800] =	vst v63  }
0x105: {  	_ =	swait.ge [sflag:s19], $0x1400  }
0x106: {  	[sflag:s19] =	ssyncset.done $0x0  }
0x107: {  	[sflag:s19] =	ssyncadd.s32 $0xFFFFEC00  }
0x108: {  	[tilespmem:s20], [sflag:$0x3] =	stream.linear.gather [hbm4b:s13+s6], $0x1400, $0x38;
	[tilespmem:$0x1E800] =	vst v63  }
0x109: {  	_ =	swait.ge [sflag:s19], $0x1400  }
0x10a: {  	[sflag:s19] =	ssyncset.done $0x0  }
0x10b: {  	[sflag:s19] =	ssyncadd.s32 $0xFFFFEC00  }
0x10c: {  	[tilespmem:s22], [sflag:$0x1] =	stream.indirect.gather [hbm4b:s1+s21], $0x80, s6, s21, $0xb8;
	[tilespmem:$0x1E800] =	vst v63  }
0x10d: {  	s7 =	simm.s32 $0x80  }
0x10e: {  	[tilespmem:s23], [sflag:$0x2] =	stream.indirect.gather [hbm4b:s1+s21], $0x80, s7, s21, $0xb8;
	[tilespmem:$0x1E800] =	vst v63  }
0x10f: {  	_ =	swait.ge [sflag:s24], $0x3E80  }
0x110: {  	[sflag:s24] =	ssyncset.done $0x0  }
0x111: {  	s2 =	simm.s32 $0x1400;
	[sflag:s24] =	ssyncadd.s32 $0xFFFFC180  }
0x112: {  	[spmem:s3] =	stream.indirect.scatter.add.f32 [tilespmem:s22], [sflag:$0x3], $0x80, s2, s21, $0xb8;
	[tilespmem:$0x1E800] =	vst v63  }
0x113: {  	_ =	swait.ge [sflag:s19], $0x3E80  }
0x114: {  	[sflag:s19] =	ssyncset.done $0x0  }
0x115: {  	s6 =	simm.s32 $0x100;
	[sflag:s19] =	ssyncadd.s32 $0xFFFFC180  }
0x116: {  	[tilespmem:s22], [sflag:$0x1] =	stream.indirect.gather [hbm4b:s1+s21], $0x80, s6, s21, $0xb8;
	[tilespmem:$0x1E800] =	vst v63  }
0x117: {  	_ =	swait.ge [sflag:s25], $0x3E80  }
0x118: {  	[sflag:s25] =	ssyncset.done $0x0  }
0x119: {  	s7 =	simm.s32 $0x1480;
	[sflag:s25] =	ssyncadd.s32 $0xFFFFC180  }
0x11a: {  	[spmem:s3] =	stream.indirect.scatter.add.f32 [tilespmem:s23], [sflag:$0x3], $0x80, s7, s21, $0xb8;
	[tilespmem:$0x1E800] =	vst v63  }
0x11b: {  	_ =	swait.ge [sflag:s19], $0x3E80  }
0x11c: {  	s31 =	simm.s32 $0x100;
	s0 =	simm.s32 $0x800;
	[sflag:s19] =	ssyncset.done $0x0  }
.LBB2_5:
0x11d: {  	s2 =	sadd.s32 $0x80, s31  }
0x11e: {  	[sflag:s19] =	ssyncadd.s32 $0xFFFFC180;
	s6 =	smov.u32 s0;
	s7 =	sadd.s32 $0x400, s0  }
0x11f: {  	[tilespmem:s23], [sflag:$0x2] =	stream.indirect.gather [hbm4b:s1+s21], $0x80, s2, s21, $0xb8;
	[tilespmem:$0x1E800] =	vst v63  }
0x120: {  	p1 =	sne.s32 s0, $0x4800;
	_ =	swait.ge [sflag:s24], $0x3E80  }
0x121: {  	[sflag:s24] =	ssyncset.done $0x0  }
0x122: {  	s0 =	sadd.s32 $0x1400, s31;
	[sflag:s24] =	ssyncadd.s32 $0xFFFFC180  }
0x123: {  	[spmem:s3] =	stream.indirect.scatter.add.f32 [tilespmem:s22], [sflag:$0x3], $0x80, s0, s21, $0xb8;
	[tilespmem:$0x1E800] =	vst v63  }
0x124: {  	_ =	swait.ge [sflag:s19], $0x3E80  }
0x125: {  	[sflag:s19] =	ssyncset.done $0x0  }
0x126: {  	s0 =	sadd.s32 $0x100, s31;
	[sflag:s19] =	ssyncadd.s32 $0xFFFFC180  }
0x127: {  	[tilespmem:s22], [sflag:$0x1] =	stream.indirect.gather [hbm4b:s1+s21], $0x80, s0, s21, $0xb8;
	[tilespmem:$0x1E800] =	vst v63  }
0x128: {  	_ =	swait.ge [sflag:s25], $0x3E80  }
.Ltmp7:
0x129: {  	[sflag:s25] =	ssyncset.done $0x0;
	(pc) =	sbr.rel @p1 .LBB2_5-.Ltmp7, $4  }
0x12a: {  	s0 =	sadd.s32 $0x1480, s31;
	[sflag:s25] =	ssyncadd.s32 $0xFFFFC180  }
0x12b: {  	[spmem:s3] =	stream.indirect.scatter.add.f32 [tilespmem:s23], [sflag:$0x3], $0x80, s0, s21, $0xb8;
	[tilespmem:$0x1E800] =	vst v63  }
0x12c: {  	_ =	swait.ge [sflag:s19], $0x3E80  }
0x12d: {  	s31 =	sshra.s32 s6, $0x2;
	s0 =	smov.u32 s7;
	[sflag:s19] =	ssyncset.done $0x0  }
0x12e: {  	s0 =	sadd.s32 $0x80, s31;
	[sflag:s19] =	ssyncadd.s32 $0xFFFFC180  }
0x12f: {  	[tilespmem:s23], [sflag:$0x2] =	stream.indirect.gather [hbm4b:s1+s21], $0x80, s0, s21, $0xb8;
	[tilespmem:$0x1E800] =	vst v63  }
0x130: {  	_ =	swait.ge [sflag:s24], $0x3E80  }
0x131: {  	[sflag:s24] =	ssyncset.done $0x0  }
0x132: {  	s2 =	sadd.s32 $0x1400, s31;
	[sflag:s24] =	ssyncadd.s32 $0xFFFFC180  }
0x133: {  	[spmem:s3] =	stream.indirect.scatter.add.f32 [tilespmem:s22], [sflag:$0x3], $0x80, s2, s21, $0xb8;
	[tilespmem:$0x1E800] =	vst v63  }
0x134: {  	_ =	swait.ge [sflag:s19], $0x3E80  }
0x135: {  	[sflag:s19] =	ssyncset.done $0x0  }
0x136: {  	s6 =	sadd.s32 $0x100, s31;
	[sflag:s19] =	ssyncadd.s32 $0xFFFFC180  }
0x137: {  	[tilespmem:s22], [sflag:$0x1] =	stream.indirect.gather [hbm4b:s1+s21], $0x80, s6, s21, $0xb8;
	[tilespmem:$0x1E800] =	vst v63  }
0x138: {  	_ =	swait.ge [sflag:s25], $0x3E80  }
0x139: {  	[sflag:s25] =	ssyncset.done $0x0  }
0x13a: {  	s7 =	sadd.s32 $0x1480, s31;
	[sflag:s25] =	ssyncadd.s32 $0xFFFFC180  }
0x13b: {  	[spmem:s3] =	stream.indirect.scatter.add.f32 [tilespmem:s23], [sflag:$0x3], $0x80, s7, s21, $0xb8;
	[tilespmem:$0x1E800] =	vst v63  }
.Ltmp8:
0x13c: {  	_ = 	snop;
	(pc) =	sbr.rel .LBB2_12-.Ltmp8, $4  }
0x13d: {  	_ =	swait.ge [sflag:s19], $0x3E80  }
0x13e: {  	[sflag:s19] =	ssyncset.done $0x0  }
0x13f: {  	s31 =	rddreg [dreg:$0x4];
	[sflag:s19] =	ssyncadd.s32 $0xFFFFC180  }
0x140: {  	[tilespmem:s23], [sflag:$0x2] =	stream.indirect.gather [hbm4b:s1+s21], $0x80, s26, s21, $0xb8;
	[tilespmem:$0x1E800] =	vst v63  }
.LBB2_13:
0x141: {  	_ =	sfence.sel $0x180000  }
0x142: {  	[bflag:$0x0] =	sbarrier.arrive $0xFFFF  }
0x143: {  	_ =	strace $0x9000004A  }
0x144: {  	s0 =	stileid.u32;
	[bflag:$0x2] =	sbarrier.arrive $0xFFFF  }
0x145: {  	p0 =	sne.s32 s0, $0x0;
	s0 =	rddreg [dreg:$0x3]  }
0x146: {  	s0 =	sadd.s32 @!p0 $0x100000, s0  }
0x147: {  	[sflag:s0] =	ssyncadd.tile.s32 @!p0 $0x1;
	_ =	shalt  }
.Lfunc_end2:
_tile_overlayer_lowered:
.L_overlay_start_2:
0x148: {  	(tag) =	ssettag $0x2  }
0x149: {  	s0 =	rddreg [dreg:$0x0];
	s2 =	stileid.u32  }
0x14a: {  	s1 =	rddreg [dreg:$0x1];
	p0 =	sne.s32 s2, $0x0  }
0x14b: {  	s3 =	rddreg [dreg:$0x2];
	[bflag:$0x3] =	sbarrier.arrive $0xFFFF;
	s2 =	simm.s32 @!p0 $0x1C03  }
0x14c: {  	[timem:s3], [sflag:s2] =	dma.local @!p0 [hbm:s0], s1  }
0x14d: {  	s0 =	simm.s32 @!p0 $0x3  }
0x14e: {  	_ =	swait.ge @!p0 [sflag:s0], s1  }
0x14f: {  	s1 =	ssub.s32 @!p0 $0x0, s1;
	[sflag:s0] =	ssyncset.done @!p0 $0x0  }
0x150: {  	[sflag:s0] =	ssyncadd.s32 @!p0 s1  }
0x151: {  	[bflag:$0x3] =	sbarrier.arrive $0xFFFF  }
0x152: {  	_ =	shalt  }

// kernel: kernel.14.cloned.1.call-start
scs
__scs_entry_jumppad:
0x0: {  	(pc) =	sbr.rel $0x88, $3  }
0x1: {  	(tag) =	ssettag $0x0;
	lr =	simm.s32 $0x1  }
0x2: {  	[smem:$0x3F9B] =	sst lr;
	_ =	strace $0xD0000000  }
0x3: {  	_ = 	snop  }
0x4: {  	_ = 	snop  }
0x5: {  	_ = 	snop  }
0x6: {  	_ = 	snop  }
0x7: {  	_ = 	snop  }
__scs_overlays_trampoline_lowered:
0x8: {  	[smem:$0x3FAA] =	sst s0  }
0x9: {  	[smem:$0x3FAB] =	sst s1  }
0xa: {  	[smem:$0x3FAC] =	sst s2  }
0xb: {  	[smem:$0x3FAD] =	sst s3  }
0xc: {  	[smem:$0x3FAE] =	sst s4  }
0xd: {  	[smem:$0x3FAF] =	sst s5  }
0xe: {  	[smem:$0x3FB0] =	sst s6  }
0xf: {  	[smem:$0x3FB1] =	sst s7  }
0x10: {  	[smem:$0x3FB2] =	sst s8  }
0x11: {  	[smem:$0x3FB3] =	sst s9;
	s0 =	simm.s32 @!p0 $0x0  }
0x12: {  	s1 =	sld [smem:$0x3F99];
	s0 =	simm.s32 @p0 $0x1  }
0x13: {  	[smem:$0x3FB4] =	sst s0;
	s0 =	simm.s32 @!p1 $0x0  }
0x14: {  	s2 =	sld [smem:$0x3F98];
	s0 =	simm.s32 @p1 $0x1  }
0x15: {  	[smem:$0x3FB5] =	sst s0;
	s0 =	simm.s32 @!p2 $0x0  }
0x16: {  	s3 =	sld [smem:$0x3FDB];
	s0 =	simm.s32 @p2 $0x1  }
0x17: {  	s4 =	simm.s32 $0x1BF5;
	[smem:$0x3FB7] =	sst s0  }
0x18: {  	s0 =	sld [smem:$0x3F9A];
	_ =	swait.ge [sflag:s4], $0x0  }
0x19: {  	s7 =	sld [smem:$0x3F9B]  }
0x1a: {  	s8 =	sadd.s32 $0xFFFFE003, lr  }
0x1b: {  	s9 =	sadd.s32 $0xFFFFFEF7, lr;
	s5 =	simm.s32 $0xFFFFFFFF;
	p2 =	slt.u32 s8, $0xFFFFF086  }
0x1c: {  	p1 =	slt.u32 s9, $0xF7A;
	s5 =	simm.s32 @!p2 $0x0  }
0x1d: {  	s5 =	simm.s32 @p1 $0x1;
	p0 =	seq.s32 s7, s2  }
0x1e: {  	s7 =	smul.u32 @!p0 $0xF7A, s2;
	p2 =	seq.s32 @!p0 s5, $0x0  }
0x1f: {  	s9 =	smul.u32 $0xF7A, s1;
	s8 =	simm.s32 @!p0 $0x1BF5;
	p2 =	por !p2, p0  }
0x20: {  	[sflag:s8] =	ssyncset.s32 @!p0 $0xFFFFF086;
	s6 =	sadd.s32 @!p0 s3, s7;
	s7 =	simm.s32 @!p0 $0x108  }
0x21: {  	s3 =	sadd.s32 s3, s9;
	s6 =	sadd.s32 @!p0 $0x88, s6;
	s7 =	simm.s32 @p2 $0x1082  }
0x22: {  	[simem:s7], [sflag:s8] =	dma.local @!p0 [hbm:s6], $0xF7A  }
0x23: {  	s9 =	sor.u32 $0xD0000000, s2;
	s6 =	simm.s32 $0x108;
	_ =	swait.ge @!p0 [sflag:s8], $0x0  }
0x24: {  	s3 =	sadd.s32 $0x88, s3;
	s6 =	simm.s32 @!p1 $0x1082;
	[sflag:s4] =	ssyncset.s32 $0xFFFFF086  }
0x25: {  	[simem:s6], [sflag:s4] =	dma.local [hbm:s3], $0xF7A  }
0x26: {  	[smem:$0x3F9B] =	sst s1;
	(tag) =	ssettag s2;
	_ =	strace s9  }
0x27: {  	s1 =	sld [smem:$0x3FAB]  }
0x28: {  	s2 =	sld [smem:$0x3FAC]  }
0x29: {  	s4 =	sld [smem:$0x3FAE]  }
0x2a: {  	p0 =	seq.s32 s5, $0x0;
	s5 =	sld [smem:$0x3FAF]  }
0x2b: {  	s6 =	sld [smem:$0x3FB0]  }
0x2c: {  	s7 =	sld [smem:$0x3FB1]  }
0x2d: {  	s3 =	simm.s32 $0x108;
	s8 =	sld [smem:$0x3FB2]  }
0x2e: {  	s3 =	simm.s32 @!p0 $0x1082;
	s9 =	sld [smem:$0x3FB3]  }
0x2f: {  	lr =	sadd.s32 s0, s3;
	s0 =	sld [smem:$0x3FAA]  }
0x30: {  	s3 =	sld [smem:$0x3FAD]  }
0x31: {  	[smem:$0x3FB6] =	sst s10  }
0x32: {  	s10 =	sld [smem:$0x3FB4];
	_ =	sdelay $0x3  }
0x33: {  	p0 =	seq.s32 s10, $0x1;
	s10 =	sld [smem:$0x3FB6];
	_ =	sdelay $0x3  }
0x34: {  	[smem:$0x3FB6] =	sst s10  }
0x35: {  	s10 =	sld [smem:$0x3FB5];
	_ =	sdelay $0x3  }
0x36: {  	p1 =	seq.s32 s10, $0x1;
	s10 =	sld [smem:$0x3FB6];
	_ =	sdelay $0x3  }
0x37: {  	[smem:$0x3FB6] =	sst s10  }
0x38: {  	s10 =	sld [smem:$0x3FB7]  }
0x39: {  	_ = 	snop;
	(pc) =	sbr.ind lr, $3  }
0x3a: {  	_ = 	snop  }
0x3b: {  	_ = 	snop  }
0x3c: {  	p2 =	seq.s32 s10, $0x1;
	s10 =	sld [smem:$0x3FB6]  }
0x3d: {  	_ =	shalt  }
0x3e: {  	_ =	shalt  }
0x3f: {  	_ =	shalt  }
0x40: {  	_ =	shalt  }
0x41: {  	_ =	shalt  }
0x42: {  	_ =	shalt  }
0x43: {  	_ =	shalt  }
0x44: {  	_ =	shalt  }
0x45: {  	_ =	shalt  }
0x46: {  	_ =	shalt  }
0x47: {  	_ =	shalt  }
0x48: {  	_ =	shalt  }
0x49: {  	_ =	shalt  }
0x4a: {  	_ =	shalt  }
0x4b: {  	_ =	shalt  }
0x4c: {  	_ =	shalt  }
0x4d: {  	_ =	shalt  }
0x4e: {  	_ =	shalt  }
0x4f: {  	_ =	shalt  }
0x50: {  	_ =	shalt  }
0x51: {  	_ =	shalt  }
0x52: {  	_ =	shalt  }
0x53: {  	_ =	shalt  }
0x54: {  	_ =	shalt  }
0x55: {  	_ =	shalt  }
0x56: {  	_ =	shalt  }
0x57: {  	_ =	shalt  }
0x58: {  	_ =	shalt  }
0x59: {  	_ =	shalt  }
0x5a: {  	_ =	shalt  }
0x5b: {  	_ =	shalt  }
0x5c: {  	_ =	shalt  }
0x5d: {  	_ =	shalt  }
0x5e: {  	_ =	shalt  }
0x5f: {  	_ =	shalt  }
0x60: {  	_ =	shalt  }
0x61: {  	_ =	shalt  }
0x62: {  	_ =	shalt  }
0x63: {  	_ =	shalt  }
0x64: {  	_ =	shalt  }
0x65: {  	_ =	shalt  }
0x66: {  	_ =	shalt  }
0x67: {  	_ =	shalt  }
0x68: {  	_ =	shalt  }
0x69: {  	_ =	shalt  }
0x6a: {  	_ =	shalt  }
0x6b: {  	_ =	shalt  }
0x6c: {  	_ =	shalt  }
0x6d: {  	_ =	shalt  }
0x6e: {  	_ =	shalt  }
0x6f: {  	_ =	shalt  }
0x70: {  	_ =	shalt  }
0x71: {  	_ =	shalt  }
0x72: {  	_ =	shalt  }
0x73: {  	_ =	shalt  }
0x74: {  	_ =	shalt  }
0x75: {  	_ =	shalt  }
0x76: {  	_ =	shalt  }
0x77: {  	_ =	shalt  }
0x78: {  	_ =	shalt  }
0x79: {  	_ =	shalt  }
0x7a: {  	_ =	shalt  }
0x7b: {  	_ =	shalt  }
0x7c: {  	_ =	shalt  }
0x7d: {  	_ =	shalt  }
0x7e: {  	_ =	shalt  }
0x7f: {  	_ =	shalt  }
0x80: {  	_ =	shalt  }
0x81: {  	_ =	shalt  }
0x82: {  	_ =	shalt  }
0x83: {  	_ =	shalt  }
0x84: {  	_ =	shalt  }
0x85: {  	_ =	shalt  }
0x86: {  	_ =	shalt  }
0x87: {  	_ =	shalt  }
.Lfunc_end0:
.L_simem_size_0:
called_computation.2_lowered:
.L_overlay_start_0:
0x88: {  	s2 =	sld [smem:$0x3FD9]  }
0x89: {  	s3 =	sld [smem:$0x3FFE];
	_ =	sdelay $0x1  }
0x8a: {  	s1 =	srdreg.scid  }
0x8b: {  	s0 =	sand.u32 $0x1, s1  }
0x8c: {  	s17 =	sshll.u32 s0, $0xA;
	s2 =	sadd.s32 s3, s2  }
0x8d: {  	s2 =	sadd.s32 s2, s17  }
0x8e: {  	[smem:$0x3FC2] =	sst s2  }
0x8f: {  	_ = 	snop  }
0x90: {  	s2 =	sld [smem:$0x3FD0];
	(tm) =	ssettm $0x1  }
0x91: {  	s18 =	sld [smem:$0x3FFB];
	_ =	sdelay $0x3  }
0x92: {  	_ =	strace s18  }
0x93: {  	s3 =	sld [smem:$0x3FFC];
	_ =	sdelay $0x3  }
0x94: {  	_ =	strace s3  }
0x95: {  	s3 =	sld [smem:$0x3FFD];
	_ =	sdelay $0x3  }
0x96: {  	_ =	strace s3  }
0x97: {  	_ =	strace $0x8FFFFFFF  }
0x98: {  	s19 =	sld [smem:$0x3FDB];
	_ =	sdelay $0x1  }
0x99: {  	s4 =	simm.s32 $_scs_section_size  }
0x9a: {  	s5 =	simm.s32 $_size__tile_overlayer_lowered;
	s6 =	simm.s32 $_tile_overlayer_lowered  }
0x9b: {  	s22 =	simm.s32 $0x1BFF;
	s21 =	sshll.u32 s6, $0x1;
	s3 =	sadd.s32 s4, s19  }
0x9c: {  	s7 =	simm.s32 $0x0;
	s20 =	sshll.u32 s5, $0x1;
	s5 =	sadd.s32 s21, s3  }
0x9d: {  	[timem:s7], [sflag:s22] =	dma.local [hbm:s5], s20  }
0x9e: {  	_ =	swait.ge [sflag:s22], s20  }
0x9f: {  	s4 =	ssub.s32 $0x0, s20;
	[sflag:s22] =	ssyncset.done $0x0  }
0xa0: {  	[sflag:s22] =	ssyncadd.s32 s4;
	_ =	sdelay $0x1  }
0xa1: {  	s23 =	simm.s32 $0x1B8B  }
0xa2: {  	_ =	swait.ge [sflag:s23], $0x1  }
0xa3: {  	[sflag:s23] =	ssyncset.done $0x0  }
0xa4: {  	s25 =	simm.s32 $0x1B8E;
	s24 =	sld [smem:$0x3FFE];
	[sflag:s23] =	ssyncadd.s32 $0xFFFFFFFF  }
0xa5: {  	s26 =	simm.s32 $execute0_lowered;
	[smem:$0x3FD2] =	sst s25  }
0xa6: {  	s5 =	sshll.u32 s26, $0x1;
	_ =	strace $0x8000004C;
	[dreg:$0x1] =	wrdreg $0xFFFFFFFF  }
0xa7: {  	s28 =	simm.s32 $_size_execute0_lowered;
	s3 =	sadd.s32 s3, s5;
	[dreg:$0x0] =	wrdreg $0x0  }
0xa8: {  	s5 =	sshll.u32 s28, $0x1;
	[dreg:$0x2] =	wrdreg s3  }
0xa9: {  	[dreg:$0x3] =	wrdreg s5  }
0xaa: {  	[dreg:$0x4] =	wrdreg $0xC0  }
0xab: {  	_ =	task [dreg:s7], $0x5FFFF  }
0xac: {  	[dreg:$0x1] =	wrdreg $0xFFFFFFFF  }
0xad: {  	[dreg:$0x0] =	wrdreg $0x60  }
0xae: {  	[dreg:$0x2] =	wrdreg s2  }
0xaf: {  	[dreg:$0x3] =	wrdreg s24  }
0xb0: {  	[dreg:$0x4] =	wrdreg $0xA8000  }
0xb1: {  	[dreg:$0x5] =	wrdreg $0x9  }
0xb2: {  	_ =	task.clear_ibuf [dreg:s7], $0x6FFFF;
	_ =	strace $0x9000004C  }
0xb3: {  	s29 =	simm.s32 $0x9;
	_ =	strace $0x8000004E  }
0xb4: {  	_ =	swait.ge [sflag:s29], $0x1  }
0xb5: {  	[sflag:s29] =	ssyncadd.s32 $0xFFFFFFFF  }
0xb6: {  	_ =	strace $0x9000004E  }
0xb7: {  	_ =	sfence  }
0xb8: {  	s30 =	sld [smem:$0x0];
	_ =	sdelay $0x2  }
0xb9: {  	s31 =	sshll.u32 s1, $0xD;
	s1 =	sshrl.u32 s1, $0x2  }
0xba: {  	s3 =	sand.u32 $0x4000, s31;
	s1 =	sadd.s32 s1, s30  }
0xbb: {  	s0 =	sor.u32 s3, s0;
	s1 =	sshll.u32 s1, $0x11  }
0xbc: {  	s0 =	sor.u32 s1, s0  }
0xbd: {  	s0 =	sadd.s32 $0x8F2B, s0  }
0xbe: {  	[sflag:s0] =	ssyncadd.remote.s32 $0x1  }
0xbf: {  	_ =	sfence.sel $0xFFFF  }
0xc0: {  	[dreg:$0x0] =	wrdreg $0xFFFFFFFF;
	(pc) =	sbr.abs _section_cstart, $3  }
0xc1: {  	[dreg:$0x1] =	wrdreg $0xFFFFFFFF  }
0xc2: {  	_ =	task.clear_ibuf [dreg:s7], $0x2FFFF;
	_ =	strace $0x9FFFFFFF  }
0xc3: {  	(tm) =	ssettm $0x7FFFFFFF  }
tec
execute0_lowered:
.L_overlay_start_1:
0x0: {  	(tag) =	ssettag $0x1  }
0x1: {  	s1 =	rddreg [dreg:$0x0]  }
0x2: {  	s0 =	rddreg [dreg:$0x1]  }
0x3: {  	s3 =	rddreg [dreg:$0x2]  }
0x4: {  	s4 =	simm.s32 $0x0;
	s2 =	stileid.u32;
	s7 =	srdreg.scid  }
0x5: {  	s19 =	simm.s32 $0x3;
	s20 =	simm.s32 $0x1400;
	s21 =	simm.s32 $0x7D  }
0x6: {  	s22 =	simm.s32 $0x2800;
	s23 =	simm.s32 $0x6800;
	s24 =	simm.s32 $0x1  }
0x7: {  	s25 =	simm.s32 $0x2;
	s28 =	simm.s32 $0x2700;
	s29 =	simm.s32 $0x2780  }
0x8: {  	[smem:$0x7FF] =	sst s4;
	s6 =	smul.u32 $0x280, s2;
	s5 =	sadd.s32 $0xDA00, s0  }
0x9: {  	s9 =	sand.u32 $0x1, s7;
	s26 =	sadd.s32 $0x5DA00, s0;
	s11 =	smul.u32 $0x50000, s2  }
0xa: {  	s8 =	smul.u32 $0x2800, s2;
	s16 =	sshll.u32 s2, $0x6;
	_ =	strace $0x8000004D  }
0xb: {  	[dreg:$0x4] =	wrdreg s26;
	s10 =	ssub.s32 $0x2, s9;
	p0 =	seq.s32 s9, $0x1  }
0xc: {  	s17 =	sor.u32 $0x1C03, s16;
	s26 =	simm.s32 $0x1380;
	s13 =	sadd.s32 s6, s0  }
.Ltmp0:
0xd: {  	s0 =	sadd.s32 $0x85A00, s0;
	s30 =	sshrl.u32 s10, $0x1;
	(pc) =	sbr.rel .LBB2_1-.Ltmp0, $4  }
0xe: {  	s31 =	sshrl.u32 s11, $0x2;
	s9 =	sadd.s32 s1, s8;
	s14 =	sadd.s32 s5, s8  }
0xf: {  	[dreg:$0x5] =	wrdreg s0;
	s0 =	ssub.s32 s10, s30;
	s18 =	sadd.s32 s31, s3  }
0x10: {  	s10 =	sadd.s32 $0x6200, s13;
	s11 =	sadd.s32 $0x8A00, s13;
	s12 =	sadd.s32 $0x3A00, s13  }
0x11: {  	s13 =	sadd.s32 $0xB200, s13;
	s15 =	smax.u32 s0, $0x1;
	s18 =	sshrl.u32 s18, $0x3  }
.LBB2_11:
0x12: {  	s0 =	sadd.s32 $0x80, s30;
	[sflag:s19] =	ssyncadd.s32 $0xFFFFC180  }
0x13: {  	[tilespmem:s23], [sflag:$0x2] =	stream.indirect.gather [hbm4b:s5+s21], $0x80, s0, s21, $0xb8;
	[tilespmem:$0x1E800] =	vst v63  }
0x14: {  	_ =	swait.ge [sflag:s24], $0x3E80  }
0x15: {  	[sflag:s24] =	ssyncset.done $0x0  }
0x16: {  	s2 =	sadd.s32 $0x1400, s30;
	[sflag:s24] =	ssyncadd.s32 $0xFFFFC180  }
0x17: {  	[spmem:s3] =	stream.indirect.scatter.add.f32 [tilespmem:s22], [sflag:$0x3], $0x80, s2, s21, $0xb8;
	[tilespmem:$0x1E800] =	vst v63  }
0x18: {  	_ =	swait.ge [sflag:s19], $0x3E80  }
0x19: {  	[sflag:s19] =	ssyncset.done $0x0  }
0x1a: {  	s6 =	sadd.s32 $0x100, s30;
	[sflag:s19] =	ssyncadd.s32 $0xFFFFC180  }
0x1b: {  	[tilespmem:s22], [sflag:$0x1] =	stream.indirect.gather [hbm4b:s5+s21], $0x80, s6, s21, $0xb8;
	[tilespmem:$0x1E800] =	vst v63  }
0x1c: {  	_ =	swait.ge [sflag:s25], $0x3E80  }
0x1d: {  	[sflag:s25] =	ssyncset.done $0x0  }
0x1e: {  	s7 =	sadd.s32 $0x1480, s30;
	[sflag:s25] =	ssyncadd.s32 $0xFFFFC180  }
0x1f: {  	[spmem:s3] =	stream.indirect.scatter.add.f32 [tilespmem:s23], [sflag:$0x3], $0x80, s7, s21, $0xb8;
	[tilespmem:$0x1E800] =	vst v63  }
0x20: {  	_ =	swait.ge [sflag:s19], $0x3E80  }
0x21: {  	[sflag:s19] =	ssyncset.done $0x0  }
0x22: {  	s30 =	smov.u32 s17;
	s31 =	rddreg [dreg:$0x5];
	[sflag:s19] =	ssyncadd.s32 $0xFFFFC180  }
0x23: {  	[tilespmem:s23], [sflag:$0x2] =	stream.indirect.gather [hbm4b:s5+s21], $0x80, s26, s21, $0xb8;
	[tilespmem:$0x1E800] =	vst v63  }
.LBB2_12:
0x24: {  	_ =	swait.ge [sflag:s24], $0x3E80  }
0x25: {  	[sflag:s24] =	ssyncset.done $0x0  }
0x26: {  	[sflag:s24] =	ssyncadd.s32 $0xFFFFC180  }
0x27: {  	[spmem:s3] =	stream.indirect.scatter.add.f32 [tilespmem:s22], [sflag:$0x3], $0x80, s28, s21, $0xb8;
	[tilespmem:$0x1E800] =	vst v63  }
0x28: {  	_ =	swait.ge [sflag:s19], $0x3E80  }
0x29: {  	[sflag:s19] =	ssyncset.done $0x0  }
0x2a: {  	[sflag:s19] =	ssyncadd.s32 $0xFFFFC180  }
0x2b: {  	_ =	swait.ge [sflag:s25], $0x3E80  }
0x2c: {  	[sflag:s25] =	ssyncset.done $0x0  }
0x2d: {  	[sflag:s25] =	ssyncadd.s32 $0xFFFFC180  }
0x2e: {  	[spmem:s3] =	stream.indirect.scatter.add.f32 [tilespmem:s23], [sflag:$0x3], $0x80, s29, s21, $0xb8;
	[tilespmem:$0x1E800] =	vst v63  }
0x2f: {  	_ =	swait.ge [sflag:s19], $0x3E80  }
0x30: {  	s4 =	sadd.s32 $0x1, s4;
	[sflag:s19] =	ssyncset.done $0x0  }
0x31: {  	p1 =	sne.s32 s4, s15;
	[sflag:s19] =	ssyncadd.s32 $0xFFFFC180  }
.Ltmp1:
0x32: {  	s0 =	sadd.s32 s31, s8;
	[bflag:$0x0] =	sbarrier.arrive $0xFFFF;
	(pc) =	sbr.rel @!p1 .LBB2_13-.Ltmp1, $4  }
0x33: {  	[hbm:s0], [sflag:s30] =	dma.local [spmem:s18], $0x2800  }
0x34: {  	_ =	swait.ge [sflag:s19], $0x2800  }
0x35: {  	[sflag:s19] =	ssyncset.done $0x0  }
0x36: {  	[sflag:s19] =	ssyncadd.s32 $0xFFFFD800  }
.LBB2_1:
.Ltmp2:
0x37: {  	(pc) =	sbr.rel @!p0 .LBB2_2-.Ltmp2, $1  }
0x38: {  	_ =	sdelay $0x3  }
0x39: {  	[spmem:s18], [sflag:s17] =	dma.local [hbm:s14], $0x2800  }
0x3a: {  	_ =	swait.ge [sflag:s19], $0x2800  }
0x3b: {  	[sflag:s19] =	ssyncset.done $0x0  }
0x3c: {  	[sflag:s19] =	ssyncadd.s32 $0xFFFFD800  }
0x3d: {  	s0 =	simm.s32 $0x0;
	[bflag:$0x0] =	sbarrier.arrive $0xFFFF  }
0x3e: {  	[tilespmem:s0], [sflag:$0x3] =	stream.linear.gather [hbm4b:s10+s0], $0x1400, $0x38;
	[tilespmem:$0x1E800] =	vst v63  }
0x3f: {  	_ =	swait.ge [sflag:s19], $0x1400  }
0x40: {  	[sflag:s19] =	ssyncset.done $0x0  }
0x41: {  	[sflag:s19] =	ssyncadd.s32 $0xFFFFEC00  }
0x42: {  	[tilespmem:s20], [sflag:$0x3] =	stream.linear.gather [hbm4b:s11+s0], $0x1400, $0x38;
	[tilespmem:$0x1E800] =	vst v63  }
0x43: {  	_ =	swait.ge [sflag:s19], $0x1400  }
0x44: {  	[sflag:s19] =	ssyncset.done $0x0  }
0x45: {  	[sflag:s19] =	ssyncadd.s32 $0xFFFFEC00  }
0x46: {  	[tilespmem:s22], [sflag:$0x1] =	stream.indirect.gather [hbm4b:s5+s21], $0x80, s0, s21, $0xb8;
	[tilespmem:$0x1E800] =	vst v63  }
0x47: {  	s2 =	simm.s32 $0x80  }
0x48: {  	[tilespmem:s23], [sflag:$0x2] =	stream.indirect.gather [hbm4b:s5+s21], $0x80, s2, s21, $0xb8;
	[tilespmem:$0x1E800] =	vst v63  }
0x49: {  	_ =	swait.ge [sflag:s24], $0x3E80  }
0x4a: {  	[sflag:s24] =	ssyncset.done $0x0  }
0x4b: {  	s6 =	simm.s32 $0x1400;
	[sflag:s24] =	ssyncadd.s32 $0xFFFFC180  }
0x4c: {  	[spmem:s3] =	stream.indirect.scatter.add.f32 [tilespmem:s22], [sflag:$0x3], $0x80, s6, s21, $0xb8;
	[tilespmem:$0x1E800] =	vst v63  }
0x4d: {  	_ =	swait.ge [sflag:s19], $0x3E80  }
0x4e: {  	[sflag:s19] =	ssyncset.done $0x0  }
0x4f: {  	s7 =	simm.s32 $0x100;
	[sflag:s19] =	ssyncadd.s32 $0xFFFFC180  }
0x50: {  	[tilespmem:s22], [sflag:$0x1] =	stream.indirect.gather [hbm4b:s5+s21], $0x80, s7, s21, $0xb8;
	[tilespmem:$0x1E800] =	vst v63  }
0x51: {  	_ =	swait.ge [sflag:s25], $0x3E80  }
0x52: {  	[sflag:s25] =	ssyncset.done $0x0  }
0x53: {  	s31 =	simm.s32 $0x1480;
	[sflag:s25] =	ssyncadd.s32 $0xFFFFC180  }
0x54: {  	[spmem:s3] =	stream.indirect.scatter.add.f32 [tilespmem:s23], [sflag:$0x3], $0x80, s31, s21, $0xb8;
	[tilespmem:$0x1E800] =	vst v63  }
0x55: {  	_ =	swait.ge [sflag:s19], $0x3E80  }
0x56: {  	s30 =	simm.s32 $0x100;
	s0 =	simm.s32 $0x800;
	[sflag:s19] =	ssyncset.done $0x0  }
.LBB2_8:
0x57: {  	s2 =	sadd.s32 $0x80, s30  }
0x58: {  	[sflag:s19] =	ssyncadd.s32 $0xFFFFC180;
	s6 =	smov.u32 s0;
	s7 =	sadd.s32 $0x400, s0  }
0x59: {  	[tilespmem:s23], [sflag:$0x2] =	stream.indirect.gather [hbm4b:s5+s21], $0x80, s2, s21, $0xb8;
	[tilespmem:$0x1E800] =	vst v63  }
0x5a: {  	p1 =	sne.s32 s0, $0x4800;
	_ =	swait.ge [sflag:s24], $0x3E80  }
0x5b: {  	[sflag:s24] =	ssyncset.done $0x0  }
0x5c: {  	s0 =	sadd.s32 $0x1400, s30;
	[sflag:s24] =	ssyncadd.s32 $0xFFFFC180  }
0x5d: {  	[spmem:s3] =	stream.indirect.scatter.add.f32 [tilespmem:s22], [sflag:$0x3], $0x80, s0, s21, $0xb8;
	[tilespmem:$0x1E800] =	vst v63  }
0x5e: {  	_ =	swait.ge [sflag:s19], $0x3E80  }
0x5f: {  	[sflag:s19] =	ssyncset.done $0x0  }
0x60: {  	s0 =	sadd.s32 $0x100, s30;
	[sflag:s19] =	ssyncadd.s32 $0xFFFFC180  }
0x61: {  	[tilespmem:s22], [sflag:$0x1] =	stream.indirect.gather [hbm4b:s5+s21], $0x80, s0, s21, $0xb8;
	[tilespmem:$0x1E800] =	vst v63  }
0x62: {  	_ =	swait.ge [sflag:s25], $0x3E80  }
.Ltmp3:
0x63: {  	[sflag:s25] =	ssyncset.done $0x0;
	(pc) =	sbr.rel @p1 .LBB2_8-.Ltmp3, $4  }
0x64: {  	s0 =	sadd.s32 $0x1480, s30;
	[sflag:s25] =	ssyncadd.s32 $0xFFFFC180  }
0x65: {  	[spmem:s3] =	stream.indirect.scatter.add.f32 [tilespmem:s23], [sflag:$0x3], $0x80, s0, s21, $0xb8;
	[tilespmem:$0x1E800] =	vst v63  }
0x66: {  	_ =	swait.ge [sflag:s19], $0x3E80  }
0x67: {  	s30 =	sshra.s32 s6, $0x2;
	s0 =	smov.u32 s7;
	[sflag:s19] =	ssyncset.done $0x0  }
0x68: {  	s0 =	sadd.s32 $0x80, s30;
	[sflag:s19] =	ssyncadd.s32 $0xFFFFC180  }
0x69: {  	[tilespmem:s23], [sflag:$0x2] =	stream.indirect.gather [hbm4b:s5+s21], $0x80, s0, s21, $0xb8;
	[tilespmem:$0x1E800] =	vst v63  }
0x6a: {  	_ =	swait.ge [sflag:s24], $0x3E80  }
0x6b: {  	[sflag:s24] =	ssyncset.done $0x0  }
0x6c: {  	s2 =	sadd.s32 $0x1400, s30;
	[sflag:s24] =	ssyncadd.s32 $0xFFFFC180  }
0x6d: {  	[spmem:s3] =	stream.indirect.scatter.add.f32 [tilespmem:s22], [sflag:$0x3], $0x80, s2, s21, $0xb8;
	[tilespmem:$0x1E800] =	vst v63  }
0x6e: {  	_ =	swait.ge [sflag:s19], $0x3E80  }
0x6f: {  	[sflag:s19] =	ssyncset.done $0x0  }
0x70: {  	s6 =	sadd.s32 $0x100, s30;
	[sflag:s19] =	ssyncadd.s32 $0xFFFFC180  }
0x71: {  	[tilespmem:s22], [sflag:$0x1] =	stream.indirect.gather [hbm4b:s5+s21], $0x80, s6, s21, $0xb8;
	[tilespmem:$0x1E800] =	vst v63  }
0x72: {  	_ =	swait.ge [sflag:s25], $0x3E80  }
0x73: {  	[sflag:s25] =	ssyncset.done $0x0  }
0x74: {  	s7 =	sadd.s32 $0x1480, s30;
	[sflag:s25] =	ssyncadd.s32 $0xFFFFC180  }
0x75: {  	[spmem:s3] =	stream.indirect.scatter.add.f32 [tilespmem:s23], [sflag:$0x3], $0x80, s7, s21, $0xb8;
	[tilespmem:$0x1E800] =	vst v63  }
0x76: {  	_ =	swait.ge [sflag:s19], $0x3E80  }
0x77: {  	[sflag:s19] =	ssyncset.done $0x0  }
0x78: {  	[sflag:s19] =	ssyncadd.s32 $0xFFFFC180  }
0x79: {  	[tilespmem:s23], [sflag:$0x2] =	stream.indirect.gather [hbm4b:s5+s21], $0x80, s26, s21, $0xb8;
	[tilespmem:$0x1E800] =	vst v63  }
0x7a: {  	_ =	swait.ge [sflag:s24], $0x3E80  }
0x7b: {  	[sflag:s24] =	ssyncset.done $0x0  }
0x7c: {  	[sflag:s24] =	ssyncadd.s32 $0xFFFFC180  }
0x7d: {  	[spmem:s3] =	stream.indirect.scatter.add.f32 [tilespmem:s22], [sflag:$0x3], $0x80, s28, s21, $0xb8;
	[tilespmem:$0x1E800] =	vst v63  }
0x7e: {  	_ =	swait.ge [sflag:s19], $0x3E80  }
0x7f: {  	[sflag:s19] =	ssyncset.done $0x0  }
0x80: {  	[sflag:s19] =	ssyncadd.s32 $0xFFFFC180  }
0x81: {  	_ =	swait.ge [sflag:s25], $0x3E80  }
0x82: {  	[sflag:s25] =	ssyncset.done $0x0  }
0x83: {  	[sflag:s25] =	ssyncadd.s32 $0xFFFFC180  }
0x84: {  	[spmem:s3] =	stream.indirect.scatter.add.f32 [tilespmem:s23], [sflag:$0x3], $0x80, s29, s21, $0xb8;
	[tilespmem:$0x1E800] =	vst v63  }
0x85: {  	_ =	swait.ge [sflag:s19], $0x3E80  }
0x86: {  	[sflag:s19] =	ssyncset.done $0x0  }
0x87: {  	s31 =	simm.s32 $0x0;
	[sflag:s19] =	ssyncadd.s32 $0xFFFFC180  }
0x88: {  	[tilespmem:s31], [sflag:$0x3] =	stream.linear.gather [hbm4b:s12+s31], $0x1400, $0x38;
	[tilespmem:$0x1E800] =	vst v63  }
0x89: {  	_ =	swait.ge [sflag:s19], $0x1400  }
0x8a: {  	[sflag:s19] =	ssyncset.done $0x0  }
0x8b: {  	[sflag:s19] =	ssyncadd.s32 $0xFFFFEC00  }
0x8c: {  	[tilespmem:s20], [sflag:$0x3] =	stream.linear.gather [hbm4b:s13+s31], $0x1400, $0x38;
	[tilespmem:$0x1E800] =	vst v63  }
0x8d: {  	_ =	swait.ge [sflag:s19], $0x1400  }
0x8e: {  	[sflag:s19] =	ssyncset.done $0x0  }
0x8f: {  	[sflag:s19] =	ssyncadd.s32 $0xFFFFEC00  }
0x90: {  	[tilespmem:s22], [sflag:$0x1] =	stream.indirect.gather [hbm4b:s5+s21], $0x80, s31, s21, $0xb8;
	[tilespmem:$0x1E800] =	vst v63  }
0x91: {  	s2 =	simm.s32 $0x80  }
0x92: {  	[tilespmem:s23], [sflag:$0x2] =	stream.indirect.gather [hbm4b:s5+s21], $0x80, s2, s21, $0xb8;
	[tilespmem:$0x1E800] =	vst v63  }
0x93: {  	_ =	swait.ge [sflag:s24], $0x3E80  }
0x94: {  	[sflag:s24] =	ssyncset.done $0x0  }
0x95: {  	s6 =	simm.s32 $0x1400;
	[sflag:s24] =	ssyncadd.s32 $0xFFFFC180  }
0x96: {  	[spmem:s3] =	stream.indirect.scatter.add.f32 [tilespmem:s22], [sflag:$0x3], $0x80, s6, s21, $0xb8;
	[tilespmem:$0x1E800] =	vst v63  }
0x97: {  	_ =	swait.ge [sflag:s19], $0x3E80  }
0x98: {  	[sflag:s19] =	ssyncset.done $0x0  }
0x99: {  	s7 =	simm.s32 $0x100;
	[sflag:s19] =	ssyncadd.s32 $0xFFFFC180  }
0x9a: {  	[tilespmem:s22], [sflag:$0x1] =	stream.indirect.gather [hbm4b:s5+s21], $0x80, s7, s21, $0xb8;
	[tilespmem:$0x1E800] =	vst v63  }
0x9b: {  	_ =	swait.ge [sflag:s25], $0x3E80  }
0x9c: {  	[sflag:s25] =	ssyncset.done $0x0  }
0x9d: {  	s31 =	simm.s32 $0x1480;
	[sflag:s25] =	ssyncadd.s32 $0xFFFFC180  }
0x9e: {  	[spmem:s3] =	stream.indirect.scatter.add.f32 [tilespmem:s23], [sflag:$0x3], $0x80, s31, s21, $0xb8;
	[tilespmem:$0x1E800] =	vst v63  }
0x9f: {  	_ =	swait.ge [sflag:s19], $0x3E80  }
0xa0: {  	s30 =	simm.s32 $0x100;
	s0 =	simm.s32 $0x800;
	[sflag:s19] =	ssyncset.done $0x0  }
.LBB2_10:
0xa1: {  	s2 =	sadd.s32 $0x80, s30  }
0xa2: {  	[sflag:s19] =	ssyncadd.s32 $0xFFFFC180;
	s6 =	smov.u32 s0;
	s7 =	sadd.s32 $0x400, s0  }
0xa3: {  	[tilespmem:s23], [sflag:$0x2] =	stream.indirect.gather [hbm4b:s5+s21], $0x80, s2, s21, $0xb8;
	[tilespmem:$0x1E800] =	vst v63  }
0xa4: {  	p1 =	sne.s32 s0, $0x4800;
	_ =	swait.ge [sflag:s24], $0x3E80  }
0xa5: {  	[sflag:s24] =	ssyncset.done $0x0  }
0xa6: {  	s0 =	sadd.s32 $0x1400, s30;
	[sflag:s24] =	ssyncadd.s32 $0xFFFFC180  }
0xa7: {  	[spmem:s3] =	stream.indirect.scatter.add.f32 [tilespmem:s22], [sflag:$0x3], $0x80, s0, s21, $0xb8;
	[tilespmem:$0x1E800] =	vst v63  }
0xa8: {  	_ =	swait.ge [sflag:s19], $0x3E80  }
0xa9: {  	[sflag:s19] =	ssyncset.done $0x0  }
0xaa: {  	s0 =	sadd.s32 $0x100, s30;
	[sflag:s19] =	ssyncadd.s32 $0xFFFFC180  }
0xab: {  	[tilespmem:s22], [sflag:$0x1] =	stream.indirect.gather [hbm4b:s5+s21], $0x80, s0, s21, $0xb8;
	[tilespmem:$0x1E800] =	vst v63  }
0xac: {  	_ =	swait.ge [sflag:s25], $0x3E80  }
.Ltmp4:
0xad: {  	[sflag:s25] =	ssyncset.done $0x0;
	(pc) =	sbr.rel @p1 .LBB2_10-.Ltmp4, $4  }
0xae: {  	s0 =	sadd.s32 $0x1480, s30;
	[sflag:s25] =	ssyncadd.s32 $0xFFFFC180  }
0xaf: {  	[spmem:s3] =	stream.indirect.scatter.add.f32 [tilespmem:s23], [sflag:$0x3], $0x80, s0, s21, $0xb8;
	[tilespmem:$0x1E800] =	vst v63  }
0xb0: {  	_ =	swait.ge [sflag:s19], $0x3E80  }
0xb1: {  	s30 =	sshra.s32 s6, $0x2;
	s0 =	smov.u32 s7;
	[sflag:s19] =	ssyncset.done $0x0  }
.Ltmp5:
0xb2: {  	_ = 	snop;
	(pc) =	sbr.rel .LBB2_11-.Ltmp5, $1  }
0xb3: {  	_ =	sdelay $0x3  }
.LBB2_2:
0xb4: {  	s30 =	sor.u32 $0x1C03, s16  }
0xb5: {  	[spmem:s18], [sflag:s30] =	dma.local [hbm:s9], $0x2800  }
0xb6: {  	_ =	swait.ge [sflag:s19], $0x2800  }
0xb7: {  	[sflag:s19] =	ssyncset.done $0x0  }
0xb8: {  	[sflag:s19] =	ssyncadd.s32 $0xFFFFD800  }
0xb9: {  	s0 =	simm.s32 $0x0;
	[bflag:$0x0] =	sbarrier.arrive $0xFFFF  }
0xba: {  	[tilespmem:s0], [sflag:$0x3] =	stream.linear.gather [hbm4b:s10+s0], $0x1400, $0x38;
	[tilespmem:$0x1E800] =	vst v63  }
0xbb: {  	_ =	swait.ge [sflag:s19], $0x1400  }
0xbc: {  	[sflag:s19] =	ssyncset.done $0x0  }
0xbd: {  	[sflag:s19] =	ssyncadd.s32 $0xFFFFEC00  }
0xbe: {  	[tilespmem:s20], [sflag:$0x3] =	stream.linear.gather [hbm4b:s11+s0], $0x1400, $0x38;
	[tilespmem:$0x1E800] =	vst v63  }
0xbf: {  	_ =	swait.ge [sflag:s19], $0x1400  }
0xc0: {  	[sflag:s19] =	ssyncset.done $0x0  }
0xc1: {  	[sflag:s19] =	ssyncadd.s32 $0xFFFFEC00  }
0xc2: {  	[tilespmem:s22], [sflag:$0x1] =	stream.indirect.gather [hbm4b:s1+s21], $0x80, s0, s21, $0xb8;
	[tilespmem:$0x1E800] =	vst v63  }
0xc3: {  	s7 =	simm.s32 $0x80  }
0xc4: {  	[tilespmem:s23], [sflag:$0x2] =	stream.indirect.gather [hbm4b:s1+s21], $0x80, s7, s21, $0xb8;
	[tilespmem:$0x1E800] =	vst v63  }
0xc5: {  	_ =	swait.ge [sflag:s24], $0x3E80  }
0xc6: {  	[sflag:s24] =	ssyncset.done $0x0  }
0xc7: {  	s2 =	simm.s32 $0x1400;
	[sflag:s24] =	ssyncadd.s32 $0xFFFFC180  }
0xc8: {  	[spmem:s3] =	stream.indirect.scatter.add.f32 [tilespmem:s22], [sflag:$0x3], $0x80, s2, s21, $0xb8;
	[tilespmem:$0x1E800] =	vst v63  }
0xc9: {  	_ =	swait.ge [sflag:s19], $0x3E80  }
0xca: {  	[sflag:s19] =	ssyncset.done $0x0  }
0xcb: {  	s6 =	simm.s32 $0x100;
	[sflag:s19] =	ssyncadd.s32 $0xFFFFC180  }
0xcc: {  	[tilespmem:s22], [sflag:$0x1] =	stream.indirect.gather [hbm4b:s1+s21], $0x80, s6, s21, $0xb8;
	[tilespmem:$0x1E800] =	vst v63  }
0xcd: {  	_ =	swait.ge [sflag:s25], $0x3E80  }
0xce: {  	[sflag:s25] =	ssyncset.done $0x0  }
0xcf: {  	s7 =	simm.s32 $0x1480;
	[sflag:s25] =	ssyncadd.s32 $0xFFFFC180  }
0xd0: {  	[spmem:s3] =	stream.indirect.scatter.add.f32 [tilespmem:s23], [sflag:$0x3], $0x80, s7, s21, $0xb8;
	[tilespmem:$0x1E800] =	vst v63  }
0xd1: {  	_ =	swait.ge [sflag:s19], $0x3E80  }
0xd2: {  	s31 =	simm.s32 $0x100;
	s0 =	simm.s32 $0x800;
	[sflag:s19] =	ssyncset.done $0x0  }
.LBB2_3:
0xd3: {  	s2 =	sadd.s32 $0x80, s31  }
0xd4: {  	[sflag:s19] =	ssyncadd.s32 $0xFFFFC180;
	s6 =	smov.u32 s0;
	s7 =	sadd.s32 $0x400, s0  }
0xd5: {  	[tilespmem:s23], [sflag:$0x2] =	stream.indirect.gather [hbm4b:s1+s21], $0x80, s2, s21, $0xb8;
	[tilespmem:$0x1E800] =	vst v63  }
0xd6: {  	p1 =	sne.s32 s0, $0x4800;
	_ =	swait.ge [sflag:s24], $0x3E80  }
0xd7: {  	[sflag:s24] =	ssyncset.done $0x0  }
0xd8: {  	s0 =	sadd.s32 $0x1400, s31;
	[sflag:s24] =	ssyncadd.s32 $0xFFFFC180  }
0xd9: {  	[spmem:s3] =	stream.indirect.scatter.add.f32 [tilespmem:s22], [sflag:$0x3], $0x80, s0, s21, $0xb8;
	[tilespmem:$0x1E800] =	vst v63  }
0xda: {  	_ =	swait.ge [sflag:s19], $0x3E80  }
0xdb: {  	[sflag:s19] =	ssyncset.done $0x0  }
0xdc: {  	s0 =	sadd.s32 $0x100, s31;
	[sflag:s19] =	ssyncadd.s32 $0xFFFFC180  }
0xdd: {  	[tilespmem:s22], [sflag:$0x1] =	stream.indirect.gather [hbm4b:s1+s21], $0x80, s0, s21, $0xb8;
	[tilespmem:$0x1E800] =	vst v63  }
0xde: {  	_ =	swait.ge [sflag:s25], $0x3E80  }
.Ltmp6:
0xdf: {  	[sflag:s25] =	ssyncset.done $0x0;
	(pc) =	sbr.rel @p1 .LBB2_3-.Ltmp6, $4  }
0xe0: {  	s0 =	sadd.s32 $0x1480, s31;
	[sflag:s25] =	ssyncadd.s32 $0xFFFFC180  }
0xe1: {  	[spmem:s3] =	stream.indirect.scatter.add.f32 [tilespmem:s23], [sflag:$0x3], $0x80, s0, s21, $0xb8;
	[tilespmem:$0x1E800] =	vst v63  }
0xe2: {  	_ =	swait.ge [sflag:s19], $0x3E80  }
0xe3: {  	s31 =	sshra.s32 s6, $0x2;
	s0 =	smov.u32 s7;
	[sflag:s19] =	ssyncset.done $0x0  }
0xe4: {  	s0 =	sadd.s32 $0x80, s31;
	[sflag:s19] =	ssyncadd.s32 $0xFFFFC180  }
0xe5: {  	[tilespmem:s23], [sflag:$0x2] =	stream.indirect.gather [hbm4b:s1+s21], $0x80, s0, s21, $0xb8;
	[tilespmem:$0x1E800] =	vst v63  }
0xe6: {  	_ =	swait.ge [sflag:s24], $0x3E80  }
0xe7: {  	[sflag:s24] =	ssyncset.done $0x0  }
0xe8: {  	s6 =	sadd.s32 $0x1400, s31;
	[sflag:s24] =	ssyncadd.s32 $0xFFFFC180  }
0xe9: {  	[spmem:s3] =	stream.indirect.scatter.add.f32 [tilespmem:s22], [sflag:$0x3], $0x80, s6, s21, $0xb8;
	[tilespmem:$0x1E800] =	vst v63  }
0xea: {  	_ =	swait.ge [sflag:s19], $0x3E80  }
0xeb: {  	[sflag:s19] =	ssyncset.done $0x0  }
0xec: {  	s7 =	sadd.s32 $0x100, s31;
	[sflag:s19] =	ssyncadd.s32 $0xFFFFC180  }
0xed: {  	[tilespmem:s22], [sflag:$0x1] =	stream.indirect.gather [hbm4b:s1+s21], $0x80, s7, s21, $0xb8;
	[tilespmem:$0x1E800] =	vst v63  }
0xee: {  	_ =	swait.ge [sflag:s25], $0x3E80  }
0xef: {  	[sflag:s25] =	ssyncset.done $0x0  }
0xf0: {  	s2 =	sadd.s32 $0x1480, s31;
	[sflag:s25] =	ssyncadd.s32 $0xFFFFC180  }
0xf1: {  	[spmem:s3] =	stream.indirect.scatter.add.f32 [tilespmem:s23], [sflag:$0x3], $0x80, s2, s21, $0xb8;
	[tilespmem:$0x1E800] =	vst v63  }
0xf2: {  	_ =	swait.ge [sflag:s19], $0x3E80  }
0xf3: {  	[sflag:s19] =	ssyncset.done $0x0  }
0xf4: {  	[sflag:s19] =	ssyncadd.s32 $0xFFFFC180  }
0xf5: {  	[tilespmem:s23], [sflag:$0x2] =	stream.indirect.gather [hbm4b:s1+s21], $0x80, s26, s21, $0xb8;
	[tilespmem:$0x1E800] =	vst v63  }
0xf6: {  	_ =	swait.ge [sflag:s24], $0x3E80  }
0xf7: {  	[sflag:s24] =	ssyncset.done $0x0  }
0xf8: {  	[sflag:s24] =	ssyncadd.s32 $0xFFFFC180  }
0xf9: {  	[spmem:s3] =	stream.indirect.scatter.add.f32 [tilespmem:s22], [sflag:$0x3], $0x80, s28, s21, $0xb8;
	[tilespmem:$0x1E800] =	vst v63  }
0xfa: {  	_ =	swait.ge [sflag:s19], $0x3E80  }
0xfb: {  	[sflag:s19] =	ssyncset.done $0x0  }
0xfc: {  	[sflag:s19] =	ssyncadd.s32 $0xFFFFC180  }
0xfd: {  	_ =	swait.ge [sflag:s25], $0x3E80  }
0xfe: {  	[sflag:s25] =	ssyncset.done $0x0  }
0xff: {  	[sflag:s25] =	ssyncadd.s32 $0xFFFFC180  }
0x100: {  	[spmem:s3] =	stream.indirect.scatter.add.f32 [tilespmem:s23], [sflag:$0x3], $0x80, s29, s21, $0xb8;
	[tilespmem:$0x1E800] =	vst v63  }
0x101: {  	_ =	swait.ge [sflag:s19], $0x3E80  }
0x102: {  	[sflag:s19] =	ssyncset.done $0x0  }
0x103: {  	s6 =	simm.s32 $0x0;
	[sflag:s19] =	ssyncadd.s32 $0xFFFFC180  }
0x104: {  	[tilespmem:s6], [sflag:$0x3] =	stream.linear.gather [hbm4b:s12+s6], $0x1400, $0x38;
	[tilespmem:$0x1E800] =	vst v63  }
0x105: {  	_ =	swait.ge [sflag:s19], $0x1400  }
0x106: {  	[sflag:s19] =	ssyncset.done $0x0  }
0x107: {  	[sflag:s19] =	ssyncadd.s32 $0xFFFFEC00  }
0x108: {  	[tilespmem:s20], [sflag:$0x3] =	stream.linear.gather [hbm4b:s13+s6], $0x1400, $0x38;
	[tilespmem:$0x1E800] =	vst v63  }
0x109: {  	_ =	swait.ge [sflag:s19], $0x1400  }
0x10a: {  	[sflag:s19] =	ssyncset.done $0x0  }
0x10b: {  	[sflag:s19] =	ssyncadd.s32 $0xFFFFEC00  }
0x10c: {  	[tilespmem:s22], [sflag:$0x1] =	stream.indirect.gather [hbm4b:s1+s21], $0x80, s6, s21, $0xb8;
	[tilespmem:$0x1E800] =	vst v63  }
0x10d: {  	s7 =	simm.s32 $0x80  }
0x10e: {  	[tilespmem:s23], [sflag:$0x2] =	stream.indirect.gather [hbm4b:s1+s21], $0x80, s7, s21, $0xb8;
	[tilespmem:$0x1E800] =	vst v63  }
0x10f: {  	_ =	swait.ge [sflag:s24], $0x3E80  }
0x110: {  	[sflag:s24] =	ssyncset.done $0x0  }
0x111: {  	s2 =	simm.s32 $0x1400;
	[sflag:s24] =	ssyncadd.s32 $0xFFFFC180  }
0x112: {  	[spmem:s3] =	stream.indirect.scatter.add.f32 [tilespmem:s22], [sflag:$0x3], $0x80, s2, s21, $0xb8;
	[tilespmem:$0x1E800] =	vst v63  }
0x113: {  	_ =	swait.ge [sflag:s19], $0x3E80  }
0x114: {  	[sflag:s19] =	ssyncset.done $0x0  }
0x115: {  	s6 =	simm.s32 $0x100;
	[sflag:s19] =	ssyncadd.s32 $0xFFFFC180  }
0x116: {  	[tilespmem:s22], [sflag:$0x1] =	stream.indirect.gather [hbm4b:s1+s21], $0x80, s6, s21, $0xb8;
	[tilespmem:$0x1E800] =	vst v63  }
0x117: {  	_ =	swait.ge [sflag:s25], $0x3E80  }
0x118: {  	[sflag:s25] =	ssyncset.done $0x0  }
0x119: {  	s7 =	simm.s32 $0x1480;
	[sflag:s25] =	ssyncadd.s32 $0xFFFFC180  }
0x11a: {  	[spmem:s3] =	stream.indirect.scatter.add.f32 [tilespmem:s23], [sflag:$0x3], $0x80, s7, s21, $0xb8;
	[tilespmem:$0x1E800] =	vst v63  }
0x11b: {  	_ =	swait.ge [sflag:s19], $0x3E80  }
0x11c: {  	s31 =	simm.s32 $0x100;
	s0 =	simm.s32 $0x800;
	[sflag:s19] =	ssyncset.done $0x0  }
.LBB2_5:
0x11d: {  	s2 =	sadd.s32 $0x80, s31  }
0x11e: {  	[sflag:s19] =	ssyncadd.s32 $0xFFFFC180;
	s6 =	smov.u32 s0;
	s7 =	sadd.s32 $0x400, s0  }
0x11f: {  	[tilespmem:s23], [sflag:$0x2] =	stream.indirect.gather [hbm4b:s1+s21], $0x80, s2, s21, $0xb8;
	[tilespmem:$0x1E800] =	vst v63  }
0x120: {  	p1 =	sne.s32 s0, $0x4800;
	_ =	swait.ge [sflag:s24], $0x3E80  }
0x121: {  	[sflag:s24] =	ssyncset.done $0x0  }
0x122: {  	s0 =	sadd.s32 $0x1400, s31;
	[sflag:s24] =	ssyncadd.s32 $0xFFFFC180  }
0x123: {  	[spmem:s3] =	stream.indirect.scatter.add.f32 [tilespmem:s22], [sflag:$0x3], $0x80, s0, s21, $0xb8;
	[tilespmem:$0x1E800] =	vst v63  }
0x124: {  	_ =	swait.ge [sflag:s19], $0x3E80  }
0x125: {  	[sflag:s19] =	ssyncset.done $0x0  }
0x126: {  	s0 =	sadd.s32 $0x100, s31;
	[sflag:s19] =	ssyncadd.s32 $0xFFFFC180  }
0x127: {  	[tilespmem:s22], [sflag:$0x1] =	stream.indirect.gather [hbm4b:s1+s21], $0x80, s0, s21, $0xb8;
	[tilespmem:$0x1E800] =	vst v63  }
0x128: {  	_ =	swait.ge [sflag:s25], $0x3E80  }
.Ltmp7:
0x129: {  	[sflag:s25] =	ssyncset.done $0x0;
	(pc) =	sbr.rel @p1 .LBB2_5-.Ltmp7, $4  }
0x12a: {  	s0 =	sadd.s32 $0x1480, s31;
	[sflag:s25] =	ssyncadd.s32 $0xFFFFC180  }
0x12b: {  	[spmem:s3] =	stream.indirect.scatter.add.f32 [tilespmem:s23], [sflag:$0x3], $0x80, s0, s21, $0xb8;
	[tilespmem:$0x1E800] =	vst v63  }
0x12c: {  	_ =	swait.ge [sflag:s19], $0x3E80  }
0x12d: {  	s31 =	sshra.s32 s6, $0x2;
	s0 =	smov.u32 s7;
	[sflag:s19] =	ssyncset.done $0x0  }
0x12e: {  	s0 =	sadd.s32 $0x80, s31;
	[sflag:s19] =	ssyncadd.s32 $0xFFFFC180  }
0x12f: {  	[tilespmem:s23], [sflag:$0x2] =	stream.indirect.gather [hbm4b:s1+s21], $0x80, s0, s21, $0xb8;
	[tilespmem:$0x1E800] =	vst v63  }
0x130: {  	_ =	swait.ge [sflag:s24], $0x3E80  }
0x131: {  	[sflag:s24] =	ssyncset.done $0x0  }
0x132: {  	s2 =	sadd.s32 $0x1400, s31;
	[sflag:s24] =	ssyncadd.s32 $0xFFFFC180  }
0x133: {  	[spmem:s3] =	stream.indirect.scatter.add.f32 [tilespmem:s22], [sflag:$0x3], $0x80, s2, s21, $0xb8;
	[tilespmem:$0x1E800] =	vst v63  }
0x134: {  	_ =	swait.ge [sflag:s19], $0x3E80  }
0x135: {  	[sflag:s19] =	ssyncset.done $0x0  }
0x136: {  	s6 =	sadd.s32 $0x100, s31;
	[sflag:s19] =	ssyncadd.s32 $0xFFFFC180  }
0x137: {  	[tilespmem:s22], [sflag:$0x1] =	stream.indirect.gather [hbm4b:s1+s21], $0x80, s6, s21, $0xb8;
	[tilespmem:$0x1E800] =	vst v63  }
0x138: {  	_ =	swait.ge [sflag:s25], $0x3E80  }
0x139: {  	[sflag:s25] =	ssyncset.done $0x0  }
0x13a: {  	s7 =	sadd.s32 $0x1480, s31;
	[sflag:s25] =	ssyncadd.s32 $0xFFFFC180  }
0x13b: {  	[spmem:s3] =	stream.indirect.scatter.add.f32 [tilespmem:s23], [sflag:$0x3], $0x80, s7, s21, $0xb8;
	[tilespmem:$0x1E800] =	vst v63  }
.Ltmp8:
0x13c: {  	_ = 	snop;
	(pc) =	sbr.rel .LBB2_12-.Ltmp8, $4  }
0x13d: {  	_ =	swait.ge [sflag:s19], $0x3E80  }
0x13e: {  	[sflag:s19] =	ssyncset.done $0x0  }
0x13f: {  	s31 =	rddreg [dreg:$0x4];
	[sflag:s19] =	ssyncadd.s32 $0xFFFFC180  }
0x140: {  	[tilespmem:s23], [sflag:$0x2] =	stream.indirect.gather [hbm4b:s1+s21], $0x80, s26, s21, $0xb8;
	[tilespmem:$0x1E800] =	vst v63  }
.LBB2_13:
0x141: {  	_ =	sfence.sel $0x180000  }
0x142: {  	[bflag:$0x0] =	sbarrier.arrive $0xFFFF  }
0x143: {  	_ =	strace $0x9000004D  }
0x144: {  	s0 =	stileid.u32;
	[bflag:$0x2] =	sbarrier.arrive $0xFFFF  }
0x145: {  	p0 =	sne.s32 s0, $0x0;
	s0 =	rddreg [dreg:$0x3]  }
0x146: {  	s0 =	sadd.s32 @!p0 $0x100000, s0  }
0x147: {  	[sflag:s0] =	ssyncadd.tile.s32 @!p0 $0x1;
	_ =	shalt  }
.Lfunc_end2:
_tile_overlayer_lowered:
.L_overlay_start_2:
0x148: {  	(tag) =	ssettag $0x2  }
0x149: {  	s0 =	rddreg [dreg:$0x0];
	s2 =	stileid.u32  }
0x14a: {  	s1 =	rddreg [dreg:$0x1];
	p0 =	sne.s32 s2, $0x0  }
0x14b: {  	s3 =	rddreg [dreg:$0x2];
	[bflag:$0x3] =	sbarrier.arrive $0xFFFF;
	s2 =	simm.s32 @!p0 $0x1C03  }
0x14c: {  	[timem:s3], [sflag:s2] =	dma.local @!p0 [hbm:s0], s1  }
0x14d: {  	s0 =	simm.s32 @!p0 $0x3  }
0x14e: {  	_ =	swait.ge @!p0 [sflag:s0], s1  }
0x14f: {  	s1 =	ssub.s32 @!p0 $0x0, s1;
	[sflag:s0] =	ssyncset.done @!p0 $0x0  }
0x150: {  	[sflag:s0] =	ssyncadd.s32 @!p0 s1  }
0x151: {  	[bflag:$0x3] =	sbarrier.arrive $0xFFFF  }
0x152: {  	_ =	shalt  }

// kernel: kernel.8.cloned.1.call-start
scs
__scs_entry_jumppad:
0x0: {  	(pc) =	sbr.rel $0x88, $3  }
0x1: {  	(tag) =	ssettag $0x0;
	lr =	simm.s32 $0x1  }
0x2: {  	[smem:$0x3F9B] =	sst lr;
	_ =	strace $0xD0000000  }
0x3: {  	_ = 	snop  }
0x4: {  	_ = 	snop  }
0x5: {  	_ = 	snop  }
0x6: {  	_ = 	snop  }
0x7: {  	_ = 	snop  }
__scs_overlays_trampoline_lowered:
0x8: {  	[smem:$0x3FAA] =	sst s0  }
0x9: {  	[smem:$0x3FAB] =	sst s1  }
0xa: {  	[smem:$0x3FAC] =	sst s2  }
0xb: {  	[smem:$0x3FAD] =	sst s3  }
0xc: {  	[smem:$0x3FAE] =	sst s4  }
0xd: {  	[smem:$0x3FAF] =	sst s5  }
0xe: {  	[smem:$0x3FB0] =	sst s6  }
0xf: {  	[smem:$0x3FB1] =	sst s7  }
0x10: {  	[smem:$0x3FB2] =	sst s8  }
0x11: {  	[smem:$0x3FB3] =	sst s9;
	s0 =	simm.s32 @!p0 $0x0  }
0x12: {  	s1 =	sld [smem:$0x3F99];
	s0 =	simm.s32 @p0 $0x1  }
0x13: {  	[smem:$0x3FB4] =	sst s0;
	s0 =	simm.s32 @!p1 $0x0  }
0x14: {  	s2 =	sld [smem:$0x3F98];
	s0 =	simm.s32 @p1 $0x1  }
0x15: {  	[smem:$0x3FB5] =	sst s0;
	s0 =	simm.s32 @!p2 $0x0  }
0x16: {  	s3 =	sld [smem:$0x3FDB];
	s0 =	simm.s32 @p2 $0x1  }
0x17: {  	s4 =	simm.s32 $0x1BF5;
	[smem:$0x3FB7] =	sst s0  }
0x18: {  	s0 =	sld [smem:$0x3F9A];
	_ =	swait.ge [sflag:s4], $0x0  }
0x19: {  	s7 =	sld [smem:$0x3F9B]  }
0x1a: {  	s8 =	sadd.s32 $0xFFFFE003, lr  }
0x1b: {  	s9 =	sadd.s32 $0xFFFFFEF7, lr;
	s5 =	simm.s32 $0xFFFFFFFF;
	p2 =	slt.u32 s8, $0xFFFFF086  }
0x1c: {  	p1 =	slt.u32 s9, $0xF7A;
	s5 =	simm.s32 @!p2 $0x0  }
0x1d: {  	s5 =	simm.s32 @p1 $0x1;
	p0 =	seq.s32 s7, s2  }
0x1e: {  	s7 =	smul.u32 @!p0 $0xF7A, s2;
	p2 =	seq.s32 @!p0 s5, $0x0  }
0x1f: {  	s9 =	smul.u32 $0xF7A, s1;
	s8 =	simm.s32 @!p0 $0x1BF5;
	p2 =	por !p2, p0  }
0x20: {  	[sflag:s8] =	ssyncset.s32 @!p0 $0xFFFFF086;
	s6 =	sadd.s32 @!p0 s3, s7;
	s7 =	simm.s32 @!p0 $0x108  }
0x21: {  	s3 =	sadd.s32 s3, s9;
	s6 =	sadd.s32 @!p0 $0x88, s6;
	s7 =	simm.s32 @p2 $0x1082  }
0x22: {  	[simem:s7], [sflag:s8] =	dma.local @!p0 [hbm:s6], $0xF7A  }
0x23: {  	s9 =	sor.u32 $0xD0000000, s2;
	s6 =	simm.s32 $0x108;
	_ =	swait.ge @!p0 [sflag:s8], $0x0  }
0x24: {  	s3 =	sadd.s32 $0x88, s3;
	s6 =	simm.s32 @!p1 $0x1082;
	[sflag:s4] =	ssyncset.s32 $0xFFFFF086  }
0x25: {  	[simem:s6], [sflag:s4] =	dma.local [hbm:s3], $0xF7A  }
0x26: {  	[smem:$0x3F9B] =	sst s1;
	(tag) =	ssettag s2;
	_ =	strace s9  }
0x27: {  	s1 =	sld [smem:$0x3FAB]  }
0x28: {  	s2 =	sld [smem:$0x3FAC]  }
0x29: {  	s4 =	sld [smem:$0x3FAE]  }
0x2a: {  	p0 =	seq.s32 s5, $0x0;
	s5 =	sld [smem:$0x3FAF]  }
0x2b: {  	s6 =	sld [smem:$0x3FB0]  }
0x2c: {  	s7 =	sld [smem:$0x3FB1]  }
0x2d: {  	s3 =	simm.s32 $0x108;
	s8 =	sld [smem:$0x3FB2]  }
0x2e: {  	s3 =	simm.s32 @!p0 $0x1082;
	s9 =	sld [smem:$0x3FB3]  }
0x2f: {  	lr =	sadd.s32 s0, s3;
	s0 =	sld [smem:$0x3FAA]  }
0x30: {  	s3 =	sld [smem:$0x3FAD]  }
0x31: {  	[smem:$0x3FB6] =	sst s10  }
0x32: {  	s10 =	sld [smem:$0x3FB4];
	_ =	sdelay $0x3  }
0x33: {  	p0 =	seq.s32 s10, $0x1;
	s10 =	sld [smem:$0x3FB6];
	_ =	sdelay $0x3  }
0x34: {  	[smem:$0x3FB6] =	sst s10  }
0x35: {  	s10 =	sld [smem:$0x3FB5];
	_ =	sdelay $0x3  }
0x36: {  	p1 =	seq.s32 s10, $0x1;
	s10 =	sld [smem:$0x3FB6];
	_ =	sdelay $0x3  }
0x37: {  	[smem:$0x3FB6] =	sst s10  }
0x38: {  	s10 =	sld [smem:$0x3FB7]  }
0x39: {  	_ = 	snop;
	(pc) =	sbr.ind lr, $3  }
0x3a: {  	_ = 	snop  }
0x3b: {  	_ = 	snop  }
0x3c: {  	p2 =	seq.s32 s10, $0x1;
	s10 =	sld [smem:$0x3FB6]  }
0x3d: {  	_ =	shalt  }
0x3e: {  	_ =	shalt  }
0x3f: {  	_ =	shalt  }
0x40: {  	_ =	shalt  }
0x41: {  	_ =	shalt  }
0x42: {  	_ =	shalt  }
0x43: {  	_ =	shalt  }
0x44: {  	_ =	shalt  }
0x45: {  	_ =	shalt  }
0x46: {  	_ =	shalt  }
0x47: {  	_ =	shalt  }
0x48: {  	_ =	shalt  }
0x49: {  	_ =	shalt  }
0x4a: {  	_ =	shalt  }
0x4b: {  	_ =	shalt  }
0x4c: {  	_ =	shalt  }
0x4d: {  	_ =	shalt  }
0x4e: {  	_ =	shalt  }
0x4f: {  	_ =	shalt  }
0x50: {  	_ =	shalt  }
0x51: {  	_ =	shalt  }
0x52: {  	_ =	shalt  }
0x53: {  	_ =	shalt  }
0x54: {  	_ =	shalt  }
0x55: {  	_ =	shalt  }
0x56: {  	_ =	shalt  }
0x57: {  	_ =	shalt  }
0x58: {  	_ =	shalt  }
0x59: {  	_ =	shalt  }
0x5a: {  	_ =	shalt  }
0x5b: {  	_ =	shalt  }
0x5c: {  	_ =	shalt  }
0x5d: {  	_ =	shalt  }
0x5e: {  	_ =	shalt  }
0x5f: {  	_ =	shalt  }
0x60: {  	_ =	shalt  }
0x61: {  	_ =	shalt  }
0x62: {  	_ =	shalt  }
0x63: {  	_ =	shalt  }
0x64: {  	_ =	shalt  }
0x65: {  	_ =	shalt  }
0x66: {  	_ =	shalt  }
0x67: {  	_ =	shalt  }
0x68: {  	_ =	shalt  }
0x69: {  	_ =	shalt  }
0x6a: {  	_ =	shalt  }
0x6b: {  	_ =	shalt  }
0x6c: {  	_ =	shalt  }
0x6d: {  	_ =	shalt  }
0x6e: {  	_ =	shalt  }
0x6f: {  	_ =	shalt  }
0x70: {  	_ =	shalt  }
0x71: {  	_ =	shalt  }
0x72: {  	_ =	shalt  }
0x73: {  	_ =	shalt  }
0x74: {  	_ =	shalt  }
0x75: {  	_ =	shalt  }
0x76: {  	_ =	shalt  }
0x77: {  	_ =	shalt  }
0x78: {  	_ =	shalt  }
0x79: {  	_ =	shalt  }
0x7a: {  	_ =	shalt  }
0x7b: {  	_ =	shalt  }
0x7c: {  	_ =	shalt  }
0x7d: {  	_ =	shalt  }
0x7e: {  	_ =	shalt  }
0x7f: {  	_ =	shalt  }
0x80: {  	_ =	shalt  }
0x81: {  	_ =	shalt  }
0x82: {  	_ =	shalt  }
0x83: {  	_ =	shalt  }
0x84: {  	_ =	shalt  }
0x85: {  	_ =	shalt  }
0x86: {  	_ =	shalt  }
0x87: {  	_ =	shalt  }
.Lfunc_end0:
.L_simem_size_0:
called_computation_lowered:
.L_overlay_start_0:
0x88: {  	s2 =	sld [smem:$0x3FD9]  }
0x89: {  	s3 =	sld [smem:$0x3FFE];
	_ =	sdelay $0x1  }
0x8a: {  	s1 =	srdreg.scid  }
0x8b: {  	s0 =	sand.u32 $0x1, s1  }
0x8c: {  	s17 =	sshll.u32 s0, $0xA;
	s2 =	sadd.s32 s3, s2  }
0x8d: {  	s2 =	sadd.s32 s2, s17  }
0x8e: {  	[smem:$0x3FC2] =	sst s2  }
0x8f: {  	_ = 	snop  }
0x90: {  	s2 =	sld [smem:$0x3FD0];
	(tm) =	ssettm $0x1  }
0x91: {  	s18 =	sld [smem:$0x3FFB];
	_ =	sdelay $0x3  }
0x92: {  	_ =	strace s18  }
0x93: {  	s3 =	sld [smem:$0x3FFC];
	_ =	sdelay $0x3  }
0x94: {  	_ =	strace s3  }
0x95: {  	s3 =	sld [smem:$0x3FFD];
	_ =	sdelay $0x3  }
0x96: {  	_ =	strace s3  }
0x97: {  	_ =	strace $0x8FFFFFFF  }
0x98: {  	s19 =	sld [smem:$0x3FDB];
	_ =	sdelay $0x1  }
0x99: {  	s4 =	simm.s32 $_scs_section_size  }
0x9a: {  	s5 =	simm.s32 $_size__tile_overlayer_lowered;
	s6 =	simm.s32 $_tile_overlayer_lowered  }
0x9b: {  	s22 =	simm.s32 $0x1BFF;
	s21 =	sshll.u32 s6, $0x1;
	s3 =	sadd.s32 s4, s19  }
0x9c: {  	s7 =	simm.s32 $0x0;
	s20 =	sshll.u32 s5, $0x1;
	s5 =	sadd.s32 s21, s3  }
0x9d: {  	[timem:s7], [sflag:s22] =	dma.local [hbm:s5], s20  }
0x9e: {  	_ =	swait.ge [sflag:s22], s20  }
0x9f: {  	s4 =	ssub.s32 $0x0, s20;
	[sflag:s22] =	ssyncset.done $0x0  }
0xa0: {  	[sflag:s22] =	ssyncadd.s32 s4;
	_ =	sdelay $0x1  }
0xa1: {  	s23 =	simm.s32 $0x1B8B  }
0xa2: {  	_ =	swait.ge [sflag:s23], $0x1  }
0xa3: {  	[sflag:s23] =	ssyncset.done $0x0  }
0xa4: {  	s25 =	simm.s32 $0x1B8E;
	s24 =	sld [smem:$0x3FFE];
	[sflag:s23] =	ssyncadd.s32 $0xFFFFFFFF  }
0xa5: {  	s26 =	simm.s32 $execute0_lowered;
	[smem:$0x3FD2] =	sst s25  }
0xa6: {  	s5 =	sshll.u32 s26, $0x1;
	_ =	strace $0x80000046;
	[dreg:$0x1] =	wrdreg $0xFFFFFFFF  }
0xa7: {  	s28 =	simm.s32 $_size_execute0_lowered;
	s3 =	sadd.s32 s3, s5;
	[dreg:$0x0] =	wrdreg $0x0  }
0xa8: {  	s5 =	sshll.u32 s28, $0x1;
	[dreg:$0x2] =	wrdreg s3  }
0xa9: {  	[dreg:$0x3] =	wrdreg s5  }
0xaa: {  	[dreg:$0x4] =	wrdreg $0xC0  }
0xab: {  	_ =	task [dreg:s7], $0x5FFFF  }
0xac: {  	[dreg:$0x1] =	wrdreg $0xFFFFFFFF  }
0xad: {  	[dreg:$0x0] =	wrdreg $0x60  }
0xae: {  	[dreg:$0x2] =	wrdreg s24  }
0xaf: {  	[dreg:$0x3] =	wrdreg s2  }
0xb0: {  	[dreg:$0x4] =	wrdreg $0x54000  }
0xb1: {  	[dreg:$0x5] =	wrdreg $0x9  }
0xb2: {  	_ =	task.clear_ibuf [dreg:s7], $0x6FFFF;
	_ =	strace $0x90000046  }
0xb3: {  	s29 =	simm.s32 $0x9;
	_ =	strace $0x80000048  }
0xb4: {  	_ =	swait.ge [sflag:s29], $0x1  }
0xb5: {  	[sflag:s29] =	ssyncadd.s32 $0xFFFFFFFF  }
0xb6: {  	_ =	strace $0x90000048  }
0xb7: {  	_ =	sfence  }
0xb8: {  	s30 =	sld [smem:$0x0];
	_ =	sdelay $0x2  }
0xb9: {  	s31 =	sshll.u32 s1, $0xD;
	s1 =	sshrl.u32 s1, $0x2  }
0xba: {  	s3 =	sand.u32 $0x4000, s31;
	s1 =	sadd.s32 s1, s30  }
0xbb: {  	s0 =	sor.u32 s3, s0;
	s1 =	sshll.u32 s1, $0x11  }
0xbc: {  	s0 =	sor.u32 s1, s0  }
0xbd: {  	s0 =	sadd.s32 $0x8F2B, s0  }
0xbe: {  	[sflag:s0] =	ssyncadd.remote.s32 $0x1  }
0xbf: {  	_ =	sfence.sel $0xFFFF  }
0xc0: {  	[dreg:$0x0] =	wrdreg $0xFFFFFFFF;
	(pc) =	sbr.abs _section_cstart, $3  }
0xc1: {  	[dreg:$0x1] =	wrdreg $0xFFFFFFFF  }
0xc2: {  	_ =	task.clear_ibuf [dreg:s7], $0x2FFFF;
	_ =	strace $0x9FFFFFFF  }
0xc3: {  	(tm) =	ssettm $0x7FFFFFFF  }
tec
execute0_lowered:
.L_overlay_start_1:
0x0: {  	(tag) =	ssettag $0x1  }
0x1: {  	s7 =	rddreg [dreg:$0x0]  }
0x2: {  	s8 =	rddreg [dreg:$0x1]  }
0x3: {  	s2 =	rddreg [dreg:$0x2]  }
0x4: {  	s0 =	rddreg [dreg:$0x3];
	s3 =	simm.s32 $0x0  }
0x5: {  	s1 =	stileid.u32;
	s5 =	srdreg.scid;
	s16 =	simm.s32 $0x7D  }
0x6: {  	s17 =	simm.s32 $0x0;
	[smem:$0x7FF] =	sst s3;
	s4 =	smul.u32 $0x280, s1  }
0x7: {  	s9 =	sand.u32 $0x1, s5;
	s6 =	smul.u32 $0x50000, s1;
	s5 =	sadd.s32 $0xE200, s7  }
0x8: {  	s14 =	sshll.u32 s1, $0x6;
	_ =	strace $0x80000047;
	s11 =	ssub.s32 $0x2, s9  }
0x9: {  	p0 =	seq.s32 s9, $0x1;
	s14 =	sor.u32 $0x1C01, s14;
	s10 =	sadd.s32 s4, s7  }
.Ltmp0:
0xa: {  	s4 =	sadd.s32 $0xDA00, s7;
	s12 =	sshrl.u32 s11, $0x1;
	(pc) =	sbr.rel .LBB2_1-.Ltmp0, $4  }
0xb: {  	s13 =	sshrl.u32 s6, $0x2;
	s6 =	smul.u32 $0x2800, s1;
	s7 =	sadd.s32 $0x36200, s7  }
0xc: {  	s11 =	ssub.s32 s11, s12;
	s15 =	sadd.s32 s13, s2;
	s9 =	sadd.s32 $0x8A00, s10  }
0xd: {  	s10 =	sadd.s32 $0xB200, s10;
	s12 =	simm.s32 $0x1400;
	s13 =	simm.s32 $0x1  }
0xe: {  	s8 =	sadd.s32 s8, s6;
	s11 =	smax.u32 s11, $0x1;
	s15 =	sshrl.u32 s15, $0x3  }
.LBB2_7:
0xf: {  	[sflag:s13] =	ssyncadd.s32 $0xFFFFC180;
	s18 =	smov.u32 s7  }
.LBB2_8:
0x10: {  	s17 =	sadd.s32 $0x1, s17  }
0x11: {  	p1 =	sne.s32 s17, s11  }
.Ltmp1:
0x12: {  	s18 =	sadd.s32 s18, s6;
	[bflag:$0x0] =	sbarrier.arrive $0xFFFF;
	(pc) =	sbr.rel @!p1 .LBB2_9-.Ltmp1, $4  }
0x13: {  	[hbm:s18], [sflag:s14] =	dma.local [spmem:s15], $0x2800  }
0x14: {  	_ =	swait.ge [sflag:s13], $0x2800  }
0x15: {  	[sflag:s13] =	ssyncset.done $0x0  }
0x16: {  	[sflag:s13] =	ssyncadd.s32 $0xFFFFD800  }
.LBB2_1:
0x17: {  	[tilespmem:s12], [sflag:$0x1] =	stream.linear.gather [hbm4b:s4+s3], $0x3E80, $0x38;
	[tilespmem:$0x19400] =	vst v63  }
0x18: {  	_ =	swait.ge [sflag:s13], $0x3E80  }
0x19: {  	[sflag:s13] =	ssyncset.done $0x0  }
0x1a: {  	[sflag:s13] =	ssyncadd.s32 $0xFFFFC180  }
0x1b: {  	[spmem:s15], [sflag:s14] =	dma.local [hbm:s8], $0x2800  }
.Ltmp2:
0x1c: {  	_ =	swait.ge [sflag:s13], $0x2800;
	(pc) =	sbr.rel @!p0 .LBB2_2-.Ltmp2, $4  }
0x1d: {  	[sflag:s13] =	ssyncset.done $0x0  }
0x1e: {  	[sflag:s13] =	ssyncadd.s32 $0xFFFFD800  }
0x1f: {  	[bflag:$0x0] =	sbarrier.arrive $0xFFFF  }
0x20: {  	s18 =	simm.s32 $0x0  }
0x21: {  	[tilespmem:s18], [sflag:$0x1] =	stream.linear.gather [hbm4b:s10+s18], $0x1400, $0x38;
	[tilespmem:$0x19400] =	vst v63  }
0x22: {  	_ =	swait.ge [sflag:s13], $0x1400  }
0x23: {  	[sflag:s13] =	ssyncset.done $0x0  }
0x24: {  	s31 =	simm.s32 $0x0;
	[sflag:s13] =	ssyncadd.s32 $0xFFFFEC00  }
0x25: {  	[spmem:s2] =	stream.indirect.scatter.add.f32 [tilespmem:s12], [sflag:$0x1], $0x80, s31, s16, $0xb8;
	[tilespmem:$0x19400] =	vst v63  }
0x26: {  	_ =	swait.ge [sflag:s13], $0x3E80  }
0x27: {  	s18 =	simm.s32 $0x200;
	[sflag:s13] =	ssyncset.done $0x0  }
.LBB2_6:
0x28: {  	s19 =	sshra.s32 s18, $0x2;
	[sflag:s13] =	ssyncadd.s32 $0xFFFFC180;
	p1 =	sne.s32 s18, $0x4E00  }
0x29: {  	[spmem:s2] =	stream.indirect.scatter.add.f32 [tilespmem:s12], [sflag:$0x1], $0x80, s19, s16, $0xb8;
	[tilespmem:$0x19400] =	vst v63  }
.Ltmp3:
0x2a: {  	_ = 	snop;
	(pc) =	sbr.rel @p1 .LBB2_6-.Ltmp3, $4  }
0x2b: {  	_ = 	snop  }
0x2c: {  	s18 =	sadd.s32 $0x200, s18  }
0x2d: {  	_ =	swait.ge [sflag:s13], $0x3E80  }
0x2e: {  	[sflag:s13] =	ssyncset.done $0x0  }
.Ltmp4:
0x2f: {  	_ = 	snop;
	(pc) =	sbr.rel .LBB2_7-.Ltmp4, $1  }
0x30: {  	_ =	sdelay $0x3  }
.LBB2_2:
0x31: {  	[tilespmem:s18], [sflag:$0x1] =	stream.linear.gather [hbm4b:s9+s18], $0x1400, $0x38;
	[tilespmem:$0x19400] =	vst v63  }
0x32: {  	_ =	swait.ge [sflag:s13], $0x1400  }
0x33: {  	[sflag:s13] =	ssyncset.done $0x0  }
0x34: {  	s31 =	simm.s32 $0x0;
	[sflag:s13] =	ssyncadd.s32 $0xFFFFEC00  }
0x35: {  	[spmem:s2] =	stream.indirect.scatter.add.f32 [tilespmem:s12], [sflag:$0x1], $0x80, s31, s16, $0xb8;
	[tilespmem:$0x19400] =	vst v63  }
0x36: {  	_ =	swait.ge [sflag:s13], $0x3E80  }
0x37: {  	s18 =	simm.s32 $0x200;
	[sflag:s13] =	ssyncset.done $0x0  }
.LBB2_3:
0x38: {  	s19 =	sshra.s32 s18, $0x2;
	[sflag:s13] =	ssyncadd.s32 $0xFFFFC180;
	p1 =	seq.s32 s18, $0x4E00  }
0x39: {  	[spmem:s2] =	stream.indirect.scatter.add.f32 [tilespmem:s12], [sflag:$0x1], $0x80, s19, s16, $0xb8;
	[tilespmem:$0x19400] =	vst v63  }
.Ltmp5:
0x3a: {  	_ = 	snop;
	(pc) =	sbr.rel @!p1 .LBB2_3-.Ltmp5, $4  }
0x3b: {  	_ = 	snop  }
0x3c: {  	s18 =	sadd.s32 $0x200, s18  }
0x3d: {  	_ =	swait.ge [sflag:s13], $0x3E80  }
0x3e: {  	[sflag:s13] =	ssyncset.done $0x0  }
.Ltmp6:
0x3f: {  	(pc) =	sbr.rel .LBB2_8-.Ltmp6, $2  }
0x40: {  	_ =	sdelay $0x2  }
0x41: {  	[sflag:s13] =	ssyncadd.s32 $0xFFFFC180;
	s18 =	smov.u32 s5  }
.LBB2_9:
0x42: {  	_ =	sfence.sel $0x180000  }
0x43: {  	[bflag:$0x0] =	sbarrier.arrive $0xFFFF  }
0x44: {  	p0 =	sne.s32 s1, $0x0;
	_ =	strace $0x90000047  }
0x45: {  	s0 =	sadd.s32 @!p0 $0x100000, s0;
	[bflag:$0x2] =	sbarrier.arrive $0xFFFF  }
0x46: {  	[sflag:s0] =	ssyncadd.tile.s32 @!p0 $0x1;
	_ =	shalt  }
.Lfunc_end2:
_tile_overlayer_lowered:
.L_overlay_start_2:
0x47: {  	(tag) =	ssettag $0x2  }
0x48: {  	s0 =	rddreg [dreg:$0x0];
	s2 =	stileid.u32  }
0x49: {  	s1 =	rddreg [dreg:$0x1];
	p0 =	sne.s32 s2, $0x0  }
0x4a: {  	s3 =	rddreg [dreg:$0x2];
	[bflag:$0x3] =	sbarrier.arrive $0xFFFF;
	s2 =	simm.s32 @!p0 $0x1C01  }
0x4b: {  	[timem:s3], [sflag:s2] =	dma.local @!p0 [hbm:s0], s1  }
0x4c: {  	s0 =	simm.s32 @!p0 $0x1  }
0x4d: {  	_ =	swait.ge @!p0 [sflag:s0], s1  }
0x4e: {  	s1 =	ssub.s32 @!p0 $0x0, s1;
	[sflag:s0] =	ssyncset.done @!p0 $0x0  }
0x4f: {  	[sflag:s0] =	ssyncadd.s32 @!p0 s1  }
0x50: {  	[bflag:$0x3] =	sbarrier.arrive $0xFFFF  }
0x51: {  	_ =	shalt  }

</sc_bundles>
